<compile_context>
chip_gen: v7x
topology: tpu7x:2x2x1
jax: 0.10.2.dev20260603
libtpu: 0.0.44.dev20260713+nightly
codegen_flags: <defaults>
</compile_context>

<pallas_src>
import functools

import jax
import jax.numpy as jnp
from jax import lax
from jax.experimental import pallas as pl
from jax.experimental.pallas import tpu as pltpu
from jax.experimental.pallas import tpu_sc as plsc

N = 10000
E = 160000
D = 256
HD = D // 2
NS = 16
ROWS = N // NS
CHUNK = 4000
NCHUNKS = E // CHUNK
NPAIRS = NCHUNKS // 2
GB = 64
CAP = 4096



def _mm1_body(x_ref, w_ref, b_ref, o0_ref, o1_ref):
    acc = lax.dot_general(x_ref[...], w_ref[...], (((1,), (1,)), ((), ())),
                          preferred_element_type=jnp.float32)
    acc = jnp.maximum(acc + b_ref[...], 0.0).astype(jnp.bfloat16)
    o0_ref[...] = acc[:, :HD]
    o1_ref[...] = acc[:, HD:]


def _matmul1(x, w, b2d):
    blk = 1000
    return pl.pallas_call(
        _mm1_body,
        grid=(x.shape[0] // blk,),
        in_specs=[
            pl.BlockSpec((blk, D), lambda i: (i, 0)),
            pl.BlockSpec(w.shape, lambda i: (0, 0)),
            pl.BlockSpec(b2d.shape, lambda i: (0, 0)),
        ],
        out_specs=[pl.BlockSpec((blk, HD), lambda i: (i, 0))] * 2,
        out_shape=[jax.ShapeDtypeStruct((N, HD), jnp.bfloat16)] * 2,
    )(x, w, b2d)


def _mm2_body(x0_ref, x1_ref, w_ref, b_ref, o_ref):
    w = w_ref[...]
    acc = lax.dot_general(x0_ref[...], w[:, :HD], (((1,), (1,)), ((), ())),
                          preferred_element_type=jnp.float32)
    acc += lax.dot_general(x1_ref[...], w[:, HD:], (((1,), (1,)), ((), ())),
                           preferred_element_type=jnp.float32)
    o_ref[...] = acc + b_ref[...]


def _matmul2(x0, x1, w, b2d):
    blk = 1000
    return pl.pallas_call(
        _mm2_body,
        grid=(N // blk,),
        in_specs=[
            pl.BlockSpec((blk, HD), lambda i: (i, 0)),
            pl.BlockSpec((blk, HD), lambda i: (i, 0)),
            pl.BlockSpec(w.shape, lambda i: (0, 0)),
            pl.BlockSpec(b2d.shape, lambda i: (0, 0)),
        ],
        out_specs=pl.BlockSpec((blk, D), lambda i: (i, 0)),
        out_shape=jax.ShapeDtypeStruct((N, D), jnp.float32),
    )(x0, x1, w, b2d)



def _segmax_body(h0_hbm, h1_hbm, src_hbm, dst_hbm, out0_hbm, out1_hbm,
                 hsp, acc, dbufA, sbufA, dbufB, sbufB, msrc, mdst,
                 rowsA, rowsB, semdA, semsA, semdB, semsB, semgA, semgB):
    c = lax.axis_index("c")
    s = lax.axis_index("s")
    base = s * ROWS

    zero = jnp.zeros((32,), jnp.bfloat16)
    izero = jnp.zeros((16,), jnp.int32)

    @pl.when(c == 0)
    def _():
        pltpu.async_copy(h0_hbm.at[pl.ds(base, ROWS)],
                         hsp.at[pl.ds(base, ROWS)], semgA)

    @pl.when(c == 1)
    def _():
        pltpu.async_copy(h1_hbm.at[pl.ds(base, ROWS)],
                         hsp.at[pl.ds(base, ROWS)], semgA)

    def _init_acc(i, _):
        for f in range(HD // 32):
            acc[i, pl.ds(f * 32, 32)] = zero
        return 0
    lax.fori_loop(0, ROWS, _init_acc, 0)

    def _init_msrc(i, _):
        msrc[pl.ds(i * 16, 16)] = izero
        return 0
    lax.fori_loop(0, (CAP + 16) // 16, _init_msrc, 0)

    pltpu.make_async_copy(h0_hbm.at[pl.ds(base, ROWS)],
                          hsp.at[pl.ds(base, ROWS)], semgA).wait()
    plsc.subcore_barrier()

    def _issue_chunk(cc, dbuf, sbuf, semd, sems):
        pltpu.async_copy(dst_hbm.at[pl.ds(cc * CHUNK, CHUNK)], dbuf, semd)
        pltpu.async_copy(src_hbm.at[pl.ds(cc * CHUNK, CHUNK)], sbuf, sems)

    def _wait_chunk(dbuf, sbuf, semd, sems):
        pltpu.make_async_copy(dst_hbm.at[pl.ds(0, CHUNK)], dbuf, semd).wait()
        pltpu.make_async_copy(src_hbm.at[pl.ds(0, CHUNK)], sbuf, sems).wait()

    def _issue_gather(b, nb, rows, semg):
        @pl.when(b < nb)
        def _():
            pltpu.async_copy(hsp.at[msrc.at[pl.ds(b * GB, GB)]], rows, semg)

    def _fold_batch(b, nb, pos, rows, semg):
        @pl.when(b < nb)
        def _():
            pltpu.make_async_copy(hsp.at[pl.ds(0, GB)], rows, semg).wait()

            def _edge(e, dl):
                dl_next = mdst[pl.ds(b * GB + e + 1, 16)][0]
                olds = [acc[dl, pl.ds(f * 32, 32)] for f in range(HD // 32)]
                news = [rows[e, pl.ds(f * 32, 32)] for f in range(HD // 32)]
                for f in range(HD // 32):
                    acc[dl, pl.ds(f * 32, 32)] = jnp.maximum(olds[f], news[f])
                return dl_next
            dl0 = mdst[pl.ds(b * GB, 16)][0]
            lax.fori_loop(0, jnp.minimum(pos - b * GB, GB), _edge, dl0)

    def _do_chunk(cc, dbuf, sbuf):
        def _scan(i, pos):
            d = dbuf[pl.ds(i * 16, 16)]
            sv = sbuf[pl.ds(i * 16, 16)]
            m = (d >= base) & (d < base + ROWS)
            cnt = plsc.all_reduce_population_count(m)[0]
            plsc.store_compressed(msrc.at[pl.ds(pos, 16)], sv, mask=m)
            plsc.store_compressed(mdst.at[pl.ds(pos, 16)], d - base, mask=m)
            return pos + cnt
        pos = lax.fori_loop(0, CHUNK // 16, _scan, jnp.int32(0), unroll=4)

        nb = (pos + GB - 1) // GB
        _issue_gather(0, nb, rowsA, semgA)

        def _gpair(g, _):
            _issue_gather(2 * g + 1, nb, rowsB, semgB)
            _fold_batch(2 * g, nb, pos, rowsA, semgA)
            _issue_gather(2 * g + 2, nb, rowsA, semgA)
            _fold_batch(2 * g + 1, nb, pos, rowsB, semgB)
            return 0
        lax.fori_loop(0, (nb + 1) // 2, _gpair, 0)

    _issue_chunk(0, dbufA, sbufA, semdA, semsA)

    def _pair(p, _):
        _issue_chunk(2 * p + 1, dbufB, sbufB, semdB, semsB)
        _wait_chunk(dbufA, sbufA, semdA, semsA)
        _do_chunk(2 * p, dbufA, sbufA)

        @pl.when(p < NPAIRS - 1)
        def _():
            _issue_chunk(2 * p + 2, dbufA, sbufA, semdA, semsA)
        _wait_chunk(dbufB, sbufB, semdB, semsB)
        _do_chunk(2 * p + 1, dbufB, sbufB)
        return 0

    lax.fori_loop(0, NPAIRS, _pair, 0)

    @pl.when(c == 0)
    def _():
        pltpu.sync_copy(acc, out0_hbm.at[pl.ds(base, ROWS)])

    @pl.when(c == 1)
    def _():
        pltpu.sync_copy(acc, out1_hbm.at[pl.ds(base, ROWS)])


def _segment_max(h0, h1, src, dst):
    mesh = plsc.VectorSubcoreMesh(core_axis_name="c", subcore_axis_name="s")
    return pl.kernel(
        _segmax_body,
        mesh=mesh,
        compiler_params=pltpu.CompilerParams(needs_layout_passes=False,
                                             use_tc_tiling_on_sc=False),
        out_type=[jax.ShapeDtypeStruct((N, HD), jnp.bfloat16)] * 2,
        scratch_types=[
            pltpu.VMEM_SHARED((N, HD), jnp.bfloat16),
            pltpu.VMEM((ROWS, HD), jnp.bfloat16),
            pltpu.VMEM((CHUNK,), jnp.int32),
            pltpu.VMEM((CHUNK,), jnp.int32),
            pltpu.VMEM((CHUNK,), jnp.int32),
            pltpu.VMEM((CHUNK,), jnp.int32),
            pltpu.VMEM((CAP + 16,), jnp.int32),
            pltpu.VMEM((CAP + 16,), jnp.int32),
            pltpu.VMEM((GB, HD), jnp.bfloat16),
            pltpu.VMEM((GB, HD), jnp.bfloat16),
        ] + [pltpu.SemaphoreType.DMA] * 6,
    )(h0, h1, src, dst)


def kernel(node_feats, edge_index, W_pool, pool_bias, W_lin, b_lin, bias):
    h0, h1 = _matmul1(node_feats, W_pool, pool_bias.reshape(1, D))
    hn0, hn1 = _segment_max(h0, h1, edge_index[0], edge_index[1])
    out = _matmul2(hn0, hn1, W_lin, (b_lin + bias).reshape(1, D))
    return out

# --- scband reference (transcript-rebuilt; emitter-appended) ---
"""Pipeline reference for scband-my-sageconv-32427003085362 (READ-ONLY COPY).

The authoritative reference and input builder live on the scoring server;
editing this copy changes nothing except your own understanding.
"""

import jax, jax.numpy as jnp
import numpy as np

N = 10000
E = 160000
D_IN = 256
D_OUT = 256


def setup_inputs(seed: int = 0) -> dict:
    key = jax.random.key(seed)
    k1, k2, k3, k4, k5 = jax.random.split(key, 5)
    node_feats = jax.random.normal(k1, (N, D_IN), dtype=jnp.float32)
    edge_index = jax.random.randint(k2, (2, E), 0, N, dtype=jnp.int32)
    # learned params (shapes per init_kwargs: in_feats=256, out_feats=256)
    gain = float(np.sqrt(2.0))  # relu gain, xavier-uniform bound approx
    bound_pool = gain * np.sqrt(6.0 / (D_IN + D_IN))
    W_pool = jax.random.uniform(k3, (D_IN, D_IN), dtype=jnp.float32, minval=-bound_pool, maxval=bound_pool)
    pool_bias = jnp.zeros((D_IN,), dtype=jnp.float32)
    bound_lin = np.sqrt(1.0 / D_IN)
    W_lin = jax.random.uniform(k4, (D_OUT, D_IN), dtype=jnp.float32, minval=-bound_lin, maxval=bound_lin)
    b_lin = jax.random.uniform(k5, (D_OUT,), dtype=jnp.float32, minval=-bound_lin, maxval=bound_lin)
    bias = jnp.zeros((D_OUT,), dtype=jnp.float32)
    return {
        "node_feats": node_feats,
        "edge_index": edge_index,
        "W_pool": W_pool,
        "pool_bias": pool_bias,
        "W_lin": W_lin,
        "b_lin": b_lin,
        "bias": bias,
    }


def reference(node_feats, edge_index, W_pool, pool_bias, W_lin, b_lin, bias):
    # g.srcdata['h'] = relu(pool(x) + pool_bias)
    h = jax.nn.relu(node_feats @ W_pool.T + pool_bias)
    src = edge_index[0]
    dst = edge_index[1]
    # update_all(copy_src('h','m'), max('m','h_new')) == segment-max of gathered src feats by dst
    msgs = jnp.take(h, src, axis=0)
    h_new = jax.ops.segment_max(msgs, dst, num_segments=N)
    # DGL fills nodes with no in-edges with 0; segment_max yields -inf there
    h_new = jnp.where(jnp.isfinite(h_new), h_new, 0.0)
    out = h_new @ W_lin.T + b_lin + bias
    return out

if __name__ == "__main__":
    import jax
    _d = setup_inputs()
    print(jax.jit(kernel)(*tuple(_d.values())))

</pallas_src>

<mosaic_0001>
#map = affine_map<(d0, d1) -> (0, 0)>
#map1 = affine_map<(d0, d1) -> (0)>
module attributes {stable_mosaic.version = 14 : i64} {
  func.func @_segmax_body(%arg0: i32, %arg1: i32, %arg2: memref<10000x128xbf16, #tpu.memory_space<hbm>>, %arg3: memref<10000x128xbf16, #tpu.memory_space<hbm>>, %arg4: memref<160000xi32, #tpu.memory_space<hbm>>, %arg5: memref<160000xi32, #tpu.memory_space<hbm>>, %arg6: memref<10000x128xbf16, #tpu.memory_space<hbm>>, %arg7: memref<10000x128xbf16, #tpu.memory_space<hbm>>, %arg8: memref<10000x128xbf16, #tpu.memory_space<vmem_shared>>, %arg9: memref<625x128xbf16, #tpu.memory_space<vmem>>, %arg10: memref<4000xi32, #tpu.memory_space<vmem>>, %arg11: memref<4000xi32, #tpu.memory_space<vmem>>, %arg12: memref<4000xi32, #tpu.memory_space<vmem>>, %arg13: memref<4000xi32, #tpu.memory_space<vmem>>, %arg14: memref<4112xi32, #tpu.memory_space<vmem>>, %arg15: memref<4112xi32, #tpu.memory_space<vmem>>, %arg16: memref<64x128xbf16, #tpu.memory_space<vmem>>, %arg17: memref<64x128xbf16, #tpu.memory_space<vmem>>, %arg18: memref<!tpu.dma_semaphore, #tpu.memory_space<semaphore_mem>>, %arg19: memref<!tpu.dma_semaphore, #tpu.memory_space<semaphore_mem>>, %arg20: memref<!tpu.dma_semaphore, #tpu.memory_space<semaphore_mem>>, %arg21: memref<!tpu.dma_semaphore, #tpu.memory_space<semaphore_mem>>, %arg22: memref<!tpu.dma_semaphore, #tpu.memory_space<semaphore_mem>>, %arg23: memref<!tpu.dma_semaphore, #tpu.memory_space<semaphore_mem>>) attributes {dimension_semantics = [#tpu.dimension_semantics<core_parallel>, #tpu.dimension_semantics<subcore_parallel>], iteration_bounds = array<i64: 2, 16>, scalar_prefetch = 0 : i64, scratch_operands = 16 : i64, tpu.core_type = #tpu.core_type<sc_vector_subcore>, window_params = [{transform_indices = #map}, {transform_indices = #map}, {transform_indices = #map1}, {transform_indices = #map1}, {transform_indices = #map}, {transform_indices = #map}]} {
    %mul3A = arith.constant 625 : i32
    %mul3A_0 = arith.muli %arg1, %mul3A : i32
    %broadcast_in_dim3A = arith.constant 0.000000e+00 : bf16
    %broadcast_in_dim3A_1 = vector.broadcast %broadcast_in_dim3A : bf16 to vector<32xbf16>
    %broadcast_in_dim3A_2 = arith.constant 0 : i32
    %broadcast_in_dim3A_3 = vector.broadcast %broadcast_in_dim3A_2 : i32 to vector<16xi32>
    %eq3A = arith.constant 0 : i32
    %eq3A_4 = arith.cmpi eq, %arg0, %eq3A : i32
    %convert_element_type3A = arith.extui %eq3A_4 : i1 to i32
    %cond3A = arith.constant 0 : i32
    %cond3A_5 = arith.cmpi ne, %convert_element_type3A, %cond3A : i32
    scf.if %cond3A_5 {
      %dma_start3A_51 = arith.constant 0 : i32
      %dma_start3A_52 = tpu.memref_slice %arg8[%mul3A_0, %dma_start3A_51] : memref<10000x128xbf16, #tpu.memory_space<vmem_shared>> -> memref<625x128xbf16, #tpu.memory_space<vmem_shared>>
      %dma_start3A_53 = arith.constant 0 : i32
      %dma_start3A_54 = tpu.memref_slice %arg2[%mul3A_0, %dma_start3A_53] : memref<10000x128xbf16, #tpu.memory_space<hbm>> -> memref<625x128xbf16, #tpu.memory_space<hbm>>
      tpu.enqueue_dma source(%dma_start3A_54 : memref<625x128xbf16, #tpu.memory_space<hbm>>) target(%dma_start3A_52 : memref<625x128xbf16, #tpu.memory_space<vmem_shared>>) target_semaphore(%arg22 : memref<!tpu.dma_semaphore, #tpu.memory_space<semaphore_mem>>)
    } else {
    }
    %eq3A_6 = arith.constant 1 : i32
    %eq3A_7 = arith.cmpi eq, %arg0, %eq3A_6 : i32
    %convert_element_type3A_8 = arith.extui %eq3A_7 : i1 to i32
    %cond3A_9 = arith.constant 0 : i32
    %cond3A_10 = arith.cmpi ne, %convert_element_type3A_8, %cond3A_9 : i32
    scf.if %cond3A_10 {
      %dma_start3A_51 = arith.constant 0 : i32
      %dma_start3A_52 = tpu.memref_slice %arg8[%mul3A_0, %dma_start3A_51] : memref<10000x128xbf16, #tpu.memory_space<vmem_shared>> -> memref<625x128xbf16, #tpu.memory_space<vmem_shared>>
      %dma_start3A_53 = arith.constant 0 : i32
      %dma_start3A_54 = tpu.memref_slice %arg3[%mul3A_0, %dma_start3A_53] : memref<10000x128xbf16, #tpu.memory_space<hbm>> -> memref<625x128xbf16, #tpu.memory_space<hbm>>
      tpu.enqueue_dma source(%dma_start3A_54 : memref<625x128xbf16, #tpu.memory_space<hbm>>) target(%dma_start3A_52 : memref<625x128xbf16, #tpu.memory_space<vmem_shared>>) target_semaphore(%arg22 : memref<!tpu.dma_semaphore, #tpu.memory_space<semaphore_mem>>)
    } else {
    }
    %scan3A = arith.constant 0 : i32
    %scan3A_11 = arith.constant 0 : i32
    %scan3A_12 = arith.constant 625 : i32
    %scan3A_13 = arith.addi %scan3A_11, %scan3A_12 : i32
    %scan3A_14 = arith.constant 1 : i32
    %scan3A_15 = scf.for %scan3A_51 = %scan3A_11 to %scan3A_13 step %scan3A_14 iter_args(%scan3A_52 = %scan3A) -> (i32)  : i32 {
      %swap3A = arith.index_cast %scan3A_51 : i32 to index
      %swap3A_53 = arith.constant 0 : index
      %swap3A_54 = tpu.vector_load %arg9[%swap3A, %swap3A_53] {strides = array<i32>} : memref<625x128xbf16, #tpu.memory_space<vmem>>, vector<32xbf16>,
      tpu.vector_store %arg9[%swap3A, %swap3A_53], %broadcast_in_dim3A_1 {strides = array<i32>} : memref<625x128xbf16, #tpu.memory_space<vmem>>, vector<32xbf16>,
      %swap3A_55 = arith.index_cast %scan3A_51 : i32 to index
      %swap3A_56 = arith.constant 32 : index
      %swap3A_57 = tpu.vector_load %arg9[%swap3A_55, %swap3A_56] {strides = array<i32>} : memref<625x128xbf16, #tpu.memory_space<vmem>>, vector<32xbf16>,
      tpu.vector_store %arg9[%swap3A_55, %swap3A_56], %broadcast_in_dim3A_1 {strides = array<i32>} : memref<625x128xbf16, #tpu.memory_space<vmem>>, vector<32xbf16>,
      %swap3A_58 = arith.index_cast %scan3A_51 : i32 to index
      %swap3A_59 = arith.constant 64 : index
      %swap3A_60 = tpu.vector_load %arg9[%swap3A_58, %swap3A_59] {strides = array<i32>} : memref<625x128xbf16, #tpu.memory_space<vmem>>, vector<32xbf16>,
      tpu.vector_store %arg9[%swap3A_58, %swap3A_59], %broadcast_in_dim3A_1 {strides = array<i32>} : memref<625x128xbf16, #tpu.memory_space<vmem>>, vector<32xbf16>,
      %swap3A_61 = arith.index_cast %scan3A_51 : i32 to index
      %swap3A_62 = arith.constant 96 : index
      %swap3A_63 = tpu.vector_load %arg9[%swap3A_61, %swap3A_62] {strides = array<i32>} : memref<625x128xbf16, #tpu.memory_space<vmem>>, vector<32xbf16>,
      tpu.vector_store %arg9[%swap3A_61, %swap3A_62], %broadcast_in_dim3A_1 {strides = array<i32>} : memref<625x128xbf16, #tpu.memory_space<vmem>>, vector<32xbf16>,
      %scan3A_64 = arith.constant 0 : i32
      scf.yield %scan3A_64 : i32
    }
    %scan3A_16 = arith.constant 625 : i32
    %scan3A_17 = arith.constant 0 : i32
    %scan3A_18 = arith.constant 0 : i32
    %scan3A_19 = arith.constant 257 : i32
    %scan3A_20 = arith.addi %scan3A_18, %scan3A_19 : i32
    %scan3A_21 = arith.constant 1 : i32
    %scan3A_22 = scf.for %scan3A_51 = %scan3A_18 to %scan3A_20 step %scan3A_21 iter_args(%scan3A_52 = %scan3A_17) -> (i32)  : i32 {
      %mul3A_53 = arith.constant 16 : i32
      %mul3A_54 = arith.muli %scan3A_51, %mul3A_53 : i32
      %swap3A = arith.index_cast %mul3A_54 : i32 to index
      %swap3A_55 = tpu.vector_load %arg14[%swap3A] {strides = array<i32>} : memref<4112xi32, #tpu.memory_space<vmem>>, vector<16xi32>,
      tpu.vector_store %arg14[%swap3A], %broadcast_in_dim3A_3 {strides = array<i32>} : memref<4112xi32, #tpu.memory_space<vmem>>, vector<16xi32>,
      %scan3A_56 = arith.constant 0 : i32
      scf.yield %scan3A_56 : i32
    }
    %scan3A_23 = arith.constant 257 : i32
    %dma_wait3A = arith.constant 0 : i32
    %dma_wait3A_24 = tpu.memref_slice %arg8[%mul3A_0, %dma_wait3A] : memref<10000x128xbf16, #tpu.memory_space<vmem_shared>> -> memref<625x128xbf16, #tpu.memory_space<vmem_shared>>
    %dma_wait3A_25 = arith.constant 0 : i32
    %dma_wait3A_26 = tpu.memref_slice %arg2[%mul3A_0, %dma_wait3A_25] : memref<10000x128xbf16, #tpu.memory_space<hbm>> -> memref<625x128xbf16, #tpu.memory_space<hbm>>
    tpu.wait_dma2 semaphore(%arg22 : memref<!tpu.dma_semaphore, #tpu.memory_space<semaphore_mem>>) src(%dma_wait3A_26 : memref<625x128xbf16, #tpu.memory_space<hbm>>) dst(%dma_wait3A_24 : memref<625x128xbf16, #tpu.memory_space<vmem_shared>>)
    %barrier3A = arith.constant 0 : index
    tpu.barrier barrier_id(%barrier3A)
    %dma_start3A = arith.constant 0 : i32
    %dma_start3A_27 = tpu.memref_slice %arg5[%dma_start3A] : memref<160000xi32, #tpu.memory_space<hbm>> -> memref<4000xi32, #tpu.memory_space<hbm>>
    %dma_start3A_28 = arith.constant 0 : i32
    %dma_start3A_29 = tpu.memref_slice %arg5[%dma_start3A_28] : memref<160000xi32, #tpu.memory_space<hbm>> -> memref<4000xi32, #tpu.memory_space<hbm>>
    tpu.enqueue_dma source(%dma_start3A_29 : memref<4000xi32, #tpu.memory_space<hbm>>) target(%arg10 : memref<4000xi32, #tpu.memory_space<vmem>>) target_semaphore(%arg18 : memref<!tpu.dma_semaphore, #tpu.memory_space<semaphore_mem>>)
    %dma_start3A_30 = arith.constant 0 : i32
    %dma_start3A_31 = tpu.memref_slice %arg4[%dma_start3A_30] : memref<160000xi32, #tpu.memory_space<hbm>> -> memref<4000xi32, #tpu.memory_space<hbm>>
    %dma_start3A_32 = arith.constant 0 : i32
    %dma_start3A_33 = tpu.memref_slice %arg4[%dma_start3A_32] : memref<160000xi32, #tpu.memory_space<hbm>> -> memref<4000xi32, #tpu.memory_space<hbm>>
    tpu.enqueue_dma source(%dma_start3A_33 : memref<4000xi32, #tpu.memory_space<hbm>>) target(%arg11 : memref<4000xi32, #tpu.memory_space<vmem>>) target_semaphore(%arg19 : memref<!tpu.dma_semaphore, #tpu.memory_space<semaphore_mem>>)
    %scan3A_34 = arith.constant 0 : i32
    %scan3A_35 = arith.constant 0 : i32
    %scan3A_36 = arith.constant 20 : i32
    %scan3A_37 = arith.addi %scan3A_35, %scan3A_36 : i32
    %scan3A_38 = arith.constant 1 : i32
    %scan3A_39 = scf.for %scan3A_51 = %scan3A_35 to %scan3A_37 step %scan3A_38 iter_args(%scan3A_52 = %scan3A_34) -> (i32)  : i32 {
      %mul3A_53 = arith.constant 2 : i32
      %mul3A_54 = arith.muli %mul3A_53, %scan3A_51 : i32
      %add3A = arith.constant 1 : i32
      %add3A_55 = arith.addi %mul3A_54, %add3A : i32
      %mul3A_56 = arith.constant 4000 : i32
      %mul3A_57 = arith.muli %add3A_55, %mul3A_56 : i32
      %dma_start3A_58 = tpu.memref_slice %arg5[%mul3A_57] : memref<160000xi32, #tpu.memory_space<hbm>> -> memref<4000xi32, #tpu.memory_space<hbm>>
      %dma_start3A_59 = tpu.memref_slice %arg5[%mul3A_57] : memref<160000xi32, #tpu.memory_space<hbm>> -> memref<4000xi32, #tpu.memory_space<hbm>>
      tpu.enqueue_dma source(%dma_start3A_59 : memref<4000xi32, #tpu.memory_space<hbm>>) target(%arg12 : memref<4000xi32, #tpu.memory_space<vmem>>) target_semaphore(%arg20 : memref<!tpu.dma_semaphore, #tpu.memory_space<semaphore_mem>>)
      %mul3A_60 = arith.constant 4000 : i32
      %mul3A_61 = arith.muli %add3A_55, %mul3A_60 : i32
      %dma_start3A_62 = tpu.memref_slice %arg4[%mul3A_61] : memref<160000xi32, #tpu.memory_space<hbm>> -> memref<4000xi32, #tpu.memory_space<hbm>>
      %dma_start3A_63 = tpu.memref_slice %arg4[%mul3A_61] : memref<160000xi32, #tpu.memory_space<hbm>> -> memref<4000xi32, #tpu.memory_space<hbm>>
      tpu.enqueue_dma source(%dma_start3A_63 : memref<4000xi32, #tpu.memory_space<hbm>>) target(%arg13 : memref<4000xi32, #tpu.memory_space<vmem>>) target_semaphore(%arg21 : memref<!tpu.dma_semaphore, #tpu.memory_space<semaphore_mem>>)
      %dma_wait3A_64 = arith.constant 0 : i32
      %dma_wait3A_65 = tpu.memref_slice %arg5[%dma_wait3A_64] : memref<160000xi32, #tpu.memory_space<hbm>> -> memref<4000xi32, #tpu.memory_space<hbm>>
      %dma_wait3A_66 = arith.constant 0 : i32
      %dma_wait3A_67 = tpu.memref_slice %arg5[%dma_wait3A_66] : memref<160000xi32, #tpu.memory_space<hbm>> -> memref<4000xi32, #tpu.memory_space<hbm>>
      tpu.wait_dma2 semaphore(%arg18 : memref<!tpu.dma_semaphore, #tpu.memory_space<semaphore_mem>>) src(%dma_wait3A_67 : memref<4000xi32, #tpu.memory_space<hbm>>) dst(%arg10 : memref<4000xi32, #tpu.memory_space<vmem>>)
      %dma_wait3A_68 = arith.constant 0 : i32
      %dma_wait3A_69 = tpu.memref_slice %arg4[%dma_wait3A_68] : memref<160000xi32, #tpu.memory_space<hbm>> -> memref<4000xi32, #tpu.memory_space<hbm>>
      %dma_wait3A_70 = arith.constant 0 : i32
      %dma_wait3A_71 = tpu.memref_slice %arg4[%dma_wait3A_70] : memref<160000xi32, #tpu.memory_space<hbm>> -> memref<4000xi32, #tpu.memory_space<hbm>>
      tpu.wait_dma2 semaphore(%arg19 : memref<!tpu.dma_semaphore, #tpu.memory_space<semaphore_mem>>) src(%dma_wait3A_71 : memref<4000xi32, #tpu.memory_space<hbm>>) dst(%arg11 : memref<4000xi32, #tpu.memory_space<vmem>>)
      %mul3A_72 = arith.constant 2 : i32
      %mul3A_73 = arith.muli %mul3A_72, %scan3A_51 : i32
      %scan3A_74 = arith.constant 0 : i32
      %scan3A_75 = arith.constant 0 : i32
      %scan3A_76 = arith.constant 248 : i32
      %scan3A_77 = arith.addi %scan3A_75, %scan3A_76 : i32
      %scan3A_78 = arith.constant 4 : i32
      %scan3A_79 = scf.for %scan3A_339 = %scan3A_75 to %scan3A_77 step %scan3A_78 iter_args(%scan3A_340 = %scan3A_74) -> (i32)  : i32 {
        %mul3A_341 = arith.constant 16 : i32
        %mul3A_342 = arith.muli %scan3A_339, %mul3A_341 : i32
        %get3A_343 = arith.index_cast %mul3A_342 : i32 to index
        %get3A_344 = tpu.vector_load %arg10[%get3A_343] {strides = array<i32>} : memref<4000xi32, #tpu.memory_space<vmem>>, vector<16xi32>,
        %mul3A_345 = arith.constant 16 : i32
        %mul3A_346 = arith.muli %scan3A_339, %mul3A_345 : i32
        %get3A_347 = arith.index_cast %mul3A_346 : i32 to index
        %get3A_348 = tpu.vector_load %arg11[%get3A_347] {strides = array<i32>} : memref<4000xi32, #tpu.memory_space<vmem>>, vector<16xi32>,
        %ge3A_349 = vector.broadcast %mul3A_0 : i32 to vector<16xi32>
        %ge3A_350 = arith.cmpi sge, %get3A_344, %ge3A_349 : vector<16xi32>
        %add3A_351 = arith.constant 625 : i32
        %add3A_352 = arith.addi %mul3A_0, %add3A_351 : i32
        %lt3A_353 = vector.broadcast %add3A_352 : i32 to vector<16xi32>
        %lt3A_354 = arith.cmpi slt, %get3A_344, %lt3A_353 : vector<16xi32>
        %and3A_355 = arith.andi %ge3A_350, %lt3A_354 : vector<16xi1>
        %all_reduce_population_count3A_356 = tpu.all_reduce %and3A_355 {dim = 0 : i64, kind = #tpu.reduction_kind<sum>} : vector<16xi1> -> vector<16xi32>
        %slice3A_357 = vector.extract_strided_slice %all_reduce_population_count3A_356 {offsets = [0], sizes = [1], strides = [1]} : vector<16xi32> to vector<1xi32>
        %squeeze3A_358 = vector.extract %slice3A_357[0] : i32 from vector<1xi32>
        %swap3A_359 = arith.index_cast %scan3A_340 : i32 to index
        %swap3A_360 = tpu.vector_load %arg14[%swap3A_359] masked %and3A_355 {strides = array<i32>} : memref<4112xi32, #tpu.memory_space<vmem>>, vector<16xi32>, vector<16xi1>
        tpu.vector_store %arg14[%swap3A_359], %get3A_348 masked %and3A_355 {strides = array<i32>} : memref<4112xi32, #tpu.memory_space<vmem>>, vector<16xi32>, vector<16xi1>
        %sub3A_361 = vector.broadcast %mul3A_0 : i32 to vector<16xi32>
        %sub3A_362 = arith.subi %get3A_344, %sub3A_361 : vector<16xi32>
        %swap3A_363 = arith.index_cast %scan3A_340 : i32 to index
        %swap3A_364 = tpu.vector_load %arg15[%swap3A_363] masked %and3A_355 {strides = array<i32>} : memref<4112xi32, #tpu.memory_space<vmem>>, vector<16xi32>, vector<16xi1>
        tpu.vector_store %arg15[%swap3A_363], %sub3A_362 masked %and3A_355 {strides = array<i32>} : memref<4112xi32, #tpu.memory_space<vmem>>, vector<16xi32>, vector<16xi1>
        %add3A_365 = arith.addi %scan3A_340, %squeeze3A_358 : i32
        %scan3A_366 = arith.constant 1 : i32
        %scan3A_367 = arith.addi %scan3A_339, %scan3A_366 : i32
        %mul3A_368 = arith.constant 16 : i32
        %mul3A_369 = arith.muli %scan3A_367, %mul3A_368 : i32
        %get3A_370 = arith.index_cast %mul3A_369 : i32 to index
        %get3A_371 = tpu.vector_load %arg10[%get3A_370] {strides = array<i32>} : memref<4000xi32, #tpu.memory_space<vmem>>, vector<16xi32>,
        %mul3A_372 = arith.constant 16 : i32
        %mul3A_373 = arith.muli %scan3A_367, %mul3A_372 : i32
        %get3A_374 = arith.index_cast %mul3A_373 : i32 to index
        %get3A_375 = tpu.vector_load %arg11[%get3A_374] {strides = array<i32>} : memref<4000xi32, #tpu.memory_space<vmem>>, vector<16xi32>,
        %ge3A_376 = vector.broadcast %mul3A_0 : i32 to vector<16xi32>
        %ge3A_377 = arith.cmpi sge, %get3A_371, %ge3A_376 : vector<16xi32>
        %add3A_378 = arith.constant 625 : i32
        %add3A_379 = arith.addi %mul3A_0, %add3A_378 : i32
        %lt3A_380 = vector.broadcast %add3A_379 : i32 to vector<16xi32>
        %lt3A_381 = arith.cmpi slt, %get3A_371, %lt3A_380 : vector<16xi32>
        %and3A_382 = arith.andi %ge3A_377, %lt3A_381 : vector<16xi1>
        %all_reduce_population_count3A_383 = tpu.all_reduce %and3A_382 {dim = 0 : i64, kind = #tpu.reduction_kind<sum>} : vector<16xi1> -> vector<16xi32>
        %slice3A_384 = vector.extract_strided_slice %all_reduce_population_count3A_383 {offsets = [0], sizes = [1], strides = [1]} : vector<16xi32> to vector<1xi32>
        %squeeze3A_385 = vector.extract %slice3A_384[0] : i32 from vector<1xi32>
        %swap3A_386 = arith.index_cast %add3A_365 : i32 to index
        %swap3A_387 = tpu.vector_load %arg14[%swap3A_386] masked %and3A_382 {strides = array<i32>} : memref<4112xi32, #tpu.memory_space<vmem>>, vector<16xi32>, vector<16xi1>
        tpu.vector_store %arg14[%swap3A_386], %get3A_375 masked %and3A_382 {strides = array<i32>} : memref<4112xi32, #tpu.memory_space<vmem>>, vector<16xi32>, vector<16xi1>
        %sub3A_388 = vector.broadcast %mul3A_0 : i32 to vector<16xi32>
        %sub3A_389 = arith.subi %get3A_371, %sub3A_388 : vector<16xi32>
        %swap3A_390 = arith.index_cast %add3A_365 : i32 to index
        %swap3A_391 = tpu.vector_load %arg15[%swap3A_390] masked %and3A_382 {strides = array<i32>} : memref<4112xi32, #tpu.memory_space<vmem>>, vector<16xi32>, vector<16xi1>
        tpu.vector_store %arg15[%swap3A_390], %sub3A_389 masked %and3A_382 {strides = array<i32>} : memref<4112xi32, #tpu.memory_space<vmem>>, vector<16xi32>, vector<16xi1>
        %add3A_392 = arith.addi %add3A_365, %squeeze3A_385 : i32
        %scan3A_393 = arith.constant 2 : i32
        %scan3A_394 = arith.addi %scan3A_339, %scan3A_393 : i32
        %mul3A_395 = arith.constant 16 : i32
        %mul3A_396 = arith.muli %scan3A_394, %mul3A_395 : i32
        %get3A_397 = arith.index_cast %mul3A_396 : i32 to index
        %get3A_398 = tpu.vector_load %arg10[%get3A_397] {strides = array<i32>} : memref<4000xi32, #tpu.memory_space<vmem>>, vector<16xi32>,
        %mul3A_399 = arith.constant 16 : i32
        %mul3A_400 = arith.muli %scan3A_394, %mul3A_399 : i32
        %get3A_401 = arith.index_cast %mul3A_400 : i32 to index
        %get3A_402 = tpu.vector_load %arg11[%get3A_401] {strides = array<i32>} : memref<4000xi32, #tpu.memory_space<vmem>>, vector<16xi32>,
        %ge3A_403 = vector.broadcast %mul3A_0 : i32 to vector<16xi32>
        %ge3A_404 = arith.cmpi sge, %get3A_398, %ge3A_403 : vector<16xi32>
        %add3A_405 = arith.constant 625 : i32
        %add3A_406 = arith.addi %mul3A_0, %add3A_405 : i32
        %lt3A_407 = vector.broadcast %add3A_406 : i32 to vector<16xi32>
        %lt3A_408 = arith.cmpi slt, %get3A_398, %lt3A_407 : vector<16xi32>
        %and3A_409 = arith.andi %ge3A_404, %lt3A_408 : vector<16xi1>
        %all_reduce_population_count3A_410 = tpu.all_reduce %and3A_409 {dim = 0 : i64, kind = #tpu.reduction_kind<sum>} : vector<16xi1> -> vector<16xi32>
        %slice3A_411 = vector.extract_strided_slice %all_reduce_population_count3A_410 {offsets = [0], sizes = [1], strides = [1]} : vector<16xi32> to vector<1xi32>
        %squeeze3A_412 = vector.extract %slice3A_411[0] : i32 from vector<1xi32>
        %swap3A_413 = arith.index_cast %add3A_392 : i32 to index
        %swap3A_414 = tpu.vector_load %arg14[%swap3A_413] masked %and3A_409 {strides = array<i32>} : memref<4112xi32, #tpu.memory_space<vmem>>, vector<16xi32>, vector<16xi1>
        tpu.vector_store %arg14[%swap3A_413], %get3A_402 masked %and3A_409 {strides = array<i32>} : memref<4112xi32, #tpu.memory_space<vmem>>, vector<16xi32>, vector<16xi1>
        %sub3A_415 = vector.broadcast %mul3A_0 : i32 to vector<16xi32>
        %sub3A_416 = arith.subi %get3A_398, %sub3A_415 : vector<16xi32>
        %swap3A_417 = arith.index_cast %add3A_392 : i32 to index
        %swap3A_418 = tpu.vector_load %arg15[%swap3A_417] masked %and3A_409 {strides = array<i32>} : memref<4112xi32, #tpu.memory_space<vmem>>, vector<16xi32>, vector<16xi1>
        tpu.vector_store %arg15[%swap3A_417], %sub3A_416 masked %and3A_409 {strides = array<i32>} : memref<4112xi32, #tpu.memory_space<vmem>>, vector<16xi32>, vector<16xi1>
        %add3A_419 = arith.addi %add3A_392, %squeeze3A_412 : i32
        %scan3A_420 = arith.constant 3 : i32
        %scan3A_421 = arith.addi %scan3A_339, %scan3A_420 : i32
        %mul3A_422 = arith.constant 16 : i32
        %mul3A_423 = arith.muli %scan3A_421, %mul3A_422 : i32
        %get3A_424 = arith.index_cast %mul3A_423 : i32 to index
        %get3A_425 = tpu.vector_load %arg10[%get3A_424] {strides = array<i32>} : memref<4000xi32, #tpu.memory_space<vmem>>, vector<16xi32>,
        %mul3A_426 = arith.constant 16 : i32
        %mul3A_427 = arith.muli %scan3A_421, %mul3A_426 : i32
        %get3A_428 = arith.index_cast %mul3A_427 : i32 to index
        %get3A_429 = tpu.vector_load %arg11[%get3A_428] {strides = array<i32>} : memref<4000xi32, #tpu.memory_space<vmem>>, vector<16xi32>,
        %ge3A_430 = vector.broadcast %mul3A_0 : i32 to vector<16xi32>
        %ge3A_431 = arith.cmpi sge, %get3A_425, %ge3A_430 : vector<16xi32>
        %add3A_432 = arith.constant 625 : i32
        %add3A_433 = arith.addi %mul3A_0, %add3A_432 : i32
        %lt3A_434 = vector.broadcast %add3A_433 : i32 to vector<16xi32>
        %lt3A_435 = arith.cmpi slt, %get3A_425, %lt3A_434 : vector<16xi32>
        %and3A_436 = arith.andi %ge3A_431, %lt3A_435 : vector<16xi1>
        %all_reduce_population_count3A_437 = tpu.all_reduce %and3A_436 {dim = 0 : i64, kind = #tpu.reduction_kind<sum>} : vector<16xi1> -> vector<16xi32>
        %slice3A_438 = vector.extract_strided_slice %all_reduce_population_count3A_437 {offsets = [0], sizes = [1], strides = [1]} : vector<16xi32> to vector<1xi32>
        %squeeze3A_439 = vector.extract %slice3A_438[0] : i32 from vector<1xi32>
        %swap3A_440 = arith.index_cast %add3A_419 : i32 to index
        %swap3A_441 = tpu.vector_load %arg14[%swap3A_440] masked %and3A_436 {strides = array<i32>} : memref<4112xi32, #tpu.memory_space<vmem>>, vector<16xi32>, vector<16xi1>
        tpu.vector_store %arg14[%swap3A_440], %get3A_429 masked %and3A_436 {strides = array<i32>} : memref<4112xi32, #tpu.memory_space<vmem>>, vector<16xi32>, vector<16xi1>
        %sub3A_442 = vector.broadcast %mul3A_0 : i32 to vector<16xi32>
        %sub3A_443 = arith.subi %get3A_425, %sub3A_442 : vector<16xi32>
        %swap3A_444 = arith.index_cast %add3A_419 : i32 to index
        %swap3A_445 = tpu.vector_load %arg15[%swap3A_444] masked %and3A_436 {strides = array<i32>} : memref<4112xi32, #tpu.memory_space<vmem>>, vector<16xi32>, vector<16xi1>
        tpu.vector_store %arg15[%swap3A_444], %sub3A_443 masked %and3A_436 {strides = array<i32>} : memref<4112xi32, #tpu.memory_space<vmem>>, vector<16xi32>, vector<16xi1>
        %add3A_446 = arith.addi %add3A_419, %squeeze3A_439 : i32
        scf.yield %add3A_446 : i32
      }
      %scan3A_80 = arith.constant 248 : i32
      %scan3A_81 = arith.addi %scan3A_75, %scan3A_80 : i32
      %mul3A_82 = arith.constant 16 : i32
      %mul3A_83 = arith.muli %scan3A_81, %mul3A_82 : i32
      %get3A = arith.index_cast %mul3A_83 : i32 to index
      %get3A_84 = tpu.vector_load %arg10[%get3A] {strides = array<i32>} : memref<4000xi32, #tpu.memory_space<vmem>>, vector<16xi32>,
      %mul3A_85 = arith.constant 16 : i32
      %mul3A_86 = arith.muli %scan3A_81, %mul3A_85 : i32
      %get3A_87 = arith.index_cast %mul3A_86 : i32 to index
      %get3A_88 = tpu.vector_load %arg11[%get3A_87] {strides = array<i32>} : memref<4000xi32, #tpu.memory_space<vmem>>, vector<16xi32>,
      %ge3A = vector.broadcast %mul3A_0 : i32 to vector<16xi32>
      %ge3A_89 = arith.cmpi sge, %get3A_84, %ge3A : vector<16xi32>
      %add3A_90 = arith.constant 625 : i32
      %add3A_91 = arith.addi %mul3A_0, %add3A_90 : i32
      %lt3A = vector.broadcast %add3A_91 : i32 to vector<16xi32>
      %lt3A_92 = arith.cmpi slt, %get3A_84, %lt3A : vector<16xi32>
      %and3A = arith.andi %ge3A_89, %lt3A_92 : vector<16xi1>
      %all_reduce_population_count3A = tpu.all_reduce %and3A {dim = 0 : i64, kind = #tpu.reduction_kind<sum>} : vector<16xi1> -> vector<16xi32>
      %slice3A = vector.extract_strided_slice %all_reduce_population_count3A {offsets = [0], sizes = [1], strides = [1]} : vector<16xi32> to vector<1xi32>
      %squeeze3A = vector.extract %slice3A[0] : i32 from vector<1xi32>
      %swap3A = arith.index_cast %scan3A_79 : i32 to index
      %swap3A_93 = tpu.vector_load %arg14[%swap3A] masked %and3A {strides = array<i32>} : memref<4112xi32, #tpu.memory_space<vmem>>, vector<16xi32>, vector<16xi1>
      tpu.vector_store %arg14[%swap3A], %get3A_88 masked %and3A {strides = array<i32>} : memref<4112xi32, #tpu.memory_space<vmem>>, vector<16xi32>, vector<16xi1>
      %sub3A = vector.broadcast %mul3A_0 : i32 to vector<16xi32>
      %sub3A_94 = arith.subi %get3A_84, %sub3A : vector<16xi32>
      %swap3A_95 = arith.index_cast %scan3A_79 : i32 to index
      %swap3A_96 = tpu.vector_load %arg15[%swap3A_95] masked %and3A {strides = array<i32>} : memref<4112xi32, #tpu.memory_space<vmem>>, vector<16xi32>, vector<16xi1>
      tpu.vector_store %arg15[%swap3A_95], %sub3A_94 masked %and3A {strides = array<i32>} : memref<4112xi32, #tpu.memory_space<vmem>>, vector<16xi32>, vector<16xi1>
      %add3A_97 = arith.addi %scan3A_79, %squeeze3A : i32
      %scan3A_98 = arith.constant 249 : i32
      %scan3A_99 = arith.addi %scan3A_75, %scan3A_98 : i32
      %mul3A_100 = arith.constant 16 : i32
      %mul3A_101 = arith.muli %scan3A_99, %mul3A_100 : i32
      %get3A_102 = arith.index_cast %mul3A_101 : i32 to index
      %get3A_103 = tpu.vector_load %arg10[%get3A_102] {strides = array<i32>} : memref<4000xi32, #tpu.memory_space<vmem>>, vector<16xi32>,
      %mul3A_104 = arith.constant 16 : i32
      %mul3A_105 = arith.muli %scan3A_99, %mul3A_104 : i32
      %get3A_106 = arith.index_cast %mul3A_105 : i32 to index
      %get3A_107 = tpu.vector_load %arg11[%get3A_106] {strides = array<i32>} : memref<4000xi32, #tpu.memory_space<vmem>>, vector<16xi32>,
      %ge3A_108 = vector.broadcast %mul3A_0 : i32 to vector<16xi32>
      %ge3A_109 = arith.cmpi sge, %get3A_103, %ge3A_108 : vector<16xi32>
      %add3A_110 = arith.constant 625 : i32
      %add3A_111 = arith.addi %mul3A_0, %add3A_110 : i32
      %lt3A_112 = vector.broadcast %add3A_111 : i32 to vector<16xi32>
      %lt3A_113 = arith.cmpi slt, %get3A_103, %lt3A_112 : vector<16xi32>
      %and3A_114 = arith.andi %ge3A_109, %lt3A_113 : vector<16xi1>
      %all_reduce_population_count3A_115 = tpu.all_reduce %and3A_114 {dim = 0 : i64, kind = #tpu.reduction_kind<sum>} : vector<16xi1> -> vector<16xi32>
      %slice3A_116 = vector.extract_strided_slice %all_reduce_population_count3A_115 {offsets = [0], sizes = [1], strides = [1]} : vector<16xi32> to vector<1xi32>
      %squeeze3A_117 = vector.extract %slice3A_116[0] : i32 from vector<1xi32>
      %swap3A_118 = arith.index_cast %add3A_97 : i32 to index
      %swap3A_119 = tpu.vector_load %arg14[%swap3A_118] masked %and3A_114 {strides = array<i32>} : memref<4112xi32, #tpu.memory_space<vmem>>, vector<16xi32>, vector<16xi1>
      tpu.vector_store %arg14[%swap3A_118], %get3A_107 masked %and3A_114 {strides = array<i32>} : memref<4112xi32, #tpu.memory_space<vmem>>, vector<16xi32>, vector<16xi1>
      %sub3A_120 = vector.broadcast %mul3A_0 : i32 to vector<16xi32>
      %sub3A_121 = arith.subi %get3A_103, %sub3A_120 : vector<16xi32>
      %swap3A_122 = arith.index_cast %add3A_97 : i32 to index
      %swap3A_123 = tpu.vector_load %arg15[%swap3A_122] masked %and3A_114 {strides = array<i32>} : memref<4112xi32, #tpu.memory_space<vmem>>, vector<16xi32>, vector<16xi1>
      tpu.vector_store %arg15[%swap3A_122], %sub3A_121 masked %and3A_114 {strides = array<i32>} : memref<4112xi32, #tpu.memory_space<vmem>>, vector<16xi32>, vector<16xi1>
      %add3A_124 = arith.addi %add3A_97, %squeeze3A_117 : i32
      %scan3A_125 = arith.constant 250 : i32
      %add3A_126 = arith.constant 64 : i32
      %add3A_127 = arith.addi %add3A_124, %add3A_126 : i32
      %sub3A_128 = arith.constant 1 : i32
      %sub3A_129 = arith.subi %add3A_127, %sub3A_128 : i32
      %jit3A = arith.constant 64 : i32
      %div3A = arith.divsi %sub3A_129, %jit3A : i32
      %sign3A = arith.constant 0 : i32
      %sign3A_130 = arith.cmpi sgt, %sub3A_129, %sign3A : i32
      %sign3A_131 = arith.extui %sign3A_130 : i1 to i32
      %sign3A_132 = arith.constant 0 : i32
      %sign3A_133 = arith.cmpi slt, %sub3A_129, %sign3A_132 : i32
      %sign3A_134 = arith.extui %sign3A_133 : i1 to i32
      %sign3A_135 = arith.subi %sign3A_131, %sign3A_134 : i32
      %sign3A_136 = arith.constant 0 : i32
      %sign3A_137 = arith.cmpi sgt, %jit3A, %sign3A_136 : i32
      %sign3A_138 = arith.extui %sign3A_137 : i1 to i32
      %sign3A_139 = arith.constant 0 : i32
      %sign3A_140 = arith.cmpi slt, %jit3A, %sign3A_139 : i32
      %sign3A_141 = arith.extui %sign3A_140 : i1 to i32
      %sign3A_142 = arith.subi %sign3A_138, %sign3A_141 : i32
      %ne3A = arith.cmpi ne, %sign3A_135, %sign3A_142 : i32
      %rem3A = arith.remsi %sub3A_129, %jit3A : i32
      %ne3A_143 = arith.constant 0 : i32
      %ne3A_144 = arith.cmpi ne, %rem3A, %ne3A_143 : i32
      %and3A_145 = arith.andi %ne3A, %ne3A_144 : i1
      %sub3A_146 = arith.constant 1 : i32
      %sub3A_147 = arith.subi %div3A, %sub3A_146 : i32
      %select_n3A = arith.select %and3A_145, %sub3A_147, %div3A : i32
      %gt3A = arith.constant 0 : i32
      %gt3A_148 = arith.cmpi sgt, %select_n3A, %gt3A : i32
      %convert_element_type3A_149 = arith.extui %gt3A_148 : i1 to i32
      %cond3A_150 = arith.constant 0 : i32
      %cond3A_151 = arith.cmpi ne, %convert_element_type3A_149, %cond3A_150 : i32
      scf.if %cond3A_151 {
        %dma_start3A_339 = arith.constant 0 : i32
        %dma_start3A_340 = tpu.memref_slice %arg14[%dma_start3A_339] : memref<4112xi32, #tpu.memory_space<vmem>> -> memref<64xi32, #tpu.memory_space<vmem>>
        %dma_start3A_341 = arith.constant 0 : i32
        %dma_start3A_342 = arith.constant 0 : i32
        %dma_start3A_343 = tpu.memref_slice %arg8[%dma_start3A_341, %dma_start3A_342] : memref<10000x128xbf16, #tpu.memory_space<vmem_shared>> -> memref<10000x128xbf16, #tpu.memory_space<vmem_shared>>
        tpu.enqueue_indirect_dma source(%dma_start3A_343 : memref<10000x128xbf16, #tpu.memory_space<vmem_shared>>) target(%arg16 : memref<64x128xbf16, #tpu.memory_space<vmem>>) offsets(%dma_start3A_340 : memref<64xi32, #tpu.memory_space<vmem>>) semaphore(%arg22 : memref<!tpu.dma_semaphore, #tpu.memory_space<semaphore_mem>>)
      } else {
      }
      %add3A_152 = arith.constant 1 : i32
      %add3A_153 = arith.addi %select_n3A, %add3A_152 : i32
      %jit3A_154 = arith.constant 2 : i32
      %div3A_155 = arith.divsi %add3A_153, %jit3A_154 : i32
      %sign3A_156 = arith.constant 0 : i32
      %sign3A_157 = arith.cmpi sgt, %add3A_153, %sign3A_156 : i32
      %sign3A_158 = arith.extui %sign3A_157 : i1 to i32
      %sign3A_159 = arith.constant 0 : i32
      %sign3A_160 = arith.cmpi slt, %add3A_153, %sign3A_159 : i32
      %sign3A_161 = arith.extui %sign3A_160 : i1 to i32
      %sign3A_162 = arith.subi %sign3A_158, %sign3A_161 : i32
      %sign3A_163 = arith.constant 0 : i32
      %sign3A_164 = arith.cmpi sgt, %jit3A_154, %sign3A_163 : i32
      %sign3A_165 = arith.extui %sign3A_164 : i1 to i32
      %sign3A_166 = arith.constant 0 : i32
      %sign3A_167 = arith.cmpi slt, %jit3A_154, %sign3A_166 : i32
      %sign3A_168 = arith.extui %sign3A_167 : i1 to i32
      %sign3A_169 = arith.subi %sign3A_165, %sign3A_168 : i32
      %ne3A_170 = arith.cmpi ne, %sign3A_162, %sign3A_169 : i32
      %rem3A_171 = arith.remsi %add3A_153, %jit3A_154 : i32
      %ne3A_172 = arith.constant 0 : i32
      %ne3A_173 = arith.cmpi ne, %rem3A_171, %ne3A_172 : i32
      %and3A_174 = arith.andi %ne3A_170, %ne3A_173 : i1
      %sub3A_175 = arith.constant 1 : i32
      %sub3A_176 = arith.subi %div3A_155, %sub3A_175 : i32
      %select_n3A_177 = arith.select %and3A_174, %sub3A_176, %div3A_155 : i32
      %while3A = arith.constant 0 : i32
      %while3A_178 = arith.constant 0 : i32
      %while3A_179 = arith.subi %select_n3A_177, %while3A : i32
      %while3A_180 = arith.addi %while3A, %while3A_179 : i32
      %while3A_181 = arith.constant 1 : i32
      %while3A_182 = arith.divsi %while3A_179, %while3A_181 : i32
      %while3A_183 = arith.muli %while3A_182, %while3A_181 : i32
      %while3A_184 = arith.addi %while3A, %while3A_183 : i32
      %while3A_185 = arith.constant 1 : i32
      %while3A_186 = scf.for %while3A_339 = %while3A to %while3A_184 step %while3A_185 iter_args(%while3A_340 = %while3A_178) -> (i32)  : i32 {
        %mul3A_341 = arith.constant 2 : i32
        %mul3A_342 = arith.muli %mul3A_341, %while3A_339 : i32
        %add3A_343 = arith.constant 1 : i32
        %add3A_344 = arith.addi %mul3A_342, %add3A_343 : i32
        %lt3A_345 = arith.cmpi slt, %add3A_344, %select_n3A : i32
        %convert_element_type3A_346 = arith.extui %lt3A_345 : i1 to i32
        %cond3A_347 = arith.constant 0 : i32
        %cond3A_348 = arith.cmpi ne, %convert_element_type3A_346, %cond3A_347 : i32
        scf.if %cond3A_348 {
          %mul3A_372 = arith.constant 64 : i32
          %mul3A_373 = arith.muli %add3A_344, %mul3A_372 : i32
          %dma_start3A_374 = tpu.memref_slice %arg14[%mul3A_373] : memref<4112xi32, #tpu.memory_space<vmem>> -> memref<64xi32, #tpu.memory_space<vmem>>
          %dma_start3A_375 = arith.constant 0 : i32
          %dma_start3A_376 = arith.constant 0 : i32
          %dma_start3A_377 = tpu.memref_slice %arg8[%dma_start3A_375, %dma_start3A_376] : memref<10000x128xbf16, #tpu.memory_space<vmem_shared>> -> memref<10000x128xbf16, #tpu.memory_space<vmem_shared>>
          tpu.enqueue_indirect_dma source(%dma_start3A_377 : memref<10000x128xbf16, #tpu.memory_space<vmem_shared>>) target(%arg17 : memref<64x128xbf16, #tpu.memory_space<vmem>>) offsets(%dma_start3A_374 : memref<64xi32, #tpu.memory_space<vmem>>) semaphore(%arg23 : memref<!tpu.dma_semaphore, #tpu.memory_space<semaphore_mem>>)
        } else {
        }
        %mul3A_349 = arith.constant 2 : i32
        %mul3A_350 = arith.muli %mul3A_349, %while3A_339 : i32
        %lt3A_351 = arith.cmpi slt, %mul3A_350, %select_n3A : i32
        %convert_element_type3A_352 = arith.extui %lt3A_351 : i1 to i32
        %cond3A_353 = arith.constant 0 : i32
        %cond3A_354 = arith.cmpi ne, %convert_element_type3A_352, %cond3A_353 : i32
        scf.if %cond3A_354 {
          %dma_wait3A_372 = arith.constant 0 : i32
          %dma_wait3A_373 = arith.constant 0 : i32
          %dma_wait3A_374 = tpu.memref_slice %arg8[%dma_wait3A_372, %dma_wait3A_373] : memref<10000x128xbf16, #tpu.memory_space<vmem_shared>> -> memref<64x128xbf16, #tpu.memory_space<vmem_shared>>
          %dma_wait3A_375 = arith.constant 0 : i32
          %dma_wait3A_376 = arith.constant 0 : i32
          %dma_wait3A_377 = tpu.memref_slice %arg8[%dma_wait3A_375, %dma_wait3A_376] : memref<10000x128xbf16, #tpu.memory_space<vmem_shared>> -> memref<64x128xbf16, #tpu.memory_space<vmem_shared>>
          tpu.wait_dma2 semaphore(%arg22 : memref<!tpu.dma_semaphore, #tpu.memory_space<semaphore_mem>>) src(%dma_wait3A_377 : memref<64x128xbf16, #tpu.memory_space<vmem_shared>>) dst(%arg16 : memref<64x128xbf16, #tpu.memory_space<vmem>>)
          %mul3A_378 = arith.constant 64 : i32
          %mul3A_379 = arith.muli %mul3A_350, %mul3A_378 : i32
          %get3A_380 = arith.index_cast %mul3A_379 : i32 to index
          %get3A_381 = tpu.vector_load %arg15[%get3A_380] {strides = array<i32>} : memref<4112xi32, #tpu.memory_space<vmem>>, vector<16xi32>,
          %slice3A_382 = vector.extract_strided_slice %get3A_381 {offsets = [0], sizes = [1], strides = [1]} : vector<16xi32> to vector<1xi32>
          %squeeze3A_383 = vector.extract %slice3A_382[0] : i32 from vector<1xi32>
          %mul3A_384 = arith.constant 64 : i32
          %mul3A_385 = arith.muli %mul3A_350, %mul3A_384 : i32
          %sub3A_386 = arith.subi %add3A_124, %mul3A_385 : i32
          %min3A = arith.constant 64 : i32
          %min3A_387 = arith.minsi %sub3A_386, %min3A : i32
          %while3A_388 = arith.constant 0 : i32
          %while3A_389 = arith.subi %min3A_387, %while3A_388 : i32
          %while3A_390 = arith.addi %while3A_388, %while3A_389 : i32
          %while3A_391 = arith.constant 1 : i32
          %while3A_392 = arith.divsi %while3A_389, %while3A_391 : i32
          %while3A_393 = arith.muli %while3A_392, %while3A_391 : i32
          %while3A_394 = arith.addi %while3A_388, %while3A_393 : i32
          %while3A_395 = arith.constant 1 : i32
          %while3A_396 = scf.for %while3A_399 = %while3A_388 to %while3A_394 step %while3A_395 iter_args(%while3A_400 = %squeeze3A_383) -> (i32)  : i32 {
            %mul3A_401 = arith.constant 64 : i32
            %mul3A_402 = arith.muli %mul3A_350, %mul3A_401 : i32
            %add3A_403 = arith.addi %mul3A_402, %while3A_399 : i32
            %add3A_404 = arith.constant 1 : i32
            %add3A_405 = arith.addi %add3A_403, %add3A_404 : i32
            %get3A_406 = arith.index_cast %add3A_405 : i32 to index
            %get3A_407 = tpu.vector_load %arg15[%get3A_406] {strides = array<i32>} : memref<4112xi32, #tpu.memory_space<vmem>>, vector<16xi32>,
            %slice3A_408 = vector.extract_strided_slice %get3A_407 {offsets = [0], sizes = [1], strides = [1]} : vector<16xi32> to vector<1xi32>
            %squeeze3A_409 = vector.extract %slice3A_408[0] : i32 from vector<1xi32>
            %get3A_410 = arith.index_cast %while3A_400 : i32 to index
            %get3A_411 = arith.constant 0 : index
            %get3A_412 = tpu.vector_load %arg9[%get3A_410, %get3A_411] {strides = array<i32>} : memref<625x128xbf16, #tpu.memory_space<vmem>>, vector<32xbf16>,
            %get3A_413 = arith.index_cast %while3A_400 : i32 to index
            %get3A_414 = arith.constant 32 : index
            %get3A_415 = tpu.vector_load %arg9[%get3A_413, %get3A_414] {strides = array<i32>} : memref<625x128xbf16, #tpu.memory_space<vmem>>, vector<32xbf16>,
            %get3A_416 = arith.index_cast %while3A_400 : i32 to index
            %get3A_417 = arith.constant 64 : index
            %get3A_418 = tpu.vector_load %arg9[%get3A_416, %get3A_417] {strides = array<i32>} : memref<625x128xbf16, #tpu.memory_space<vmem>>, vector<32xbf16>,
            %get3A_419 = arith.index_cast %while3A_400 : i32 to index
            %get3A_420 = arith.constant 96 : index
            %get3A_421 = tpu.vector_load %arg9[%get3A_419, %get3A_420] {strides = array<i32>} : memref<625x128xbf16, #tpu.memory_space<vmem>>, vector<32xbf16>,
            %get3A_422 = arith.index_cast %while3A_399 : i32 to index
            %get3A_423 = arith.constant 0 : index
            %get3A_424 = tpu.vector_load %arg16[%get3A_422, %get3A_423] {strides = array<i32>} : memref<64x128xbf16, #tpu.memory_space<vmem>>, vector<32xbf16>,
            %get3A_425 = arith.index_cast %while3A_399 : i32 to index
            %get3A_426 = arith.constant 32 : index
            %get3A_427 = tpu.vector_load %arg16[%get3A_425, %get3A_426] {strides = array<i32>} : memref<64x128xbf16, #tpu.memory_space<vmem>>, vector<32xbf16>,
            %get3A_428 = arith.index_cast %while3A_399 : i32 to index
            %get3A_429 = arith.constant 64 : index
            %get3A_430 = tpu.vector_load %arg16[%get3A_428, %get3A_429] {strides = array<i32>} : memref<64x128xbf16, #tpu.memory_space<vmem>>, vector<32xbf16>,
            %get3A_431 = arith.index_cast %while3A_399 : i32 to index
            %get3A_432 = arith.constant 96 : index
            %get3A_433 = tpu.vector_load %arg16[%get3A_431, %get3A_432] {strides = array<i32>} : memref<64x128xbf16, #tpu.memory_space<vmem>>, vector<32xbf16>,
            %max3A = arith.maximumf %get3A_412, %get3A_424 : vector<32xbf16>
            %swap3A_434 = arith.index_cast %while3A_400 : i32 to index
            %swap3A_435 = arith.constant 0 : index
            %swap3A_436 = tpu.vector_load %arg9[%swap3A_434, %swap3A_435] {strides = array<i32>} : memref<625x128xbf16, #tpu.memory_space<vmem>>, vector<32xbf16>,
            tpu.vector_store %arg9[%swap3A_434, %swap3A_435], %max3A {strides = array<i32>} : memref<625x128xbf16, #tpu.memory_space<vmem>>, vector<32xbf16>,
            %max3A_437 = arith.maximumf %get3A_415, %get3A_427 : vector<32xbf16>
            %swap3A_438 = arith.index_cast %while3A_400 : i32 to index
            %swap3A_439 = arith.constant 32 : index
            %swap3A_440 = tpu.vector_load %arg9[%swap3A_438, %swap3A_439] {strides = array<i32>} : memref<625x128xbf16, #tpu.memory_space<vmem>>, vector<32xbf16>,
            tpu.vector_store %arg9[%swap3A_438, %swap3A_439], %max3A_437 {strides = array<i32>} : memref<625x128xbf16, #tpu.memory_space<vmem>>, vector<32xbf16>,
            %max3A_441 = arith.maximumf %get3A_418, %get3A_430 : vector<32xbf16>
            %swap3A_442 = arith.index_cast %while3A_400 : i32 to index
            %swap3A_443 = arith.constant 64 : index
            %swap3A_444 = tpu.vector_load %arg9[%swap3A_442, %swap3A_443] {strides = array<i32>} : memref<625x128xbf16, #tpu.memory_space<vmem>>, vector<32xbf16>,
            tpu.vector_store %arg9[%swap3A_442, %swap3A_443], %max3A_441 {strides = array<i32>} : memref<625x128xbf16, #tpu.memory_space<vmem>>, vector<32xbf16>,
            %max3A_445 = arith.maximumf %get3A_421, %get3A_433 : vector<32xbf16>
            %swap3A_446 = arith.index_cast %while3A_400 : i32 to index
            %swap3A_447 = arith.constant 96 : index
            %swap3A_448 = tpu.vector_load %arg9[%swap3A_446, %swap3A_447] {strides = array<i32>} : memref<625x128xbf16, #tpu.memory_space<vmem>>, vector<32xbf16>,
            tpu.vector_store %arg9[%swap3A_446, %swap3A_447], %max3A_445 {strides = array<i32>} : memref<625x128xbf16, #tpu.memory_space<vmem>>, vector<32xbf16>,
            scf.yield %squeeze3A_409 : i32
          }
          %while3A_397 = arith.constant 1 : i32
          %while3A_398 = scf.for %while3A_399 = %while3A_394 to %while3A_390 step %while3A_397 iter_args(%while3A_400 = %while3A_396) -> (i32)  : i32 {
            %mul3A_401 = arith.constant 64 : i32
            %mul3A_402 = arith.muli %mul3A_350, %mul3A_401 : i32
            %add3A_403 = arith.addi %mul3A_402, %while3A_399 : i32
            %add3A_404 = arith.constant 1 : i32
            %add3A_405 = arith.addi %add3A_403, %add3A_404 : i32
            %get3A_406 = arith.index_cast %add3A_405 : i32 to index
            %get3A_407 = tpu.vector_load %arg15[%get3A_406] {strides = array<i32>} : memref<4112xi32, #tpu.memory_space<vmem>>, vector<16xi32>,
            %slice3A_408 = vector.extract_strided_slice %get3A_407 {offsets = [0], sizes = [1], strides = [1]} : vector<16xi32> to vector<1xi32>
            %squeeze3A_409 = vector.extract %slice3A_408[0] : i32 from vector<1xi32>
            %get3A_410 = arith.index_cast %while3A_400 : i32 to index
            %get3A_411 = arith.constant 0 : index
            %get3A_412 = tpu.vector_load %arg9[%get3A_410, %get3A_411] {strides = array<i32>} : memref<625x128xbf16, #tpu.memory_space<vmem>>, vector<32xbf16>,
            %get3A_413 = arith.index_cast %while3A_400 : i32 to index
            %get3A_414 = arith.constant 32 : index
            %get3A_415 = tpu.vector_load %arg9[%get3A_413, %get3A_414] {strides = array<i32>} : memref<625x128xbf16, #tpu.memory_space<vmem>>, vector<32xbf16>,
            %get3A_416 = arith.index_cast %while3A_400 : i32 to index
            %get3A_417 = arith.constant 64 : index
            %get3A_418 = tpu.vector_load %arg9[%get3A_416, %get3A_417] {strides = array<i32>} : memref<625x128xbf16, #tpu.memory_space<vmem>>, vector<32xbf16>,
            %get3A_419 = arith.index_cast %while3A_400 : i32 to index
            %get3A_420 = arith.constant 96 : index
            %get3A_421 = tpu.vector_load %arg9[%get3A_419, %get3A_420] {strides = array<i32>} : memref<625x128xbf16, #tpu.memory_space<vmem>>, vector<32xbf16>,
            %get3A_422 = arith.index_cast %while3A_399 : i32 to index
            %get3A_423 = arith.constant 0 : index
            %get3A_424 = tpu.vector_load %arg16[%get3A_422, %get3A_423] {strides = array<i32>} : memref<64x128xbf16, #tpu.memory_space<vmem>>, vector<32xbf16>,
            %get3A_425 = arith.index_cast %while3A_399 : i32 to index
            %get3A_426 = arith.constant 32 : index
            %get3A_427 = tpu.vector_load %arg16[%get3A_425, %get3A_426] {strides = array<i32>} : memref<64x128xbf16, #tpu.memory_space<vmem>>, vector<32xbf16>,
            %get3A_428 = arith.index_cast %while3A_399 : i32 to index
            %get3A_429 = arith.constant 64 : index
            %get3A_430 = tpu.vector_load %arg16[%get3A_428, %get3A_429] {strides = array<i32>} : memref<64x128xbf16, #tpu.memory_space<vmem>>, vector<32xbf16>,
            %get3A_431 = arith.index_cast %while3A_399 : i32 to index
            %get3A_432 = arith.constant 96 : index
            %get3A_433 = tpu.vector_load %arg16[%get3A_431, %get3A_432] {strides = array<i32>} : memref<64x128xbf16, #tpu.memory_space<vmem>>, vector<32xbf16>,
            %max3A = arith.maximumf %get3A_412, %get3A_424 : vector<32xbf16>
            %swap3A_434 = arith.index_cast %while3A_400 : i32 to index
            %swap3A_435 = arith.constant 0 : index
            %swap3A_436 = tpu.vector_load %arg9[%swap3A_434, %swap3A_435] {strides = array<i32>} : memref<625x128xbf16, #tpu.memory_space<vmem>>, vector<32xbf16>,
            tpu.vector_store %arg9[%swap3A_434, %swap3A_435], %max3A {strides = array<i32>} : memref<625x128xbf16, #tpu.memory_space<vmem>>, vector<32xbf16>,
            %max3A_437 = arith.maximumf %get3A_415, %get3A_427 : vector<32xbf16>
            %swap3A_438 = arith.index_cast %while3A_400 : i32 to index
            %swap3A_439 = arith.constant 32 : index
            %swap3A_440 = tpu.vector_load %arg9[%swap3A_438, %swap3A_439] {strides = array<i32>} : memref<625x128xbf16, #tpu.memory_space<vmem>>, vector<32xbf16>,
            tpu.vector_store %arg9[%swap3A_438, %swap3A_439], %max3A_437 {strides = array<i32>} : memref<625x128xbf16, #tpu.memory_space<vmem>>, vector<32xbf16>,
            %max3A_441 = arith.maximumf %get3A_418, %get3A_430 : vector<32xbf16>
            %swap3A_442 = arith.index_cast %while3A_400 : i32 to index
            %swap3A_443 = arith.constant 64 : index
            %swap3A_444 = tpu.vector_load %arg9[%swap3A_442, %swap3A_443] {strides = array<i32>} : memref<625x128xbf16, #tpu.memory_space<vmem>>, vector<32xbf16>,
            tpu.vector_store %arg9[%swap3A_442, %swap3A_443], %max3A_441 {strides = array<i32>} : memref<625x128xbf16, #tpu.memory_space<vmem>>, vector<32xbf16>,
            %max3A_445 = arith.maximumf %get3A_421, %get3A_433 : vector<32xbf16>
            %swap3A_446 = arith.index_cast %while3A_400 : i32 to index
            %swap3A_447 = arith.constant 96 : index
            %swap3A_448 = tpu.vector_load %arg9[%swap3A_446, %swap3A_447] {strides = array<i32>} : memref<625x128xbf16, #tpu.memory_space<vmem>>, vector<32xbf16>,
            tpu.vector_store %arg9[%swap3A_446, %swap3A_447], %max3A_445 {strides = array<i32>} : memref<625x128xbf16, #tpu.memory_space<vmem>>, vector<32xbf16>,
            scf.yield %squeeze3A_409 : i32
          }
        } else {
        }
        %mul3A_355 = arith.constant 2 : i32
        %mul3A_356 = arith.muli %mul3A_355, %while3A_339 : i32
        %add3A_357 = arith.constant 2 : i32
        %add3A_358 = arith.addi %mul3A_356, %add3A_357 : i32
        %lt3A_359 = arith.cmpi slt, %add3A_358, %select_n3A : i32
        %convert_element_type3A_360 = arith.extui %lt3A_359 : i1 to i32
        %cond3A_361 = arith.constant 0 : i32
        %cond3A_362 = arith.cmpi ne, %convert_element_type3A_360, %cond3A_361 : i32
        scf.if %cond3A_362 {
          %mul3A_372 = arith.constant 64 : i32
          %mul3A_373 = arith.muli %add3A_358, %mul3A_372 : i32
          %dma_start3A_374 = tpu.memref_slice %arg14[%mul3A_373] : memref<4112xi32, #tpu.memory_space<vmem>> -> memref<64xi32, #tpu.memory_space<vmem>>
          %dma_start3A_375 = arith.constant 0 : i32
          %dma_start3A_376 = arith.constant 0 : i32
          %dma_start3A_377 = tpu.memref_slice %arg8[%dma_start3A_375, %dma_start3A_376] : memref<10000x128xbf16, #tpu.memory_space<vmem_shared>> -> memref<10000x128xbf16, #tpu.memory_space<vmem_shared>>
          tpu.enqueue_indirect_dma source(%dma_start3A_377 : memref<10000x128xbf16, #tpu.memory_space<vmem_shared>>) target(%arg16 : memref<64x128xbf16, #tpu.memory_space<vmem>>) offsets(%dma_start3A_374 : memref<64xi32, #tpu.memory_space<vmem>>) semaphore(%arg22 : memref<!tpu.dma_semaphore, #tpu.memory_space<semaphore_mem>>)
        } else {
        }
        %mul3A_363 = arith.constant 2 : i32
        %mul3A_364 = arith.muli %mul3A_363, %while3A_339 : i32
        %add3A_365 = arith.constant 1 : i32
        %add3A_366 = arith.addi %mul3A_364, %add3A_365 : i32
        %lt3A_367 = arith.cmpi slt, %add3A_366, %select_n3A : i32
        %convert_element_type3A_368 = arith.extui %lt3A_367 : i1 to i32
        %cond3A_369 = arith.constant 0 : i32
        %cond3A_370 = arith.cmpi ne, %convert_element_type3A_368, %cond3A_369 : i32
        scf.if %cond3A_370 {
          %dma_wait3A_372 = arith.constant 0 : i32
          %dma_wait3A_373 = arith.constant 0 : i32
          %dma_wait3A_374 = tpu.memref_slice %arg8[%dma_wait3A_372, %dma_wait3A_373] : memref<10000x128xbf16, #tpu.memory_space<vmem_shared>> -> memref<64x128xbf16, #tpu.memory_space<vmem_shared>>
          %dma_wait3A_375 = arith.constant 0 : i32
          %dma_wait3A_376 = arith.constant 0 : i32
          %dma_wait3A_377 = tpu.memref_slice %arg8[%dma_wait3A_375, %dma_wait3A_376] : memref<10000x128xbf16, #tpu.memory_space<vmem_shared>> -> memref<64x128xbf16, #tpu.memory_space<vmem_shared>>
          tpu.wait_dma2 semaphore(%arg23 : memref<!tpu.dma_semaphore, #tpu.memory_space<semaphore_mem>>) src(%dma_wait3A_377 : memref<64x128xbf16, #tpu.memory_space<vmem_shared>>) dst(%arg17 : memref<64x128xbf16, #tpu.memory_space<vmem>>)
          %mul3A_378 = arith.constant 64 : i32
          %mul3A_379 = arith.muli %add3A_366, %mul3A_378 : i32
          %get3A_380 = arith.index_cast %mul3A_379 : i32 to index
          %get3A_381 = tpu.vector_load %arg15[%get3A_380] {strides = array<i32>} : memref<4112xi32, #tpu.memory_space<vmem>>, vector<16xi32>,
          %slice3A_382 = vector.extract_strided_slice %get3A_381 {offsets = [0], sizes = [1], strides = [1]} : vector<16xi32> to vector<1xi32>
          %squeeze3A_383 = vector.extract %slice3A_382[0] : i32 from vector<1xi32>
          %mul3A_384 = arith.constant 64 : i32
          %mul3A_385 = arith.muli %add3A_366, %mul3A_384 : i32
          %sub3A_386 = arith.subi %add3A_124, %mul3A_385 : i32
          %min3A = arith.constant 64 : i32
          %min3A_387 = arith.minsi %sub3A_386, %min3A : i32
          %while3A_388 = arith.constant 0 : i32
          %while3A_389 = arith.subi %min3A_387, %while3A_388 : i32
          %while3A_390 = arith.addi %while3A_388, %while3A_389 : i32
          %while3A_391 = arith.constant 1 : i32
          %while3A_392 = arith.divsi %while3A_389, %while3A_391 : i32
          %while3A_393 = arith.muli %while3A_392, %while3A_391 : i32
          %while3A_394 = arith.addi %while3A_388, %while3A_393 : i32
          %while3A_395 = arith.constant 1 : i32
          %while3A_396 = scf.for %while3A_399 = %while3A_388 to %while3A_394 step %while3A_395 iter_args(%while3A_400 = %squeeze3A_383) -> (i32)  : i32 {
            %mul3A_401 = arith.constant 64 : i32
            %mul3A_402 = arith.muli %add3A_366, %mul3A_401 : i32
            %add3A_403 = arith.addi %mul3A_402, %while3A_399 : i32
            %add3A_404 = arith.constant 1 : i32
            %add3A_405 = arith.addi %add3A_403, %add3A_404 : i32
            %get3A_406 = arith.index_cast %add3A_405 : i32 to index
            %get3A_407 = tpu.vector_load %arg15[%get3A_406] {strides = array<i32>} : memref<4112xi32, #tpu.memory_space<vmem>>, vector<16xi32>,
            %slice3A_408 = vector.extract_strided_slice %get3A_407 {offsets = [0], sizes = [1], strides = [1]} : vector<16xi32> to vector<1xi32>
            %squeeze3A_409 = vector.extract %slice3A_408[0] : i32 from vector<1xi32>
            %get3A_410 = arith.index_cast %while3A_400 : i32 to index
            %get3A_411 = arith.constant 0 : index
            %get3A_412 = tpu.vector_load %arg9[%get3A_410, %get3A_411] {strides = array<i32>} : memref<625x128xbf16, #tpu.memory_space<vmem>>, vector<32xbf16>,
            %get3A_413 = arith.index_cast %while3A_400 : i32 to index
            %get3A_414 = arith.constant 32 : index
            %get3A_415 = tpu.vector_load %arg9[%get3A_413, %get3A_414] {strides = array<i32>} : memref<625x128xbf16, #tpu.memory_space<vmem>>, vector<32xbf16>,
            %get3A_416 = arith.index_cast %while3A_400 : i32 to index
            %get3A_417 = arith.constant 64 : index
            %get3A_418 = tpu.vector_load %arg9[%get3A_416, %get3A_417] {strides = array<i32>} : memref<625x128xbf16, #tpu.memory_space<vmem>>, vector<32xbf16>,
            %get3A_419 = arith.index_cast %while3A_400 : i32 to index
            %get3A_420 = arith.constant 96 : index
            %get3A_421 = tpu.vector_load %arg9[%get3A_419, %get3A_420] {strides = array<i32>} : memref<625x128xbf16, #tpu.memory_space<vmem>>, vector<32xbf16>,
            %get3A_422 = arith.index_cast %while3A_399 : i32 to index
            %get3A_423 = arith.constant 0 : index
            %get3A_424 = tpu.vector_load %arg17[%get3A_422, %get3A_423] {strides = array<i32>} : memref<64x128xbf16, #tpu.memory_space<vmem>>, vector<32xbf16>,
            %get3A_425 = arith.index_cast %while3A_399 : i32 to index
            %get3A_426 = arith.constant 32 : index
            %get3A_427 = tpu.vector_load %arg17[%get3A_425, %get3A_426] {strides = array<i32>} : memref<64x128xbf16, #tpu.memory_space<vmem>>, vector<32xbf16>,
            %get3A_428 = arith.index_cast %while3A_399 : i32 to index
            %get3A_429 = arith.constant 64 : index
            %get3A_430 = tpu.vector_load %arg17[%get3A_428, %get3A_429] {strides = array<i32>} : memref<64x128xbf16, #tpu.memory_space<vmem>>, vector<32xbf16>,
            %get3A_431 = arith.index_cast %while3A_399 : i32 to index
            %get3A_432 = arith.constant 96 : index
            %get3A_433 = tpu.vector_load %arg17[%get3A_431, %get3A_432] {strides = array<i32>} : memref<64x128xbf16, #tpu.memory_space<vmem>>, vector<32xbf16>,
            %max3A = arith.maximumf %get3A_412, %get3A_424 : vector<32xbf16>
            %swap3A_434 = arith.index_cast %while3A_400 : i32 to index
            %swap3A_435 = arith.constant 0 : index
            %swap3A_436 = tpu.vector_load %arg9[%swap3A_434, %swap3A_435] {strides = array<i32>} : memref<625x128xbf16, #tpu.memory_space<vmem>>, vector<32xbf16>,
            tpu.vector_store %arg9[%swap3A_434, %swap3A_435], %max3A {strides = array<i32>} : memref<625x128xbf16, #tpu.memory_space<vmem>>, vector<32xbf16>,
            %max3A_437 = arith.maximumf %get3A_415, %get3A_427 : vector<32xbf16>
            %swap3A_438 = arith.index_cast %while3A_400 : i32 to index
            %swap3A_439 = arith.constant 32 : index
            %swap3A_440 = tpu.vector_load %arg9[%swap3A_438, %swap3A_439] {strides = array<i32>} : memref<625x128xbf16, #tpu.memory_space<vmem>>, vector<32xbf16>,
            tpu.vector_store %arg9[%swap3A_438, %swap3A_439], %max3A_437 {strides = array<i32>} : memref<625x128xbf16, #tpu.memory_space<vmem>>, vector<32xbf16>,
            %max3A_441 = arith.maximumf %get3A_418, %get3A_430 : vector<32xbf16>
            %swap3A_442 = arith.index_cast %while3A_400 : i32 to index
            %swap3A_443 = arith.constant 64 : index
            %swap3A_444 = tpu.vector_load %arg9[%swap3A_442, %swap3A_443] {strides = array<i32>} : memref<625x128xbf16, #tpu.memory_space<vmem>>, vector<32xbf16>,
            tpu.vector_store %arg9[%swap3A_442, %swap3A_443], %max3A_441 {strides = array<i32>} : memref<625x128xbf16, #tpu.memory_space<vmem>>, vector<32xbf16>,
            %max3A_445 = arith.maximumf %get3A_421, %get3A_433 : vector<32xbf16>
            %swap3A_446 = arith.index_cast %while3A_400 : i32 to index
            %swap3A_447 = arith.constant 96 : index
            %swap3A_448 = tpu.vector_load %arg9[%swap3A_446, %swap3A_447] {strides = array<i32>} : memref<625x128xbf16, #tpu.memory_space<vmem>>, vector<32xbf16>,
            tpu.vector_store %arg9[%swap3A_446, %swap3A_447], %max3A_445 {strides = array<i32>} : memref<625x128xbf16, #tpu.memory_space<vmem>>, vector<32xbf16>,
            scf.yield %squeeze3A_409 : i32
          }
          %while3A_397 = arith.constant 1 : i32
          %while3A_398 = scf.for %while3A_399 = %while3A_394 to %while3A_390 step %while3A_397 iter_args(%while3A_400 = %while3A_396) -> (i32)  : i32 {
            %mul3A_401 = arith.constant 64 : i32
            %mul3A_402 = arith.muli %add3A_366, %mul3A_401 : i32
            %add3A_403 = arith.addi %mul3A_402, %while3A_399 : i32
            %add3A_404 = arith.constant 1 : i32
            %add3A_405 = arith.addi %add3A_403, %add3A_404 : i32
            %get3A_406 = arith.index_cast %add3A_405 : i32 to index
            %get3A_407 = tpu.vector_load %arg15[%get3A_406] {strides = array<i32>} : memref<4112xi32, #tpu.memory_space<vmem>>, vector<16xi32>,
            %slice3A_408 = vector.extract_strided_slice %get3A_407 {offsets = [0], sizes = [1], strides = [1]} : vector<16xi32> to vector<1xi32>
            %squeeze3A_409 = vector.extract %slice3A_408[0] : i32 from vector<1xi32>
            %get3A_410 = arith.index_cast %while3A_400 : i32 to index
            %get3A_411 = arith.constant 0 : index
            %get3A_412 = tpu.vector_load %arg9[%get3A_410, %get3A_411] {strides = array<i32>} : memref<625x128xbf16, #tpu.memory_space<vmem>>, vector<32xbf16>,
            %get3A_413 = arith.index_cast %while3A_400 : i32 to index
            %get3A_414 = arith.constant 32 : index
            %get3A_415 = tpu.vector_load %arg9[%get3A_413, %get3A_414] {strides = array<i32>} : memref<625x128xbf16, #tpu.memory_space<vmem>>, vector<32xbf16>,
            %get3A_416 = arith.index_cast %while3A_400 : i32 to index
            %get3A_417 = arith.constant 64 : index
            %get3A_418 = tpu.vector_load %arg9[%get3A_416, %get3A_417] {strides = array<i32>} : memref<625x128xbf16, #tpu.memory_space<vmem>>, vector<32xbf16>,
            %get3A_419 = arith.index_cast %while3A_400 : i32 to index
            %get3A_420 = arith.constant 96 : index
            %get3A_421 = tpu.vector_load %arg9[%get3A_419, %get3A_420] {strides = array<i32>} : memref<625x128xbf16, #tpu.memory_space<vmem>>, vector<32xbf16>,
            %get3A_422 = arith.index_cast %while3A_399 : i32 to index
            %get3A_423 = arith.constant 0 : index
            %get3A_424 = tpu.vector_load %arg17[%get3A_422, %get3A_423] {strides = array<i32>} : memref<64x128xbf16, #tpu.memory_space<vmem>>, vector<32xbf16>,
            %get3A_425 = arith.index_cast %while3A_399 : i32 to index
            %get3A_426 = arith.constant 32 : index
            %get3A_427 = tpu.vector_load %arg17[%get3A_425, %get3A_426] {strides = array<i32>} : memref<64x128xbf16, #tpu.memory_space<vmem>>, vector<32xbf16>,
            %get3A_428 = arith.index_cast %while3A_399 : i32 to index
            %get3A_429 = arith.constant 64 : index
            %get3A_430 = tpu.vector_load %arg17[%get3A_428, %get3A_429] {strides = array<i32>} : memref<64x128xbf16, #tpu.memory_space<vmem>>, vector<32xbf16>,
            %get3A_431 = arith.index_cast %while3A_399 : i32 to index
            %get3A_432 = arith.constant 96 : index
            %get3A_433 = tpu.vector_load %arg17[%get3A_431, %get3A_432] {strides = array<i32>} : memref<64x128xbf16, #tpu.memory_space<vmem>>, vector<32xbf16>,
            %max3A = arith.maximumf %get3A_412, %get3A_424 : vector<32xbf16>
            %swap3A_434 = arith.index_cast %while3A_400 : i32 to index
            %swap3A_435 = arith.constant 0 : index
            %swap3A_436 = tpu.vector_load %arg9[%swap3A_434, %swap3A_435] {strides = array<i32>} : memref<625x128xbf16, #tpu.memory_space<vmem>>, vector<32xbf16>,
            tpu.vector_store %arg9[%swap3A_434, %swap3A_435], %max3A {strides = array<i32>} : memref<625x128xbf16, #tpu.memory_space<vmem>>, vector<32xbf16>,
            %max3A_437 = arith.maximumf %get3A_415, %get3A_427 : vector<32xbf16>
            %swap3A_438 = arith.index_cast %while3A_400 : i32 to index
            %swap3A_439 = arith.constant 32 : index
            %swap3A_440 = tpu.vector_load %arg9[%swap3A_438, %swap3A_439] {strides = array<i32>} : memref<625x128xbf16, #tpu.memory_space<vmem>>, vector<32xbf16>,
            tpu.vector_store %arg9[%swap3A_438, %swap3A_439], %max3A_437 {strides = array<i32>} : memref<625x128xbf16, #tpu.memory_space<vmem>>, vector<32xbf16>,
            %max3A_441 = arith.maximumf %get3A_418, %get3A_430 : vector<32xbf16>
            %swap3A_442 = arith.index_cast %while3A_400 : i32 to index
            %swap3A_443 = arith.constant 64 : index
            %swap3A_444 = tpu.vector_load %arg9[%swap3A_442, %swap3A_443] {strides = array<i32>} : memref<625x128xbf16, #tpu.memory_space<vmem>>, vector<32xbf16>,
            tpu.vector_store %arg9[%swap3A_442, %swap3A_443], %max3A_441 {strides = array<i32>} : memref<625x128xbf16, #tpu.memory_space<vmem>>, vector<32xbf16>,
            %max3A_445 = arith.maximumf %get3A_421, %get3A_433 : vector<32xbf16>
            %swap3A_446 = arith.index_cast %while3A_400 : i32 to index
            %swap3A_447 = arith.constant 96 : index
            %swap3A_448 = tpu.vector_load %arg9[%swap3A_446, %swap3A_447] {strides = array<i32>} : memref<625x128xbf16, #tpu.memory_space<vmem>>, vector<32xbf16>,
            tpu.vector_store %arg9[%swap3A_446, %swap3A_447], %max3A_445 {strides = array<i32>} : memref<625x128xbf16, #tpu.memory_space<vmem>>, vector<32xbf16>,
            scf.yield %squeeze3A_409 : i32
          }
        } else {
        }
        %while3A_371 = arith.constant 0 : i32
        scf.yield %while3A_371 : i32
      }
      %while3A_187 = arith.constant 1 : i32
      %while3A_188 = scf.for %while3A_339 = %while3A_184 to %while3A_180 step %while3A_187 iter_args(%while3A_340 = %while3A_186) -> (i32)  : i32 {
        %mul3A_341 = arith.constant 2 : i32
        %mul3A_342 = arith.muli %mul3A_341, %while3A_339 : i32
        %add3A_343 = arith.constant 1 : i32
        %add3A_344 = arith.addi %mul3A_342, %add3A_343 : i32
        %lt3A_345 = arith.cmpi slt, %add3A_344, %select_n3A : i32
        %convert_element_type3A_346 = arith.extui %lt3A_345 : i1 to i32
        %cond3A_347 = arith.constant 0 : i32
        %cond3A_348 = arith.cmpi ne, %convert_element_type3A_346, %cond3A_347 : i32
        scf.if %cond3A_348 {
          %mul3A_372 = arith.constant 64 : i32
          %mul3A_373 = arith.muli %add3A_344, %mul3A_372 : i32
          %dma_start3A_374 = tpu.memref_slice %arg14[%mul3A_373] : memref<4112xi32, #tpu.memory_space<vmem>> -> memref<64xi32, #tpu.memory_space<vmem>>
          %dma_start3A_375 = arith.constant 0 : i32
          %dma_start3A_376 = arith.constant 0 : i32
          %dma_start3A_377 = tpu.memref_slice %arg8[%dma_start3A_375, %dma_start3A_376] : memref<10000x128xbf16, #tpu.memory_space<vmem_shared>> -> memref<10000x128xbf16, #tpu.memory_space<vmem_shared>>
          tpu.enqueue_indirect_dma source(%dma_start3A_377 : memref<10000x128xbf16, #tpu.memory_space<vmem_shared>>) target(%arg17 : memref<64x128xbf16, #tpu.memory_space<vmem>>) offsets(%dma_start3A_374 : memref<64xi32, #tpu.memory_space<vmem>>) semaphore(%arg23 : memref<!tpu.dma_semaphore, #tpu.memory_space<semaphore_mem>>)
        } else {
        }
        %mul3A_349 = arith.constant 2 : i32
        %mul3A_350 = arith.muli %mul3A_349, %while3A_339 : i32
        %lt3A_351 = arith.cmpi slt, %mul3A_350, %select_n3A : i32
        %convert_element_type3A_352 = arith.extui %lt3A_351 : i1 to i32
        %cond3A_353 = arith.constant 0 : i32
        %cond3A_354 = arith.cmpi ne, %convert_element_type3A_352, %cond3A_353 : i32
        scf.if %cond3A_354 {
          %dma_wait3A_372 = arith.constant 0 : i32
          %dma_wait3A_373 = arith.constant 0 : i32
          %dma_wait3A_374 = tpu.memref_slice %arg8[%dma_wait3A_372, %dma_wait3A_373] : memref<10000x128xbf16, #tpu.memory_space<vmem_shared>> -> memref<64x128xbf16, #tpu.memory_space<vmem_shared>>
          %dma_wait3A_375 = arith.constant 0 : i32
          %dma_wait3A_376 = arith.constant 0 : i32
          %dma_wait3A_377 = tpu.memref_slice %arg8[%dma_wait3A_375, %dma_wait3A_376] : memref<10000x128xbf16, #tpu.memory_space<vmem_shared>> -> memref<64x128xbf16, #tpu.memory_space<vmem_shared>>
          tpu.wait_dma2 semaphore(%arg22 : memref<!tpu.dma_semaphore, #tpu.memory_space<semaphore_mem>>) src(%dma_wait3A_377 : memref<64x128xbf16, #tpu.memory_space<vmem_shared>>) dst(%arg16 : memref<64x128xbf16, #tpu.memory_space<vmem>>)
          %mul3A_378 = arith.constant 64 : i32
          %mul3A_379 = arith.muli %mul3A_350, %mul3A_378 : i32
          %get3A_380 = arith.index_cast %mul3A_379 : i32 to index
          %get3A_381 = tpu.vector_load %arg15[%get3A_380] {strides = array<i32>} : memref<4112xi32, #tpu.memory_space<vmem>>, vector<16xi32>,
          %slice3A_382 = vector.extract_strided_slice %get3A_381 {offsets = [0], sizes = [1], strides = [1]} : vector<16xi32> to vector<1xi32>
          %squeeze3A_383 = vector.extract %slice3A_382[0] : i32 from vector<1xi32>
          %mul3A_384 = arith.constant 64 : i32
          %mul3A_385 = arith.muli %mul3A_350, %mul3A_384 : i32
          %sub3A_386 = arith.subi %add3A_124, %mul3A_385 : i32
          %min3A = arith.constant 64 : i32
          %min3A_387 = arith.minsi %sub3A_386, %min3A : i32
          %while3A_388 = arith.constant 0 : i32
          %while3A_389 = arith.subi %min3A_387, %while3A_388 : i32
          %while3A_390 = arith.addi %while3A_388, %while3A_389 : i32
          %while3A_391 = arith.constant 1 : i32
          %while3A_392 = arith.divsi %while3A_389, %while3A_391 : i32
          %while3A_393 = arith.muli %while3A_392, %while3A_391 : i32
          %while3A_394 = arith.addi %while3A_388, %while3A_393 : i32
          %while3A_395 = arith.constant 1 : i32
          %while3A_396 = scf.for %while3A_399 = %while3A_388 to %while3A_394 step %while3A_395 iter_args(%while3A_400 = %squeeze3A_383) -> (i32)  : i32 {
            %mul3A_401 = arith.constant 64 : i32
            %mul3A_402 = arith.muli %mul3A_350, %mul3A_401 : i32
            %add3A_403 = arith.addi %mul3A_402, %while3A_399 : i32
            %add3A_404 = arith.constant 1 : i32
            %add3A_405 = arith.addi %add3A_403, %add3A_404 : i32
            %get3A_406 = arith.index_cast %add3A_405 : i32 to index
            %get3A_407 = tpu.vector_load %arg15[%get3A_406] {strides = array<i32>} : memref<4112xi32, #tpu.memory_space<vmem>>, vector<16xi32>,
            %slice3A_408 = vector.extract_strided_slice %get3A_407 {offsets = [0], sizes = [1], strides = [1]} : vector<16xi32> to vector<1xi32>
            %squeeze3A_409 = vector.extract %slice3A_408[0] : i32 from vector<1xi32>
            %get3A_410 = arith.index_cast %while3A_400 : i32 to index
            %get3A_411 = arith.constant 0 : index
            %get3A_412 = tpu.vector_load %arg9[%get3A_410, %get3A_411] {strides = array<i32>} : memref<625x128xbf16, #tpu.memory_space<vmem>>, vector<32xbf16>,
            %get3A_413 = arith.index_cast %while3A_400 : i32 to index
            %get3A_414 = arith.constant 32 : index
            %get3A_415 = tpu.vector_load %arg9[%get3A_413, %get3A_414] {strides = array<i32>} : memref<625x128xbf16, #tpu.memory_space<vmem>>, vector<32xbf16>,
            %get3A_416 = arith.index_cast %while3A_400 : i32 to index
            %get3A_417 = arith.constant 64 : index
            %get3A_418 = tpu.vector_load %arg9[%get3A_416, %get3A_417] {strides = array<i32>} : memref<625x128xbf16, #tpu.memory_space<vmem>>, vector<32xbf16>,
            %get3A_419 = arith.index_cast %while3A_400 : i32 to index
            %get3A_420 = arith.constant 96 : index
            %get3A_421 = tpu.vector_load %arg9[%get3A_419, %get3A_420] {strides = array<i32>} : memref<625x128xbf16, #tpu.memory_space<vmem>>, vector<32xbf16>,
            %get3A_422 = arith.index_cast %while3A_399 : i32 to index
            %get3A_423 = arith.constant 0 : index
            %get3A_424 = tpu.vector_load %arg16[%get3A_422, %get3A_423] {strides = array<i32>} : memref<64x128xbf16, #tpu.memory_space<vmem>>, vector<32xbf16>,
            %get3A_425 = arith.index_cast %while3A_399 : i32 to index
            %get3A_426 = arith.constant 32 : index
            %get3A_427 = tpu.vector_load %arg16[%get3A_425, %get3A_426] {strides = array<i32>} : memref<64x128xbf16, #tpu.memory_space<vmem>>, vector<32xbf16>,
            %get3A_428 = arith.index_cast %while3A_399 : i32 to index
            %get3A_429 = arith.constant 64 : index
            %get3A_430 = tpu.vector_load %arg16[%get3A_428, %get3A_429] {strides = array<i32>} : memref<64x128xbf16, #tpu.memory_space<vmem>>, vector<32xbf16>,
            %get3A_431 = arith.index_cast %while3A_399 : i32 to index
            %get3A_432 = arith.constant 96 : index
            %get3A_433 = tpu.vector_load %arg16[%get3A_431, %get3A_432] {strides = array<i32>} : memref<64x128xbf16, #tpu.memory_space<vmem>>, vector<32xbf16>,
            %max3A = arith.maximumf %get3A_412, %get3A_424 : vector<32xbf16>
            %swap3A_434 = arith.index_cast %while3A_400 : i32 to index
            %swap3A_435 = arith.constant 0 : index
            %swap3A_436 = tpu.vector_load %arg9[%swap3A_434, %swap3A_435] {strides = array<i32>} : memref<625x128xbf16, #tpu.memory_space<vmem>>, vector<32xbf16>,
            tpu.vector_store %arg9[%swap3A_434, %swap3A_435], %max3A {strides = array<i32>} : memref<625x128xbf16, #tpu.memory_space<vmem>>, vector<32xbf16>,
            %max3A_437 = arith.maximumf %get3A_415, %get3A_427 : vector<32xbf16>
            %swap3A_438 = arith.index_cast %while3A_400 : i32 to index
            %swap3A_439 = arith.constant 32 : index
            %swap3A_440 = tpu.vector_load %arg9[%swap3A_438, %swap3A_439] {strides = array<i32>} : memref<625x128xbf16, #tpu.memory_space<vmem>>, vector<32xbf16>,
            tpu.vector_store %arg9[%swap3A_438, %swap3A_439], %max3A_437 {strides = array<i32>} : memref<625x128xbf16, #tpu.memory_space<vmem>>, vector<32xbf16>,
            %max3A_441 = arith.maximumf %get3A_418, %get3A_430 : vector<32xbf16>
            %swap3A_442 = arith.index_cast %while3A_400 : i32 to index
            %swap3A_443 = arith.constant 64 : index
            %swap3A_444 = tpu.vector_load %arg9[%swap3A_442, %swap3A_443] {strides = array<i32>} : memref<625x128xbf16, #tpu.memory_space<vmem>>, vector<32xbf16>,
            tpu.vector_store %arg9[%swap3A_442, %swap3A_443], %max3A_441 {strides = array<i32>} : memref<625x128xbf16, #tpu.memory_space<vmem>>, vector<32xbf16>,
            %max3A_445 = arith.maximumf %get3A_421, %get3A_433 : vector<32xbf16>
            %swap3A_446 = arith.index_cast %while3A_400 : i32 to index
            %swap3A_447 = arith.constant 96 : index
            %swap3A_448 = tpu.vector_load %arg9[%swap3A_446, %swap3A_447] {strides = array<i32>} : memref<625x128xbf16, #tpu.memory_space<vmem>>, vector<32xbf16>,
            tpu.vector_store %arg9[%swap3A_446, %swap3A_447], %max3A_445 {strides = array<i32>} : memref<625x128xbf16, #tpu.memory_space<vmem>>, vector<32xbf16>,
            scf.yield %squeeze3A_409 : i32
          }
          %while3A_397 = arith.constant 1 : i32
          %while3A_398 = scf.for %while3A_399 = %while3A_394 to %while3A_390 step %while3A_397 iter_args(%while3A_400 = %while3A_396) -> (i32)  : i32 {
            %mul3A_401 = arith.constant 64 : i32
            %mul3A_402 = arith.muli %mul3A_350, %mul3A_401 : i32
            %add3A_403 = arith.addi %mul3A_402, %while3A_399 : i32
            %add3A_404 = arith.constant 1 : i32
            %add3A_405 = arith.addi %add3A_403, %add3A_404 : i32
            %get3A_406 = arith.index_cast %add3A_405 : i32 to index
            %get3A_407 = tpu.vector_load %arg15[%get3A_406] {strides = array<i32>} : memref<4112xi32, #tpu.memory_space<vmem>>, vector<16xi32>,
            %slice3A_408 = vector.extract_strided_slice %get3A_407 {offsets = [0], sizes = [1], strides = [1]} : vector<16xi32> to vector<1xi32>
            %squeeze3A_409 = vector.extract %slice3A_408[0] : i32 from vector<1xi32>
            %get3A_410 = arith.index_cast %while3A_400 : i32 to index
            %get3A_411 = arith.constant 0 : index
            %get3A_412 = tpu.vector_load %arg9[%get3A_410, %get3A_411] {strides = array<i32>} : memref<625x128xbf16, #tpu.memory_space<vmem>>, vector<32xbf16>,
            %get3A_413 = arith.index_cast %while3A_400 : i32 to index
            %get3A_414 = arith.constant 32 : index
            %get3A_415 = tpu.vector_load %arg9[%get3A_413, %get3A_414] {strides = array<i32>} : memref<625x128xbf16, #tpu.memory_space<vmem>>, vector<32xbf16>,
            %get3A_416 = arith.index_cast %while3A_400 : i32 to index
            %get3A_417 = arith.constant 64 : index
            %get3A_418 = tpu.vector_load %arg9[%get3A_416, %get3A_417] {strides = array<i32>} : memref<625x128xbf16, #tpu.memory_space<vmem>>, vector<32xbf16>,
            %get3A_419 = arith.index_cast %while3A_400 : i32 to index
            %get3A_420 = arith.constant 96 : index
            %get3A_421 = tpu.vector_load %arg9[%get3A_419, %get3A_420] {strides = array<i32>} : memref<625x128xbf16, #tpu.memory_space<vmem>>, vector<32xbf16>,
            %get3A_422 = arith.index_cast %while3A_399 : i32 to index
            %get3A_423 = arith.constant 0 : index
            %get3A_424 = tpu.vector_load %arg16[%get3A_422, %get3A_423] {strides = array<i32>} : memref<64x128xbf16, #tpu.memory_space<vmem>>, vector<32xbf16>,
            %get3A_425 = arith.index_cast %while3A_399 : i32 to index
            %get3A_426 = arith.constant 32 : index
            %get3A_427 = tpu.vector_load %arg16[%get3A_425, %get3A_426] {strides = array<i32>} : memref<64x128xbf16, #tpu.memory_space<vmem>>, vector<32xbf16>,
            %get3A_428 = arith.index_cast %while3A_399 : i32 to index
            %get3A_429 = arith.constant 64 : index
            %get3A_430 = tpu.vector_load %arg16[%get3A_428, %get3A_429] {strides = array<i32>} : memref<64x128xbf16, #tpu.memory_space<vmem>>, vector<32xbf16>,
            %get3A_431 = arith.index_cast %while3A_399 : i32 to index
            %get3A_432 = arith.constant 96 : index
            %get3A_433 = tpu.vector_load %arg16[%get3A_431, %get3A_432] {strides = array<i32>} : memref<64x128xbf16, #tpu.memory_space<vmem>>, vector<32xbf16>,
            %max3A = arith.maximumf %get3A_412, %get3A_424 : vector<32xbf16>
            %swap3A_434 = arith.index_cast %while3A_400 : i32 to index
            %swap3A_435 = arith.constant 0 : index
            %swap3A_436 = tpu.vector_load %arg9[%swap3A_434, %swap3A_435] {strides = array<i32>} : memref<625x128xbf16, #tpu.memory_space<vmem>>, vector<32xbf16>,
            tpu.vector_store %arg9[%swap3A_434, %swap3A_435], %max3A {strides = array<i32>} : memref<625x128xbf16, #tpu.memory_space<vmem>>, vector<32xbf16>,
            %max3A_437 = arith.maximumf %get3A_415, %get3A_427 : vector<32xbf16>
            %swap3A_438 = arith.index_cast %while3A_400 : i32 to index
            %swap3A_439 = arith.constant 32 : index
            %swap3A_440 = tpu.vector_load %arg9[%swap3A_438, %swap3A_439] {strides = array<i32>} : memref<625x128xbf16, #tpu.memory_space<vmem>>, vector<32xbf16>,
            tpu.vector_store %arg9[%swap3A_438, %swap3A_439], %max3A_437 {strides = array<i32>} : memref<625x128xbf16, #tpu.memory_space<vmem>>, vector<32xbf16>,
            %max3A_441 = arith.maximumf %get3A_418, %get3A_430 : vector<32xbf16>
            %swap3A_442 = arith.index_cast %while3A_400 : i32 to index
            %swap3A_443 = arith.constant 64 : index
            %swap3A_444 = tpu.vector_load %arg9[%swap3A_442, %swap3A_443] {strides = array<i32>} : memref<625x128xbf16, #tpu.memory_space<vmem>>, vector<32xbf16>,
            tpu.vector_store %arg9[%swap3A_442, %swap3A_443], %max3A_441 {strides = array<i32>} : memref<625x128xbf16, #tpu.memory_space<vmem>>, vector<32xbf16>,
            %max3A_445 = arith.maximumf %get3A_421, %get3A_433 : vector<32xbf16>
            %swap3A_446 = arith.index_cast %while3A_400 : i32 to index
            %swap3A_447 = arith.constant 96 : index
            %swap3A_448 = tpu.vector_load %arg9[%swap3A_446, %swap3A_447] {strides = array<i32>} : memref<625x128xbf16, #tpu.memory_space<vmem>>, vector<32xbf16>,
            tpu.vector_store %arg9[%swap3A_446, %swap3A_447], %max3A_445 {strides = array<i32>} : memref<625x128xbf16, #tpu.memory_space<vmem>>, vector<32xbf16>,
            scf.yield %squeeze3A_409 : i32
          }
        } else {
        }
        %mul3A_355 = arith.constant 2 : i32
        %mul3A_356 = arith.muli %mul3A_355, %while3A_339 : i32
        %add3A_357 = arith.constant 2 : i32
        %add3A_358 = arith.addi %mul3A_356, %add3A_357 : i32
        %lt3A_359 = arith.cmpi slt, %add3A_358, %select_n3A : i32
        %convert_element_type3A_360 = arith.extui %lt3A_359 : i1 to i32
        %cond3A_361 = arith.constant 0 : i32
        %cond3A_362 = arith.cmpi ne, %convert_element_type3A_360, %cond3A_361 : i32
        scf.if %cond3A_362 {
          %mul3A_372 = arith.constant 64 : i32
          %mul3A_373 = arith.muli %add3A_358, %mul3A_372 : i32
          %dma_start3A_374 = tpu.memref_slice %arg14[%mul3A_373] : memref<4112xi32, #tpu.memory_space<vmem>> -> memref<64xi32, #tpu.memory_space<vmem>>
          %dma_start3A_375 = arith.constant 0 : i32
          %dma_start3A_376 = arith.constant 0 : i32
          %dma_start3A_377 = tpu.memref_slice %arg8[%dma_start3A_375, %dma_start3A_376] : memref<10000x128xbf16, #tpu.memory_space<vmem_shared>> -> memref<10000x128xbf16, #tpu.memory_space<vmem_shared>>
          tpu.enqueue_indirect_dma source(%dma_start3A_377 : memref<10000x128xbf16, #tpu.memory_space<vmem_shared>>) target(%arg16 : memref<64x128xbf16, #tpu.memory_space<vmem>>) offsets(%dma_start3A_374 : memref<64xi32, #tpu.memory_space<vmem>>) semaphore(%arg22 : memref<!tpu.dma_semaphore, #tpu.memory_space<semaphore_mem>>)
        } else {
        }
        %mul3A_363 = arith.constant 2 : i32
        %mul3A_364 = arith.muli %mul3A_363, %while3A_339 : i32
        %add3A_365 = arith.constant 1 : i32
        %add3A_366 = arith.addi %mul3A_364, %add3A_365 : i32
        %lt3A_367 = arith.cmpi slt, %add3A_366, %select_n3A : i32
        %convert_element_type3A_368 = arith.extui %lt3A_367 : i1 to i32
        %cond3A_369 = arith.constant 0 : i32
        %cond3A_370 = arith.cmpi ne, %convert_element_type3A_368, %cond3A_369 : i32
        scf.if %cond3A_370 {
          %dma_wait3A_372 = arith.constant 0 : i32
          %dma_wait3A_373 = arith.constant 0 : i32
          %dma_wait3A_374 = tpu.memref_slice %arg8[%dma_wait3A_372, %dma_wait3A_373] : memref<10000x128xbf16, #tpu.memory_space<vmem_shared>> -> memref<64x128xbf16, #tpu.memory_space<vmem_shared>>
          %dma_wait3A_375 = arith.constant 0 : i32
          %dma_wait3A_376 = arith.constant 0 : i32
          %dma_wait3A_377 = tpu.memref_slice %arg8[%dma_wait3A_375, %dma_wait3A_376] : memref<10000x128xbf16, #tpu.memory_space<vmem_shared>> -> memref<64x128xbf16, #tpu.memory_space<vmem_shared>>
          tpu.wait_dma2 semaphore(%arg23 : memref<!tpu.dma_semaphore, #tpu.memory_space<semaphore_mem>>) src(%dma_wait3A_377 : memref<64x128xbf16, #tpu.memory_space<vmem_shared>>) dst(%arg17 : memref<64x128xbf16, #tpu.memory_space<vmem>>)
          %mul3A_378 = arith.constant 64 : i32
          %mul3A_379 = arith.muli %add3A_366, %mul3A_378 : i32
          %get3A_380 = arith.index_cast %mul3A_379 : i32 to index
          %get3A_381 = tpu.vector_load %arg15[%get3A_380] {strides = array<i32>} : memref<4112xi32, #tpu.memory_space<vmem>>, vector<16xi32>,
          %slice3A_382 = vector.extract_strided_slice %get3A_381 {offsets = [0], sizes = [1], strides = [1]} : vector<16xi32> to vector<1xi32>
          %squeeze3A_383 = vector.extract %slice3A_382[0] : i32 from vector<1xi32>
          %mul3A_384 = arith.constant 64 : i32
          %mul3A_385 = arith.muli %add3A_366, %mul3A_384 : i32
          %sub3A_386 = arith.subi %add3A_124, %mul3A_385 : i32
          %min3A = arith.constant 64 : i32
          %min3A_387 = arith.minsi %sub3A_386, %min3A : i32
          %while3A_388 = arith.constant 0 : i32
          %while3A_389 = arith.subi %min3A_387, %while3A_388 : i32
          %while3A_390 = arith.addi %while3A_388, %while3A_389 : i32
          %while3A_391 = arith.constant 1 : i32
          %while3A_392 = arith.divsi %while3A_389, %while3A_391 : i32
          %while3A_393 = arith.muli %while3A_392, %while3A_391 : i32
          %while3A_394 = arith.addi %while3A_388, %while3A_393 : i32
          %while3A_395 = arith.constant 1 : i32
          %while3A_396 = scf.for %while3A_399 = %while3A_388 to %while3A_394 step %while3A_395 iter_args(%while3A_400 = %squeeze3A_383) -> (i32)  : i32 {
            %mul3A_401 = arith.constant 64 : i32
            %mul3A_402 = arith.muli %add3A_366, %mul3A_401 : i32
            %add3A_403 = arith.addi %mul3A_402, %while3A_399 : i32
            %add3A_404 = arith.constant 1 : i32
            %add3A_405 = arith.addi %add3A_403, %add3A_404 : i32
            %get3A_406 = arith.index_cast %add3A_405 : i32 to index
            %get3A_407 = tpu.vector_load %arg15[%get3A_406] {strides = array<i32>} : memref<4112xi32, #tpu.memory_space<vmem>>, vector<16xi32>,
            %slice3A_408 = vector.extract_strided_slice %get3A_407 {offsets = [0], sizes = [1], strides = [1]} : vector<16xi32> to vector<1xi32>
            %squeeze3A_409 = vector.extract %slice3A_408[0] : i32 from vector<1xi32>
            %get3A_410 = arith.index_cast %while3A_400 : i32 to index
            %get3A_411 = arith.constant 0 : index
            %get3A_412 = tpu.vector_load %arg9[%get3A_410, %get3A_411] {strides = array<i32>} : memref<625x128xbf16, #tpu.memory_space<vmem>>, vector<32xbf16>,
            %get3A_413 = arith.index_cast %while3A_400 : i32 to index
            %get3A_414 = arith.constant 32 : index
            %get3A_415 = tpu.vector_load %arg9[%get3A_413, %get3A_414] {strides = array<i32>} : memref<625x128xbf16, #tpu.memory_space<vmem>>, vector<32xbf16>,
            %get3A_416 = arith.index_cast %while3A_400 : i32 to index
            %get3A_417 = arith.constant 64 : index
            %get3A_418 = tpu.vector_load %arg9[%get3A_416, %get3A_417] {strides = array<i32>} : memref<625x128xbf16, #tpu.memory_space<vmem>>, vector<32xbf16>,
            %get3A_419 = arith.index_cast %while3A_400 : i32 to index
            %get3A_420 = arith.constant 96 : index
            %get3A_421 = tpu.vector_load %arg9[%get3A_419, %get3A_420] {strides = array<i32>} : memref<625x128xbf16, #tpu.memory_space<vmem>>, vector<32xbf16>,
            %get3A_422 = arith.index_cast %while3A_399 : i32 to index
            %get3A_423 = arith.constant 0 : index
            %get3A_424 = tpu.vector_load %arg17[%get3A_422, %get3A_423] {strides = array<i32>} : memref<64x128xbf16, #tpu.memory_space<vmem>>, vector<32xbf16>,
            %get3A_425 = arith.index_cast %while3A_399 : i32 to index
            %get3A_426 = arith.constant 32 : index
            %get3A_427 = tpu.vector_load %arg17[%get3A_425, %get3A_426] {strides = array<i32>} : memref<64x128xbf16, #tpu.memory_space<vmem>>, vector<32xbf16>,
            %get3A_428 = arith.index_cast %while3A_399 : i32 to index
            %get3A_429 = arith.constant 64 : index
            %get3A_430 = tpu.vector_load %arg17[%get3A_428, %get3A_429] {strides = array<i32>} : memref<64x128xbf16, #tpu.memory_space<vmem>>, vector<32xbf16>,
            %get3A_431 = arith.index_cast %while3A_399 : i32 to index
            %get3A_432 = arith.constant 96 : index
            %get3A_433 = tpu.vector_load %arg17[%get3A_431, %get3A_432] {strides = array<i32>} : memref<64x128xbf16, #tpu.memory_space<vmem>>, vector<32xbf16>,
            %max3A = arith.maximumf %get3A_412, %get3A_424 : vector<32xbf16>
            %swap3A_434 = arith.index_cast %while3A_400 : i32 to index
            %swap3A_435 = arith.constant 0 : index
            %swap3A_436 = tpu.vector_load %arg9[%swap3A_434, %swap3A_435] {strides = array<i32>} : memref<625x128xbf16, #tpu.memory_space<vmem>>, vector<32xbf16>,
            tpu.vector_store %arg9[%swap3A_434, %swap3A_435], %max3A {strides = array<i32>} : memref<625x128xbf16, #tpu.memory_space<vmem>>, vector<32xbf16>,
            %max3A_437 = arith.maximumf %get3A_415, %get3A_427 : vector<32xbf16>
            %swap3A_438 = arith.index_cast %while3A_400 : i32 to index
            %swap3A_439 = arith.constant 32 : index
            %swap3A_440 = tpu.vector_load %arg9[%swap3A_438, %swap3A_439] {strides = array<i32>} : memref<625x128xbf16, #tpu.memory_space<vmem>>, vector<32xbf16>,
            tpu.vector_store %arg9[%swap3A_438, %swap3A_439], %max3A_437 {strides = array<i32>} : memref<625x128xbf16, #tpu.memory_space<vmem>>, vector<32xbf16>,
            %max3A_441 = arith.maximumf %get3A_418, %get3A_430 : vector<32xbf16>
            %swap3A_442 = arith.index_cast %while3A_400 : i32 to index
            %swap3A_443 = arith.constant 64 : index
            %swap3A_444 = tpu.vector_load %arg9[%swap3A_442, %swap3A_443] {strides = array<i32>} : memref<625x128xbf16, #tpu.memory_space<vmem>>, vector<32xbf16>,
            tpu.vector_store %arg9[%swap3A_442, %swap3A_443], %max3A_441 {strides = array<i32>} : memref<625x128xbf16, #tpu.memory_space<vmem>>, vector<32xbf16>,
            %max3A_445 = arith.maximumf %get3A_421, %get3A_433 : vector<32xbf16>
            %swap3A_446 = arith.index_cast %while3A_400 : i32 to index
            %swap3A_447 = arith.constant 96 : index
            %swap3A_448 = tpu.vector_load %arg9[%swap3A_446, %swap3A_447] {strides = array<i32>} : memref<625x128xbf16, #tpu.memory_space<vmem>>, vector<32xbf16>,
            tpu.vector_store %arg9[%swap3A_446, %swap3A_447], %max3A_445 {strides = array<i32>} : memref<625x128xbf16, #tpu.memory_space<vmem>>, vector<32xbf16>,
            scf.yield %squeeze3A_409 : i32
          }
          %while3A_397 = arith.constant 1 : i32
          %while3A_398 = scf.for %while3A_399 = %while3A_394 to %while3A_390 step %while3A_397 iter_args(%while3A_400 = %while3A_396) -> (i32)  : i32 {
            %mul3A_401 = arith.constant 64 : i32
            %mul3A_402 = arith.muli %add3A_366, %mul3A_401 : i32
            %add3A_403 = arith.addi %mul3A_402, %while3A_399 : i32
            %add3A_404 = arith.constant 1 : i32
            %add3A_405 = arith.addi %add3A_403, %add3A_404 : i32
            %get3A_406 = arith.index_cast %add3A_405 : i32 to index
            %get3A_407 = tpu.vector_load %arg15[%get3A_406] {strides = array<i32>} : memref<4112xi32, #tpu.memory_space<vmem>>, vector<16xi32>,
            %slice3A_408 = vector.extract_strided_slice %get3A_407 {offsets = [0], sizes = [1], strides = [1]} : vector<16xi32> to vector<1xi32>
            %squeeze3A_409 = vector.extract %slice3A_408[0] : i32 from vector<1xi32>
            %get3A_410 = arith.index_cast %while3A_400 : i32 to index
            %get3A_411 = arith.constant 0 : index
            %get3A_412 = tpu.vector_load %arg9[%get3A_410, %get3A_411] {strides = array<i32>} : memref<625x128xbf16, #tpu.memory_space<vmem>>, vector<32xbf16>,
            %get3A_413 = arith.index_cast %while3A_400 : i32 to index
            %get3A_414 = arith.constant 32 : index
            %get3A_415 = tpu.vector_load %arg9[%get3A_413, %get3A_414] {strides = array<i32>} : memref<625x128xbf16, #tpu.memory_space<vmem>>, vector<32xbf16>,
            %get3A_416 = arith.index_cast %while3A_400 : i32 to index
            %get3A_417 = arith.constant 64 : index
            %get3A_418 = tpu.vector_load %arg9[%get3A_416, %get3A_417] {strides = array<i32>} : memref<625x128xbf16, #tpu.memory_space<vmem>>, vector<32xbf16>,
            %get3A_419 = arith.index_cast %while3A_400 : i32 to index
            %get3A_420 = arith.constant 96 : index
            %get3A_421 = tpu.vector_load %arg9[%get3A_419, %get3A_420] {strides = array<i32>} : memref<625x128xbf16, #tpu.memory_space<vmem>>, vector<32xbf16>,
            %get3A_422 = arith.index_cast %while3A_399 : i32 to index
            %get3A_423 = arith.constant 0 : index
            %get3A_424 = tpu.vector_load %arg17[%get3A_422, %get3A_423] {strides = array<i32>} : memref<64x128xbf16, #tpu.memory_space<vmem>>, vector<32xbf16>,
            %get3A_425 = arith.index_cast %while3A_399 : i32 to index
            %get3A_426 = arith.constant 32 : index
            %get3A_427 = tpu.vector_load %arg17[%get3A_425, %get3A_426] {strides = array<i32>} : memref<64x128xbf16, #tpu.memory_space<vmem>>, vector<32xbf16>,
            %get3A_428 = arith.index_cast %while3A_399 : i32 to index
            %get3A_429 = arith.constant 64 : index
            %get3A_430 = tpu.vector_load %arg17[%get3A_428, %get3A_429] {strides = array<i32>} : memref<64x128xbf16, #tpu.memory_space<vmem>>, vector<32xbf16>,
            %get3A_431 = arith.index_cast %while3A_399 : i32 to index
            %get3A_432 = arith.constant 96 : index
            %get3A_433 = tpu.vector_load %arg17[%get3A_431, %get3A_432] {strides = array<i32>} : memref<64x128xbf16, #tpu.memory_space<vmem>>, vector<32xbf16>,
            %max3A = arith.maximumf %get3A_412, %get3A_424 : vector<32xbf16>
            %swap3A_434 = arith.index_cast %while3A_400 : i32 to index
            %swap3A_435 = arith.constant 0 : index
            %swap3A_436 = tpu.vector_load %arg9[%swap3A_434, %swap3A_435] {strides = array<i32>} : memref<625x128xbf16, #tpu.memory_space<vmem>>, vector<32xbf16>,
            tpu.vector_store %arg9[%swap3A_434, %swap3A_435], %max3A {strides = array<i32>} : memref<625x128xbf16, #tpu.memory_space<vmem>>, vector<32xbf16>,
            %max3A_437 = arith.maximumf %get3A_415, %get3A_427 : vector<32xbf16>
            %swap3A_438 = arith.index_cast %while3A_400 : i32 to index
            %swap3A_439 = arith.constant 32 : index
            %swap3A_440 = tpu.vector_load %arg9[%swap3A_438, %swap3A_439] {strides = array<i32>} : memref<625x128xbf16, #tpu.memory_space<vmem>>, vector<32xbf16>,
            tpu.vector_store %arg9[%swap3A_438, %swap3A_439], %max3A_437 {strides = array<i32>} : memref<625x128xbf16, #tpu.memory_space<vmem>>, vector<32xbf16>,
            %max3A_441 = arith.maximumf %get3A_418, %get3A_430 : vector<32xbf16>
            %swap3A_442 = arith.index_cast %while3A_400 : i32 to index
            %swap3A_443 = arith.constant 64 : index
            %swap3A_444 = tpu.vector_load %arg9[%swap3A_442, %swap3A_443] {strides = array<i32>} : memref<625x128xbf16, #tpu.memory_space<vmem>>, vector<32xbf16>,
            tpu.vector_store %arg9[%swap3A_442, %swap3A_443], %max3A_441 {strides = array<i32>} : memref<625x128xbf16, #tpu.memory_space<vmem>>, vector<32xbf16>,
            %max3A_445 = arith.maximumf %get3A_421, %get3A_433 : vector<32xbf16>
            %swap3A_446 = arith.index_cast %while3A_400 : i32 to index
            %swap3A_447 = arith.constant 96 : index
            %swap3A_448 = tpu.vector_load %arg9[%swap3A_446, %swap3A_447] {strides = array<i32>} : memref<625x128xbf16, #tpu.memory_space<vmem>>, vector<32xbf16>,
            tpu.vector_store %arg9[%swap3A_446, %swap3A_447], %max3A_445 {strides = array<i32>} : memref<625x128xbf16, #tpu.memory_space<vmem>>, vector<32xbf16>,
            scf.yield %squeeze3A_409 : i32
          }
        } else {
        }
        %while3A_371 = arith.constant 0 : i32
        scf.yield %while3A_371 : i32
      }
      %lt3A_189 = arith.constant 19 : i32
      %lt3A_190 = arith.cmpi slt, %scan3A_51, %lt3A_189 : i32
      %convert_element_type3A_191 = arith.extui %lt3A_190 : i1 to i32
      %cond3A_192 = arith.constant 0 : i32
      %cond3A_193 = arith.cmpi ne, %convert_element_type3A_191, %cond3A_192 : i32
      scf.if %cond3A_193 {
        %mul3A_339 = arith.constant 2 : i32
        %mul3A_340 = arith.muli %mul3A_339, %scan3A_51 : i32
        %add3A_341 = arith.constant 2 : i32
        %add3A_342 = arith.addi %mul3A_340, %add3A_341 : i32
        %mul3A_343 = arith.constant 4000 : i32
        %mul3A_344 = arith.muli %add3A_342, %mul3A_343 : i32
        %dma_start3A_345 = tpu.memref_slice %arg5[%mul3A_344] : memref<160000xi32, #tpu.memory_space<hbm>> -> memref<4000xi32, #tpu.memory_space<hbm>>
        %dma_start3A_346 = tpu.memref_slice %arg5[%mul3A_344] : memref<160000xi32, #tpu.memory_space<hbm>> -> memref<4000xi32, #tpu.memory_space<hbm>>
        tpu.enqueue_dma source(%dma_start3A_346 : memref<4000xi32, #tpu.memory_space<hbm>>) target(%arg10 : memref<4000xi32, #tpu.memory_space<vmem>>) target_semaphore(%arg18 : memref<!tpu.dma_semaphore, #tpu.memory_space<semaphore_mem>>)
        %mul3A_347 = arith.constant 4000 : i32
        %mul3A_348 = arith.muli %add3A_342, %mul3A_347 : i32
        %dma_start3A_349 = tpu.memref_slice %arg4[%mul3A_348] : memref<160000xi32, #tpu.memory_space<hbm>> -> memref<4000xi32, #tpu.memory_space<hbm>>
        %dma_start3A_350 = tpu.memref_slice %arg4[%mul3A_348] : memref<160000xi32, #tpu.memory_space<hbm>> -> memref<4000xi32, #tpu.memory_space<hbm>>
        tpu.enqueue_dma source(%dma_start3A_350 : memref<4000xi32, #tpu.memory_space<hbm>>) target(%arg11 : memref<4000xi32, #tpu.memory_space<vmem>>) target_semaphore(%arg19 : memref<!tpu.dma_semaphore, #tpu.memory_space<semaphore_mem>>)
      } else {
      }
      %dma_wait3A_194 = arith.constant 0 : i32
      %dma_wait3A_195 = tpu.memref_slice %arg5[%dma_wait3A_194] : memref<160000xi32, #tpu.memory_space<hbm>> -> memref<4000xi32, #tpu.memory_space<hbm>>
      %dma_wait3A_196 = arith.constant 0 : i32
      %dma_wait3A_197 = tpu.memref_slice %arg5[%dma_wait3A_196] : memref<160000xi32, #tpu.memory_space<hbm>> -> memref<4000xi32, #tpu.memory_space<hbm>>
      tpu.wait_dma2 semaphore(%arg20 : memref<!tpu.dma_semaphore, #tpu.memory_space<semaphore_mem>>) src(%dma_wait3A_197 : memref<4000xi32, #tpu.memory_space<hbm>>) dst(%arg12 : memref<4000xi32, #tpu.memory_space<vmem>>)
      %dma_wait3A_198 = arith.constant 0 : i32
      %dma_wait3A_199 = tpu.memref_slice %arg4[%dma_wait3A_198] : memref<160000xi32, #tpu.memory_space<hbm>> -> memref<4000xi32, #tpu.memory_space<hbm>>
      %dma_wait3A_200 = arith.constant 0 : i32
      %dma_wait3A_201 = tpu.memref_slice %arg4[%dma_wait3A_200] : memref<160000xi32, #tpu.memory_space<hbm>> -> memref<4000xi32, #tpu.memory_space<hbm>>
      tpu.wait_dma2 semaphore(%arg21 : memref<!tpu.dma_semaphore, #tpu.memory_space<semaphore_mem>>) src(%dma_wait3A_201 : memref<4000xi32, #tpu.memory_space<hbm>>) dst(%arg13 : memref<4000xi32, #tpu.memory_space<vmem>>)
      %mul3A_202 = arith.constant 2 : i32
      %mul3A_203 = arith.muli %mul3A_202, %scan3A_51 : i32
      %add3A_204 = arith.constant 1 : i32
      %add3A_205 = arith.addi %mul3A_203, %add3A_204 : i32
      %scan3A_206 = arith.constant 0 : i32
      %scan3A_207 = arith.constant 0 : i32
      %scan3A_208 = arith.constant 248 : i32
      %scan3A_209 = arith.addi %scan3A_207, %scan3A_208 : i32
      %scan3A_210 = arith.constant 4 : i32
      %scan3A_211 = scf.for %scan3A_339 = %scan3A_207 to %scan3A_209 step %scan3A_210 iter_args(%scan3A_340 = %scan3A_206) -> (i32)  : i32 {
        %mul3A_341 = arith.constant 16 : i32
        %mul3A_342 = arith.muli %scan3A_339, %mul3A_341 : i32
        %get3A_343 = arith.index_cast %mul3A_342 : i32 to index
        %get3A_344 = tpu.vector_load %arg12[%get3A_343] {strides = array<i32>} : memref<4000xi32, #tpu.memory_space<vmem>>, vector<16xi32>,
        %mul3A_345 = arith.constant 16 : i32
        %mul3A_346 = arith.muli %scan3A_339, %mul3A_345 : i32
        %get3A_347 = arith.index_cast %mul3A_346 : i32 to index
        %get3A_348 = tpu.vector_load %arg13[%get3A_347] {strides = array<i32>} : memref<4000xi32, #tpu.memory_space<vmem>>, vector<16xi32>,
        %ge3A_349 = vector.broadcast %mul3A_0 : i32 to vector<16xi32>
        %ge3A_350 = arith.cmpi sge, %get3A_344, %ge3A_349 : vector<16xi32>
        %add3A_351 = arith.constant 625 : i32
        %add3A_352 = arith.addi %mul3A_0, %add3A_351 : i32
        %lt3A_353 = vector.broadcast %add3A_352 : i32 to vector<16xi32>
        %lt3A_354 = arith.cmpi slt, %get3A_344, %lt3A_353 : vector<16xi32>
        %and3A_355 = arith.andi %ge3A_350, %lt3A_354 : vector<16xi1>
        %all_reduce_population_count3A_356 = tpu.all_reduce %and3A_355 {dim = 0 : i64, kind = #tpu.reduction_kind<sum>} : vector<16xi1> -> vector<16xi32>
        %slice3A_357 = vector.extract_strided_slice %all_reduce_population_count3A_356 {offsets = [0], sizes = [1], strides = [1]} : vector<16xi32> to vector<1xi32>
        %squeeze3A_358 = vector.extract %slice3A_357[0] : i32 from vector<1xi32>
        %swap3A_359 = arith.index_cast %scan3A_340 : i32 to index
        %swap3A_360 = tpu.vector_load %arg14[%swap3A_359] masked %and3A_355 {strides = array<i32>} : memref<4112xi32, #tpu.memory_space<vmem>>, vector<16xi32>, vector<16xi1>
        tpu.vector_store %arg14[%swap3A_359], %get3A_348 masked %and3A_355 {strides = array<i32>} : memref<4112xi32, #tpu.memory_space<vmem>>, vector<16xi32>, vector<16xi1>
        %sub3A_361 = vector.broadcast %mul3A_0 : i32 to vector<16xi32>
        %sub3A_362 = arith.subi %get3A_344, %sub3A_361 : vector<16xi32>
        %swap3A_363 = arith.index_cast %scan3A_340 : i32 to index
        %swap3A_364 = tpu.vector_load %arg15[%swap3A_363] masked %and3A_355 {strides = array<i32>} : memref<4112xi32, #tpu.memory_space<vmem>>, vector<16xi32>, vector<16xi1>
        tpu.vector_store %arg15[%swap3A_363], %sub3A_362 masked %and3A_355 {strides = array<i32>} : memref<4112xi32, #tpu.memory_space<vmem>>, vector<16xi32>, vector<16xi1>
        %add3A_365 = arith.addi %scan3A_340, %squeeze3A_358 : i32
        %scan3A_366 = arith.constant 1 : i32
        %scan3A_367 = arith.addi %scan3A_339, %scan3A_366 : i32
        %mul3A_368 = arith.constant 16 : i32
        %mul3A_369 = arith.muli %scan3A_367, %mul3A_368 : i32
        %get3A_370 = arith.index_cast %mul3A_369 : i32 to index
        %get3A_371 = tpu.vector_load %arg12[%get3A_370] {strides = array<i32>} : memref<4000xi32, #tpu.memory_space<vmem>>, vector<16xi32>,
        %mul3A_372 = arith.constant 16 : i32
        %mul3A_373 = arith.muli %scan3A_367, %mul3A_372 : i32
        %get3A_374 = arith.index_cast %mul3A_373 : i32 to index
        %get3A_375 = tpu.vector_load %arg13[%get3A_374] {strides = array<i32>} : memref<4000xi32, #tpu.memory_space<vmem>>, vector<16xi32>,
        %ge3A_376 = vector.broadcast %mul3A_0 : i32 to vector<16xi32>
        %ge3A_377 = arith.cmpi sge, %get3A_371, %ge3A_376 : vector<16xi32>
        %add3A_378 = arith.constant 625 : i32
        %add3A_379 = arith.addi %mul3A_0, %add3A_378 : i32
        %lt3A_380 = vector.broadcast %add3A_379 : i32 to vector<16xi32>
        %lt3A_381 = arith.cmpi slt, %get3A_371, %lt3A_380 : vector<16xi32>
        %and3A_382 = arith.andi %ge3A_377, %lt3A_381 : vector<16xi1>
        %all_reduce_population_count3A_383 = tpu.all_reduce %and3A_382 {dim = 0 : i64, kind = #tpu.reduction_kind<sum>} : vector<16xi1> -> vector<16xi32>
        %slice3A_384 = vector.extract_strided_slice %all_reduce_population_count3A_383 {offsets = [0], sizes = [1], strides = [1]} : vector<16xi32> to vector<1xi32>
        %squeeze3A_385 = vector.extract %slice3A_384[0] : i32 from vector<1xi32>
        %swap3A_386 = arith.index_cast %add3A_365 : i32 to index
        %swap3A_387 = tpu.vector_load %arg14[%swap3A_386] masked %and3A_382 {strides = array<i32>} : memref<4112xi32, #tpu.memory_space<vmem>>, vector<16xi32>, vector<16xi1>
        tpu.vector_store %arg14[%swap3A_386], %get3A_375 masked %and3A_382 {strides = array<i32>} : memref<4112xi32, #tpu.memory_space<vmem>>, vector<16xi32>, vector<16xi1>
        %sub3A_388 = vector.broadcast %mul3A_0 : i32 to vector<16xi32>
        %sub3A_389 = arith.subi %get3A_371, %sub3A_388 : vector<16xi32>
        %swap3A_390 = arith.index_cast %add3A_365 : i32 to index
        %swap3A_391 = tpu.vector_load %arg15[%swap3A_390] masked %and3A_382 {strides = array<i32>} : memref<4112xi32, #tpu.memory_space<vmem>>, vector<16xi32>, vector<16xi1>
        tpu.vector_store %arg15[%swap3A_390], %sub3A_389 masked %and3A_382 {strides = array<i32>} : memref<4112xi32, #tpu.memory_space<vmem>>, vector<16xi32>, vector<16xi1>
        %add3A_392 = arith.addi %add3A_365, %squeeze3A_385 : i32
        %scan3A_393 = arith.constant 2 : i32
        %scan3A_394 = arith.addi %scan3A_339, %scan3A_393 : i32
        %mul3A_395 = arith.constant 16 : i32
        %mul3A_396 = arith.muli %scan3A_394, %mul3A_395 : i32
        %get3A_397 = arith.index_cast %mul3A_396 : i32 to index
        %get3A_398 = tpu.vector_load %arg12[%get3A_397] {strides = array<i32>} : memref<4000xi32, #tpu.memory_space<vmem>>, vector<16xi32>,
        %mul3A_399 = arith.constant 16 : i32
        %mul3A_400 = arith.muli %scan3A_394, %mul3A_399 : i32
        %get3A_401 = arith.index_cast %mul3A_400 : i32 to index
        %get3A_402 = tpu.vector_load %arg13[%get3A_401] {strides = array<i32>} : memref<4000xi32, #tpu.memory_space<vmem>>, vector<16xi32>,
        %ge3A_403 = vector.broadcast %mul3A_0 : i32 to vector<16xi32>
        %ge3A_404 = arith.cmpi sge, %get3A_398, %ge3A_403 : vector<16xi32>
        %add3A_405 = arith.constant 625 : i32
        %add3A_406 = arith.addi %mul3A_0, %add3A_405 : i32
        %lt3A_407 = vector.broadcast %add3A_406 : i32 to vector<16xi32>
        %lt3A_408 = arith.cmpi slt, %get3A_398, %lt3A_407 : vector<16xi32>
        %and3A_409 = arith.andi %ge3A_404, %lt3A_408 : vector<16xi1>
        %all_reduce_population_count3A_410 = tpu.all_reduce %and3A_409 {dim = 0 : i64, kind = #tpu.reduction_kind<sum>} : vector<16xi1> -> vector<16xi32>
        %slice3A_411 = vector.extract_strided_slice %all_reduce_population_count3A_410 {offsets = [0], sizes = [1], strides = [1]} : vector<16xi32> to vector<1xi32>
        %squeeze3A_412 = vector.extract %slice3A_411[0] : i32 from vector<1xi32>
        %swap3A_413 = arith.index_cast %add3A_392 : i32 to index
        %swap3A_414 = tpu.vector_load %arg14[%swap3A_413] masked %and3A_409 {strides = array<i32>} : memref<4112xi32, #tpu.memory_space<vmem>>, vector<16xi32>, vector<16xi1>
        tpu.vector_store %arg14[%swap3A_413], %get3A_402 masked %and3A_409 {strides = array<i32>} : memref<4112xi32, #tpu.memory_space<vmem>>, vector<16xi32>, vector<16xi1>
        %sub3A_415 = vector.broadcast %mul3A_0 : i32 to vector<16xi32>
        %sub3A_416 = arith.subi %get3A_398, %sub3A_415 : vector<16xi32>
        %swap3A_417 = arith.index_cast %add3A_392 : i32 to index
        %swap3A_418 = tpu.vector_load %arg15[%swap3A_417] masked %and3A_409 {strides = array<i32>} : memref<4112xi32, #tpu.memory_space<vmem>>, vector<16xi32>, vector<16xi1>
        tpu.vector_store %arg15[%swap3A_417], %sub3A_416 masked %and3A_409 {strides = array<i32>} : memref<4112xi32, #tpu.memory_space<vmem>>, vector<16xi32>, vector<16xi1>
        %add3A_419 = arith.addi %add3A_392, %squeeze3A_412 : i32
        %scan3A_420 = arith.constant 3 : i32
        %scan3A_421 = arith.addi %scan3A_339, %scan3A_420 : i32
        %mul3A_422 = arith.constant 16 : i32
        %mul3A_423 = arith.muli %scan3A_421, %mul3A_422 : i32
        %get3A_424 = arith.index_cast %mul3A_423 : i32 to index
        %get3A_425 = tpu.vector_load %arg12[%get3A_424] {strides = array<i32>} : memref<4000xi32, #tpu.memory_space<vmem>>, vector<16xi32>,
        %mul3A_426 = arith.constant 16 : i32
        %mul3A_427 = arith.muli %scan3A_421, %mul3A_426 : i32
        %get3A_428 = arith.index_cast %mul3A_427 : i32 to index
        %get3A_429 = tpu.vector_load %arg13[%get3A_428] {strides = array<i32>} : memref<4000xi32, #tpu.memory_space<vmem>>, vector<16xi32>,
        %ge3A_430 = vector.broadcast %mul3A_0 : i32 to vector<16xi32>
        %ge3A_431 = arith.cmpi sge, %get3A_425, %ge3A_430 : vector<16xi32>
        %add3A_432 = arith.constant 625 : i32
        %add3A_433 = arith.addi %mul3A_0, %add3A_432 : i32
        %lt3A_434 = vector.broadcast %add3A_433 : i32 to vector<16xi32>
        %lt3A_435 = arith.cmpi slt, %get3A_425, %lt3A_434 : vector<16xi32>
        %and3A_436 = arith.andi %ge3A_431, %lt3A_435 : vector<16xi1>
        %all_reduce_population_count3A_437 = tpu.all_reduce %and3A_436 {dim = 0 : i64, kind = #tpu.reduction_kind<sum>} : vector<16xi1> -> vector<16xi32>
        %slice3A_438 = vector.extract_strided_slice %all_reduce_population_count3A_437 {offsets = [0], sizes = [1], strides = [1]} : vector<16xi32> to vector<1xi32>
        %squeeze3A_439 = vector.extract %slice3A_438[0] : i32 from vector<1xi32>
        %swap3A_440 = arith.index_cast %add3A_419 : i32 to index
        %swap3A_441 = tpu.vector_load %arg14[%swap3A_440] masked %and3A_436 {strides = array<i32>} : memref<4112xi32, #tpu.memory_space<vmem>>, vector<16xi32>, vector<16xi1>
        tpu.vector_store %arg14[%swap3A_440], %get3A_429 masked %and3A_436 {strides = array<i32>} : memref<4112xi32, #tpu.memory_space<vmem>>, vector<16xi32>, vector<16xi1>
        %sub3A_442 = vector.broadcast %mul3A_0 : i32 to vector<16xi32>
        %sub3A_443 = arith.subi %get3A_425, %sub3A_442 : vector<16xi32>
        %swap3A_444 = arith.index_cast %add3A_419 : i32 to index
        %swap3A_445 = tpu.vector_load %arg15[%swap3A_444] masked %and3A_436 {strides = array<i32>} : memref<4112xi32, #tpu.memory_space<vmem>>, vector<16xi32>, vector<16xi1>
        tpu.vector_store %arg15[%swap3A_444], %sub3A_443 masked %and3A_436 {strides = array<i32>} : memref<4112xi32, #tpu.memory_space<vmem>>, vector<16xi32>, vector<16xi1>
        %add3A_446 = arith.addi %add3A_419, %squeeze3A_439 : i32
        scf.yield %add3A_446 : i32
      }
      %scan3A_212 = arith.constant 248 : i32
      %scan3A_213 = arith.addi %scan3A_207, %scan3A_212 : i32
      %mul3A_214 = arith.constant 16 : i32
      %mul3A_215 = arith.muli %scan3A_213, %mul3A_214 : i32
      %get3A_216 = arith.index_cast %mul3A_215 : i32 to index
      %get3A_217 = tpu.vector_load %arg12[%get3A_216] {strides = array<i32>} : memref<4000xi32, #tpu.memory_space<vmem>>, vector<16xi32>,
      %mul3A_218 = arith.constant 16 : i32
      %mul3A_219 = arith.muli %scan3A_213, %mul3A_218 : i32
      %get3A_220 = arith.index_cast %mul3A_219 : i32 to index
      %get3A_221 = tpu.vector_load %arg13[%get3A_220] {strides = array<i32>} : memref<4000xi32, #tpu.memory_space<vmem>>, vector<16xi32>,
      %ge3A_222 = vector.broadcast %mul3A_0 : i32 to vector<16xi32>
      %ge3A_223 = arith.cmpi sge, %get3A_217, %ge3A_222 : vector<16xi32>
      %add3A_224 = arith.constant 625 : i32
      %add3A_225 = arith.addi %mul3A_0, %add3A_224 : i32
      %lt3A_226 = vector.broadcast %add3A_225 : i32 to vector<16xi32>
      %lt3A_227 = arith.cmpi slt, %get3A_217, %lt3A_226 : vector<16xi32>
      %and3A_228 = arith.andi %ge3A_223, %lt3A_227 : vector<16xi1>
      %all_reduce_population_count3A_229 = tpu.all_reduce %and3A_228 {dim = 0 : i64, kind = #tpu.reduction_kind<sum>} : vector<16xi1> -> vector<16xi32>
      %slice3A_230 = vector.extract_strided_slice %all_reduce_population_count3A_229 {offsets = [0], sizes = [1], strides = [1]} : vector<16xi32> to vector<1xi32>
      %squeeze3A_231 = vector.extract %slice3A_230[0] : i32 from vector<1xi32>
      %swap3A_232 = arith.index_cast %scan3A_211 : i32 to index
      %swap3A_233 = tpu.vector_load %arg14[%swap3A_232] masked %and3A_228 {strides = array<i32>} : memref<4112xi32, #tpu.memory_space<vmem>>, vector<16xi32>, vector<16xi1>
      tpu.vector_store %arg14[%swap3A_232], %get3A_221 masked %and3A_228 {strides = array<i32>} : memref<4112xi32, #tpu.memory_space<vmem>>, vector<16xi32>, vector<16xi1>
      %sub3A_234 = vector.broadcast %mul3A_0 : i32 to vector<16xi32>
      %sub3A_235 = arith.subi %get3A_217, %sub3A_234 : vector<16xi32>
      %swap3A_236 = arith.index_cast %scan3A_211 : i32 to index
      %swap3A_237 = tpu.vector_load %arg15[%swap3A_236] masked %and3A_228 {strides = array<i32>} : memref<4112xi32, #tpu.memory_space<vmem>>, vector<16xi32>, vector<16xi1>
      tpu.vector_store %arg15[%swap3A_236], %sub3A_235 masked %and3A_228 {strides = array<i32>} : memref<4112xi32, #tpu.memory_space<vmem>>, vector<16xi32>, vector<16xi1>
      %add3A_238 = arith.addi %scan3A_211, %squeeze3A_231 : i32
      %scan3A_239 = arith.constant 249 : i32
      %scan3A_240 = arith.addi %scan3A_207, %scan3A_239 : i32
      %mul3A_241 = arith.constant 16 : i32
      %mul3A_242 = arith.muli %scan3A_240, %mul3A_241 : i32
      %get3A_243 = arith.index_cast %mul3A_242 : i32 to index
      %get3A_244 = tpu.vector_load %arg12[%get3A_243] {strides = array<i32>} : memref<4000xi32, #tpu.memory_space<vmem>>, vector<16xi32>,
      %mul3A_245 = arith.constant 16 : i32
      %mul3A_246 = arith.muli %scan3A_240, %mul3A_245 : i32
      %get3A_247 = arith.index_cast %mul3A_246 : i32 to index
      %get3A_248 = tpu.vector_load %arg13[%get3A_247] {strides = array<i32>} : memref<4000xi32, #tpu.memory_space<vmem>>, vector<16xi32>,
      %ge3A_249 = vector.broadcast %mul3A_0 : i32 to vector<16xi32>
      %ge3A_250 = arith.cmpi sge, %get3A_244, %ge3A_249 : vector<16xi32>
      %add3A_251 = arith.constant 625 : i32
      %add3A_252 = arith.addi %mul3A_0, %add3A_251 : i32
      %lt3A_253 = vector.broadcast %add3A_252 : i32 to vector<16xi32>
      %lt3A_254 = arith.cmpi slt, %get3A_244, %lt3A_253 : vector<16xi32>
      %and3A_255 = arith.andi %ge3A_250, %lt3A_254 : vector<16xi1>
      %all_reduce_population_count3A_256 = tpu.all_reduce %and3A_255 {dim = 0 : i64, kind = #tpu.reduction_kind<sum>} : vector<16xi1> -> vector<16xi32>
      %slice3A_257 = vector.extract_strided_slice %all_reduce_population_count3A_256 {offsets = [0], sizes = [1], strides = [1]} : vector<16xi32> to vector<1xi32>
      %squeeze3A_258 = vector.extract %slice3A_257[0] : i32 from vector<1xi32>
      %swap3A_259 = arith.index_cast %add3A_238 : i32 to index
      %swap3A_260 = tpu.vector_load %arg14[%swap3A_259] masked %and3A_255 {strides = array<i32>} : memref<4112xi32, #tpu.memory_space<vmem>>, vector<16xi32>, vector<16xi1>
      tpu.vector_store %arg14[%swap3A_259], %get3A_248 masked %and3A_255 {strides = array<i32>} : memref<4112xi32, #tpu.memory_space<vmem>>, vector<16xi32>, vector<16xi1>
      %sub3A_261 = vector.broadcast %mul3A_0 : i32 to vector<16xi32>
      %sub3A_262 = arith.subi %get3A_244, %sub3A_261 : vector<16xi32>
      %swap3A_263 = arith.index_cast %add3A_238 : i32 to index
      %swap3A_264 = tpu.vector_load %arg15[%swap3A_263] masked %and3A_255 {strides = array<i32>} : memref<4112xi32, #tpu.memory_space<vmem>>, vector<16xi32>, vector<16xi1>
      tpu.vector_store %arg15[%swap3A_263], %sub3A_262 masked %and3A_255 {strides = array<i32>} : memref<4112xi32, #tpu.memory_space<vmem>>, vector<16xi32>, vector<16xi1>
      %add3A_265 = arith.addi %add3A_238, %squeeze3A_258 : i32
      %scan3A_266 = arith.constant 250 : i32
      %add3A_267 = arith.constant 64 : i32
      %add3A_268 = arith.addi %add3A_265, %add3A_267 : i32
      %sub3A_269 = arith.constant 1 : i32
      %sub3A_270 = arith.subi %add3A_268, %sub3A_269 : i32
      %jit3A_271 = arith.constant 64 : i32
      %div3A_272 = arith.divsi %sub3A_270, %jit3A_271 : i32
      %sign3A_273 = arith.constant 0 : i32
      %sign3A_274 = arith.cmpi sgt, %sub3A_270, %sign3A_273 : i32
      %sign3A_275 = arith.extui %sign3A_274 : i1 to i32
      %sign3A_276 = arith.constant 0 : i32
      %sign3A_277 = arith.cmpi slt, %sub3A_270, %sign3A_276 : i32
      %sign3A_278 = arith.extui %sign3A_277 : i1 to i32
      %sign3A_279 = arith.subi %sign3A_275, %sign3A_278 : i32
      %sign3A_280 = arith.constant 0 : i32
      %sign3A_281 = arith.cmpi sgt, %jit3A_271, %sign3A_280 : i32
      %sign3A_282 = arith.extui %sign3A_281 : i1 to i32
      %sign3A_283 = arith.constant 0 : i32
      %sign3A_284 = arith.cmpi slt, %jit3A_271, %sign3A_283 : i32
      %sign3A_285 = arith.extui %sign3A_284 : i1 to i32
      %sign3A_286 = arith.subi %sign3A_282, %sign3A_285 : i32
      %ne3A_287 = arith.cmpi ne, %sign3A_279, %sign3A_286 : i32
      %rem3A_288 = arith.remsi %sub3A_270, %jit3A_271 : i32
      %ne3A_289 = arith.constant 0 : i32
      %ne3A_290 = arith.cmpi ne, %rem3A_288, %ne3A_289 : i32
      %and3A_291 = arith.andi %ne3A_287, %ne3A_290 : i1
      %sub3A_292 = arith.constant 1 : i32
      %sub3A_293 = arith.subi %div3A_272, %sub3A_292 : i32
      %select_n3A_294 = arith.select %and3A_291, %sub3A_293, %div3A_272 : i32
      %gt3A_295 = arith.constant 0 : i32
      %gt3A_296 = arith.cmpi sgt, %select_n3A_294, %gt3A_295 : i32
      %convert_element_type3A_297 = arith.extui %gt3A_296 : i1 to i32
      %cond3A_298 = arith.constant 0 : i32
      %cond3A_299 = arith.cmpi ne, %convert_element_type3A_297, %cond3A_298 : i32
      scf.if %cond3A_299 {
        %dma_start3A_339 = arith.constant 0 : i32
        %dma_start3A_340 = tpu.memref_slice %arg14[%dma_start3A_339] : memref<4112xi32, #tpu.memory_space<vmem>> -> memref<64xi32, #tpu.memory_space<vmem>>
        %dma_start3A_341 = arith.constant 0 : i32
        %dma_start3A_342 = arith.constant 0 : i32
        %dma_start3A_343 = tpu.memref_slice %arg8[%dma_start3A_341, %dma_start3A_342] : memref<10000x128xbf16, #tpu.memory_space<vmem_shared>> -> memref<10000x128xbf16, #tpu.memory_space<vmem_shared>>
        tpu.enqueue_indirect_dma source(%dma_start3A_343 : memref<10000x128xbf16, #tpu.memory_space<vmem_shared>>) target(%arg16 : memref<64x128xbf16, #tpu.memory_space<vmem>>) offsets(%dma_start3A_340 : memref<64xi32, #tpu.memory_space<vmem>>) semaphore(%arg22 : memref<!tpu.dma_semaphore, #tpu.memory_space<semaphore_mem>>)
      } else {
      }
      %add3A_300 = arith.constant 1 : i32
      %add3A_301 = arith.addi %select_n3A_294, %add3A_300 : i32
      %jit3A_302 = arith.constant 2 : i32
      %div3A_303 = arith.divsi %add3A_301, %jit3A_302 : i32
      %sign3A_304 = arith.constant 0 : i32
      %sign3A_305 = arith.cmpi sgt, %add3A_301, %sign3A_304 : i32
      %sign3A_306 = arith.extui %sign3A_305 : i1 to i32
      %sign3A_307 = arith.constant 0 : i32
      %sign3A_308 = arith.cmpi slt, %add3A_301, %sign3A_307 : i32
      %sign3A_309 = arith.extui %sign3A_308 : i1 to i32
      %sign3A_310 = arith.subi %sign3A_306, %sign3A_309 : i32
      %sign3A_311 = arith.constant 0 : i32
      %sign3A_312 = arith.cmpi sgt, %jit3A_302, %sign3A_311 : i32
      %sign3A_313 = arith.extui %sign3A_312 : i1 to i32
      %sign3A_314 = arith.constant 0 : i32
      %sign3A_315 = arith.cmpi slt, %jit3A_302, %sign3A_314 : i32
      %sign3A_316 = arith.extui %sign3A_315 : i1 to i32
      %sign3A_317 = arith.subi %sign3A_313, %sign3A_316 : i32
      %ne3A_318 = arith.cmpi ne, %sign3A_310, %sign3A_317 : i32
      %rem3A_319 = arith.remsi %add3A_301, %jit3A_302 : i32
      %ne3A_320 = arith.constant 0 : i32
      %ne3A_321 = arith.cmpi ne, %rem3A_319, %ne3A_320 : i32
      %and3A_322 = arith.andi %ne3A_318, %ne3A_321 : i1
      %sub3A_323 = arith.constant 1 : i32
      %sub3A_324 = arith.subi %div3A_303, %sub3A_323 : i32
      %select_n3A_325 = arith.select %and3A_322, %sub3A_324, %div3A_303 : i32
      %while3A_326 = arith.constant 0 : i32
      %while3A_327 = arith.constant 0 : i32
      %while3A_328 = arith.subi %select_n3A_325, %while3A_326 : i32
      %while3A_329 = arith.addi %while3A_326, %while3A_328 : i32
      %while3A_330 = arith.constant 1 : i32
      %while3A_331 = arith.divsi %while3A_328, %while3A_330 : i32
      %while3A_332 = arith.muli %while3A_331, %while3A_330 : i32
      %while3A_333 = arith.addi %while3A_326, %while3A_332 : i32
      %while3A_334 = arith.constant 1 : i32
      %while3A_335 = scf.for %while3A_339 = %while3A_326 to %while3A_333 step %while3A_334 iter_args(%while3A_340 = %while3A_327) -> (i32)  : i32 {
        %mul3A_341 = arith.constant 2 : i32
        %mul3A_342 = arith.muli %mul3A_341, %while3A_339 : i32
        %add3A_343 = arith.constant 1 : i32
        %add3A_344 = arith.addi %mul3A_342, %add3A_343 : i32
        %lt3A_345 = arith.cmpi slt, %add3A_344, %select_n3A_294 : i32
        %convert_element_type3A_346 = arith.extui %lt3A_345 : i1 to i32
        %cond3A_347 = arith.constant 0 : i32
        %cond3A_348 = arith.cmpi ne, %convert_element_type3A_346, %cond3A_347 : i32
        scf.if %cond3A_348 {
          %mul3A_372 = arith.constant 64 : i32
          %mul3A_373 = arith.muli %add3A_344, %mul3A_372 : i32
          %dma_start3A_374 = tpu.memref_slice %arg14[%mul3A_373] : memref<4112xi32, #tpu.memory_space<vmem>> -> memref<64xi32, #tpu.memory_space<vmem>>
          %dma_start3A_375 = arith.constant 0 : i32
          %dma_start3A_376 = arith.constant 0 : i32
          %dma_start3A_377 = tpu.memref_slice %arg8[%dma_start3A_375, %dma_start3A_376] : memref<10000x128xbf16, #tpu.memory_space<vmem_shared>> -> memref<10000x128xbf16, #tpu.memory_space<vmem_shared>>
          tpu.enqueue_indirect_dma source(%dma_start3A_377 : memref<10000x128xbf16, #tpu.memory_space<vmem_shared>>) target(%arg17 : memref<64x128xbf16, #tpu.memory_space<vmem>>) offsets(%dma_start3A_374 : memref<64xi32, #tpu.memory_space<vmem>>) semaphore(%arg23 : memref<!tpu.dma_semaphore, #tpu.memory_space<semaphore_mem>>)
        } else {
        }
        %mul3A_349 = arith.constant 2 : i32
        %mul3A_350 = arith.muli %mul3A_349, %while3A_339 : i32
        %lt3A_351 = arith.cmpi slt, %mul3A_350, %select_n3A_294 : i32
        %convert_element_type3A_352 = arith.extui %lt3A_351 : i1 to i32
        %cond3A_353 = arith.constant 0 : i32
        %cond3A_354 = arith.cmpi ne, %convert_element_type3A_352, %cond3A_353 : i32
        scf.if %cond3A_354 {
          %dma_wait3A_372 = arith.constant 0 : i32
          %dma_wait3A_373 = arith.constant 0 : i32
          %dma_wait3A_374 = tpu.memref_slice %arg8[%dma_wait3A_372, %dma_wait3A_373] : memref<10000x128xbf16, #tpu.memory_space<vmem_shared>> -> memref<64x128xbf16, #tpu.memory_space<vmem_shared>>
          %dma_wait3A_375 = arith.constant 0 : i32
          %dma_wait3A_376 = arith.constant 0 : i32
          %dma_wait3A_377 = tpu.memref_slice %arg8[%dma_wait3A_375, %dma_wait3A_376] : memref<10000x128xbf16, #tpu.memory_space<vmem_shared>> -> memref<64x128xbf16, #tpu.memory_space<vmem_shared>>
          tpu.wait_dma2 semaphore(%arg22 : memref<!tpu.dma_semaphore, #tpu.memory_space<semaphore_mem>>) src(%dma_wait3A_377 : memref<64x128xbf16, #tpu.memory_space<vmem_shared>>) dst(%arg16 : memref<64x128xbf16, #tpu.memory_space<vmem>>)
          %mul3A_378 = arith.constant 64 : i32
          %mul3A_379 = arith.muli %mul3A_350, %mul3A_378 : i32
          %get3A_380 = arith.index_cast %mul3A_379 : i32 to index
          %get3A_381 = tpu.vector_load %arg15[%get3A_380] {strides = array<i32>} : memref<4112xi32, #tpu.memory_space<vmem>>, vector<16xi32>,
          %slice3A_382 = vector.extract_strided_slice %get3A_381 {offsets = [0], sizes = [1], strides = [1]} : vector<16xi32> to vector<1xi32>
          %squeeze3A_383 = vector.extract %slice3A_382[0] : i32 from vector<1xi32>
          %mul3A_384 = arith.constant 64 : i32
          %mul3A_385 = arith.muli %mul3A_350, %mul3A_384 : i32
          %sub3A_386 = arith.subi %add3A_265, %mul3A_385 : i32
          %min3A = arith.constant 64 : i32
          %min3A_387 = arith.minsi %sub3A_386, %min3A : i32
          %while3A_388 = arith.constant 0 : i32
          %while3A_389 = arith.subi %min3A_387, %while3A_388 : i32
          %while3A_390 = arith.addi %while3A_388, %while3A_389 : i32
          %while3A_391 = arith.constant 1 : i32
          %while3A_392 = arith.divsi %while3A_389, %while3A_391 : i32
          %while3A_393 = arith.muli %while3A_392, %while3A_391 : i32
          %while3A_394 = arith.addi %while3A_388, %while3A_393 : i32
          %while3A_395 = arith.constant 1 : i32
          %while3A_396 = scf.for %while3A_399 = %while3A_388 to %while3A_394 step %while3A_395 iter_args(%while3A_400 = %squeeze3A_383) -> (i32)  : i32 {
            %mul3A_401 = arith.constant 64 : i32
            %mul3A_402 = arith.muli %mul3A_350, %mul3A_401 : i32
            %add3A_403 = arith.addi %mul3A_402, %while3A_399 : i32
            %add3A_404 = arith.constant 1 : i32
            %add3A_405 = arith.addi %add3A_403, %add3A_404 : i32
            %get3A_406 = arith.index_cast %add3A_405 : i32 to index
            %get3A_407 = tpu.vector_load %arg15[%get3A_406] {strides = array<i32>} : memref<4112xi32, #tpu.memory_space<vmem>>, vector<16xi32>,
            %slice3A_408 = vector.extract_strided_slice %get3A_407 {offsets = [0], sizes = [1], strides = [1]} : vector<16xi32> to vector<1xi32>
            %squeeze3A_409 = vector.extract %slice3A_408[0] : i32 from vector<1xi32>
            %get3A_410 = arith.index_cast %while3A_400 : i32 to index
            %get3A_411 = arith.constant 0 : index
            %get3A_412 = tpu.vector_load %arg9[%get3A_410, %get3A_411] {strides = array<i32>} : memref<625x128xbf16, #tpu.memory_space<vmem>>, vector<32xbf16>,
            %get3A_413 = arith.index_cast %while3A_400 : i32 to index
            %get3A_414 = arith.constant 32 : index
            %get3A_415 = tpu.vector_load %arg9[%get3A_413, %get3A_414] {strides = array<i32>} : memref<625x128xbf16, #tpu.memory_space<vmem>>, vector<32xbf16>,
            %get3A_416 = arith.index_cast %while3A_400 : i32 to index
            %get3A_417 = arith.constant 64 : index
            %get3A_418 = tpu.vector_load %arg9[%get3A_416, %get3A_417] {strides = array<i32>} : memref<625x128xbf16, #tpu.memory_space<vmem>>, vector<32xbf16>,
            %get3A_419 = arith.index_cast %while3A_400 : i32 to index
            %get3A_420 = arith.constant 96 : index
            %get3A_421 = tpu.vector_load %arg9[%get3A_419, %get3A_420] {strides = array<i32>} : memref<625x128xbf16, #tpu.memory_space<vmem>>, vector<32xbf16>,
            %get3A_422 = arith.index_cast %while3A_399 : i32 to index
            %get3A_423 = arith.constant 0 : index
            %get3A_424 = tpu.vector_load %arg16[%get3A_422, %get3A_423] {strides = array<i32>} : memref<64x128xbf16, #tpu.memory_space<vmem>>, vector<32xbf16>,
            %get3A_425 = arith.index_cast %while3A_399 : i32 to index
            %get3A_426 = arith.constant 32 : index
            %get3A_427 = tpu.vector_load %arg16[%get3A_425, %get3A_426] {strides = array<i32>} : memref<64x128xbf16, #tpu.memory_space<vmem>>, vector<32xbf16>,
            %get3A_428 = arith.index_cast %while3A_399 : i32 to index
            %get3A_429 = arith.constant 64 : index
            %get3A_430 = tpu.vector_load %arg16[%get3A_428, %get3A_429] {strides = array<i32>} : memref<64x128xbf16, #tpu.memory_space<vmem>>, vector<32xbf16>,
            %get3A_431 = arith.index_cast %while3A_399 : i32 to index
            %get3A_432 = arith.constant 96 : index
            %get3A_433 = tpu.vector_load %arg16[%get3A_431, %get3A_432] {strides = array<i32>} : memref<64x128xbf16, #tpu.memory_space<vmem>>, vector<32xbf16>,
            %max3A = arith.maximumf %get3A_412, %get3A_424 : vector<32xbf16>
            %swap3A_434 = arith.index_cast %while3A_400 : i32 to index
            %swap3A_435 = arith.constant 0 : index
            %swap3A_436 = tpu.vector_load %arg9[%swap3A_434, %swap3A_435] {strides = array<i32>} : memref<625x128xbf16, #tpu.memory_space<vmem>>, vector<32xbf16>,
            tpu.vector_store %arg9[%swap3A_434, %swap3A_435], %max3A {strides = array<i32>} : memref<625x128xbf16, #tpu.memory_space<vmem>>, vector<32xbf16>,
            %max3A_437 = arith.maximumf %get3A_415, %get3A_427 : vector<32xbf16>
            %swap3A_438 = arith.index_cast %while3A_400 : i32 to index
            %swap3A_439 = arith.constant 32 : index
            %swap3A_440 = tpu.vector_load %arg9[%swap3A_438, %swap3A_439] {strides = array<i32>} : memref<625x128xbf16, #tpu.memory_space<vmem>>, vector<32xbf16>,
            tpu.vector_store %arg9[%swap3A_438, %swap3A_439], %max3A_437 {strides = array<i32>} : memref<625x128xbf16, #tpu.memory_space<vmem>>, vector<32xbf16>,
            %max3A_441 = arith.maximumf %get3A_418, %get3A_430 : vector<32xbf16>
            %swap3A_442 = arith.index_cast %while3A_400 : i32 to index
            %swap3A_443 = arith.constant 64 : index
            %swap3A_444 = tpu.vector_load %arg9[%swap3A_442, %swap3A_443] {strides = array<i32>} : memref<625x128xbf16, #tpu.memory_space<vmem>>, vector<32xbf16>,
            tpu.vector_store %arg9[%swap3A_442, %swap3A_443], %max3A_441 {strides = array<i32>} : memref<625x128xbf16, #tpu.memory_space<vmem>>, vector<32xbf16>,
            %max3A_445 = arith.maximumf %get3A_421, %get3A_433 : vector<32xbf16>
            %swap3A_446 = arith.index_cast %while3A_400 : i32 to index
            %swap3A_447 = arith.constant 96 : index
            %swap3A_448 = tpu.vector_load %arg9[%swap3A_446, %swap3A_447] {strides = array<i32>} : memref<625x128xbf16, #tpu.memory_space<vmem>>, vector<32xbf16>,
            tpu.vector_store %arg9[%swap3A_446, %swap3A_447], %max3A_445 {strides = array<i32>} : memref<625x128xbf16, #tpu.memory_space<vmem>>, vector<32xbf16>,
            scf.yield %squeeze3A_409 : i32
          }
          %while3A_397 = arith.constant 1 : i32
          %while3A_398 = scf.for %while3A_399 = %while3A_394 to %while3A_390 step %while3A_397 iter_args(%while3A_400 = %while3A_396) -> (i32)  : i32 {
            %mul3A_401 = arith.constant 64 : i32
            %mul3A_402 = arith.muli %mul3A_350, %mul3A_401 : i32
            %add3A_403 = arith.addi %mul3A_402, %while3A_399 : i32
            %add3A_404 = arith.constant 1 : i32
            %add3A_405 = arith.addi %add3A_403, %add3A_404 : i32
            %get3A_406 = arith.index_cast %add3A_405 : i32 to index
            %get3A_407 = tpu.vector_load %arg15[%get3A_406] {strides = array<i32>} : memref<4112xi32, #tpu.memory_space<vmem>>, vector<16xi32>,
            %slice3A_408 = vector.extract_strided_slice %get3A_407 {offsets = [0], sizes = [1], strides = [1]} : vector<16xi32> to vector<1xi32>
            %squeeze3A_409 = vector.extract %slice3A_408[0] : i32 from vector<1xi32>
            %get3A_410 = arith.index_cast %while3A_400 : i32 to index
            %get3A_411 = arith.constant 0 : index
            %get3A_412 = tpu.vector_load %arg9[%get3A_410, %get3A_411] {strides = array<i32>} : memref<625x128xbf16, #tpu.memory_space<vmem>>, vector<32xbf16>,
            %get3A_413 = arith.index_cast %while3A_400 : i32 to index
            %get3A_414 = arith.constant 32 : index
            %get3A_415 = tpu.vector_load %arg9[%get3A_413, %get3A_414] {strides = array<i32>} : memref<625x128xbf16, #tpu.memory_space<vmem>>, vector<32xbf16>,
            %get3A_416 = arith.index_cast %while3A_400 : i32 to index
            %get3A_417 = arith.constant 64 : index
            %get3A_418 = tpu.vector_load %arg9[%get3A_416, %get3A_417] {strides = array<i32>} : memref<625x128xbf16, #tpu.memory_space<vmem>>, vector<32xbf16>,
            %get3A_419 = arith.index_cast %while3A_400 : i32 to index
            %get3A_420 = arith.constant 96 : index
            %get3A_421 = tpu.vector_load %arg9[%get3A_419, %get3A_420] {strides = array<i32>} : memref<625x128xbf16, #tpu.memory_space<vmem>>, vector<32xbf16>,
            %get3A_422 = arith.index_cast %while3A_399 : i32 to index
            %get3A_423 = arith.constant 0 : index
            %get3A_424 = tpu.vector_load %arg16[%get3A_422, %get3A_423] {strides = array<i32>} : memref<64x128xbf16, #tpu.memory_space<vmem>>, vector<32xbf16>,
            %get3A_425 = arith.index_cast %while3A_399 : i32 to index
            %get3A_426 = arith.constant 32 : index
            %get3A_427 = tpu.vector_load %arg16[%get3A_425, %get3A_426] {strides = array<i32>} : memref<64x128xbf16, #tpu.memory_space<vmem>>, vector<32xbf16>,
            %get3A_428 = arith.index_cast %while3A_399 : i32 to index
            %get3A_429 = arith.constant 64 : index
            %get3A_430 = tpu.vector_load %arg16[%get3A_428, %get3A_429] {strides = array<i32>} : memref<64x128xbf16, #tpu.memory_space<vmem>>, vector<32xbf16>,
            %get3A_431 = arith.index_cast %while3A_399 : i32 to index
            %get3A_432 = arith.constant 96 : index
            %get3A_433 = tpu.vector_load %arg16[%get3A_431, %get3A_432] {strides = array<i32>} : memref<64x128xbf16, #tpu.memory_space<vmem>>, vector<32xbf16>,
            %max3A = arith.maximumf %get3A_412, %get3A_424 : vector<32xbf16>
            %swap3A_434 = arith.index_cast %while3A_400 : i32 to index
            %swap3A_435 = arith.constant 0 : index
            %swap3A_436 = tpu.vector_load %arg9[%swap3A_434, %swap3A_435] {strides = array<i32>} : memref<625x128xbf16, #tpu.memory_space<vmem>>, vector<32xbf16>,
            tpu.vector_store %arg9[%swap3A_434, %swap3A_435], %max3A {strides = array<i32>} : memref<625x128xbf16, #tpu.memory_space<vmem>>, vector<32xbf16>,
            %max3A_437 = arith.maximumf %get3A_415, %get3A_427 : vector<32xbf16>
            %swap3A_438 = arith.index_cast %while3A_400 : i32 to index
            %swap3A_439 = arith.constant 32 : index
            %swap3A_440 = tpu.vector_load %arg9[%swap3A_438, %swap3A_439] {strides = array<i32>} : memref<625x128xbf16, #tpu.memory_space<vmem>>, vector<32xbf16>,
            tpu.vector_store %arg9[%swap3A_438, %swap3A_439], %max3A_437 {strides = array<i32>} : memref<625x128xbf16, #tpu.memory_space<vmem>>, vector<32xbf16>,
            %max3A_441 = arith.maximumf %get3A_418, %get3A_430 : vector<32xbf16>
            %swap3A_442 = arith.index_cast %while3A_400 : i32 to index
            %swap3A_443 = arith.constant 64 : index
            %swap3A_444 = tpu.vector_load %arg9[%swap3A_442, %swap3A_443] {strides = array<i32>} : memref<625x128xbf16, #tpu.memory_space<vmem>>, vector<32xbf16>,
            tpu.vector_store %arg9[%swap3A_442, %swap3A_443], %max3A_441 {strides = array<i32>} : memref<625x128xbf16, #tpu.memory_space<vmem>>, vector<32xbf16>,
            %max3A_445 = arith.maximumf %get3A_421, %get3A_433 : vector<32xbf16>
            %swap3A_446 = arith.index_cast %while3A_400 : i32 to index
            %swap3A_447 = arith.constant 96 : index
            %swap3A_448 = tpu.vector_load %arg9[%swap3A_446, %swap3A_447] {strides = array<i32>} : memref<625x128xbf16, #tpu.memory_space<vmem>>, vector<32xbf16>,
            tpu.vector_store %arg9[%swap3A_446, %swap3A_447], %max3A_445 {strides = array<i32>} : memref<625x128xbf16, #tpu.memory_space<vmem>>, vector<32xbf16>,
            scf.yield %squeeze3A_409 : i32
          }
        } else {
        }
        %mul3A_355 = arith.constant 2 : i32
        %mul3A_356 = arith.muli %mul3A_355, %while3A_339 : i32
        %add3A_357 = arith.constant 2 : i32
        %add3A_358 = arith.addi %mul3A_356, %add3A_357 : i32
        %lt3A_359 = arith.cmpi slt, %add3A_358, %select_n3A_294 : i32
        %convert_element_type3A_360 = arith.extui %lt3A_359 : i1 to i32
        %cond3A_361 = arith.constant 0 : i32
        %cond3A_362 = arith.cmpi ne, %convert_element_type3A_360, %cond3A_361 : i32
        scf.if %cond3A_362 {
          %mul3A_372 = arith.constant 64 : i32
          %mul3A_373 = arith.muli %add3A_358, %mul3A_372 : i32
          %dma_start3A_374 = tpu.memref_slice %arg14[%mul3A_373] : memref<4112xi32, #tpu.memory_space<vmem>> -> memref<64xi32, #tpu.memory_space<vmem>>
          %dma_start3A_375 = arith.constant 0 : i32
          %dma_start3A_376 = arith.constant 0 : i32
          %dma_start3A_377 = tpu.memref_slice %arg8[%dma_start3A_375, %dma_start3A_376] : memref<10000x128xbf16, #tpu.memory_space<vmem_shared>> -> memref<10000x128xbf16, #tpu.memory_space<vmem_shared>>
          tpu.enqueue_indirect_dma source(%dma_start3A_377 : memref<10000x128xbf16, #tpu.memory_space<vmem_shared>>) target(%arg16 : memref<64x128xbf16, #tpu.memory_space<vmem>>) offsets(%dma_start3A_374 : memref<64xi32, #tpu.memory_space<vmem>>) semaphore(%arg22 : memref<!tpu.dma_semaphore, #tpu.memory_space<semaphore_mem>>)
        } else {
        }
        %mul3A_363 = arith.constant 2 : i32
        %mul3A_364 = arith.muli %mul3A_363, %while3A_339 : i32
        %add3A_365 = arith.constant 1 : i32
        %add3A_366 = arith.addi %mul3A_364, %add3A_365 : i32
        %lt3A_367 = arith.cmpi slt, %add3A_366, %select_n3A_294 : i32
        %convert_element_type3A_368 = arith.extui %lt3A_367 : i1 to i32
        %cond3A_369 = arith.constant 0 : i32
        %cond3A_370 = arith.cmpi ne, %convert_element_type3A_368, %cond3A_369 : i32
        scf.if %cond3A_370 {
          %dma_wait3A_372 = arith.constant 0 : i32
          %dma_wait3A_373 = arith.constant 0 : i32
          %dma_wait3A_374 = tpu.memref_slice %arg8[%dma_wait3A_372, %dma_wait3A_373] : memref<10000x128xbf16, #tpu.memory_space<vmem_shared>> -> memref<64x128xbf16, #tpu.memory_space<vmem_shared>>
          %dma_wait3A_375 = arith.constant 0 : i32
          %dma_wait3A_376 = arith.constant 0 : i32
          %dma_wait3A_377 = tpu.memref_slice %arg8[%dma_wait3A_375, %dma_wait3A_376] : memref<10000x128xbf16, #tpu.memory_space<vmem_shared>> -> memref<64x128xbf16, #tpu.memory_space<vmem_shared>>
          tpu.wait_dma2 semaphore(%arg23 : memref<!tpu.dma_semaphore, #tpu.memory_space<semaphore_mem>>) src(%dma_wait3A_377 : memref<64x128xbf16, #tpu.memory_space<vmem_shared>>) dst(%arg17 : memref<64x128xbf16, #tpu.memory_space<vmem>>)
          %mul3A_378 = arith.constant 64 : i32
          %mul3A_379 = arith.muli %add3A_366, %mul3A_378 : i32
          %get3A_380 = arith.index_cast %mul3A_379 : i32 to index
          %get3A_381 = tpu.vector_load %arg15[%get3A_380] {strides = array<i32>} : memref<4112xi32, #tpu.memory_space<vmem>>, vector<16xi32>,
          %slice3A_382 = vector.extract_strided_slice %get3A_381 {offsets = [0], sizes = [1], strides = [1]} : vector<16xi32> to vector<1xi32>
          %squeeze3A_383 = vector.extract %slice3A_382[0] : i32 from vector<1xi32>
          %mul3A_384 = arith.constant 64 : i32
          %mul3A_385 = arith.muli %add3A_366, %mul3A_384 : i32
          %sub3A_386 = arith.subi %add3A_265, %mul3A_385 : i32
          %min3A = arith.constant 64 : i32
          %min3A_387 = arith.minsi %sub3A_386, %min3A : i32
          %while3A_388 = arith.constant 0 : i32
          %while3A_389 = arith.subi %min3A_387, %while3A_388 : i32
          %while3A_390 = arith.addi %while3A_388, %while3A_389 : i32
          %while3A_391 = arith.constant 1 : i32
          %while3A_392 = arith.divsi %while3A_389, %while3A_391 : i32
          %while3A_393 = arith.muli %while3A_392, %while3A_391 : i32
          %while3A_394 = arith.addi %while3A_388, %while3A_393 : i32
          %while3A_395 = arith.constant 1 : i32
          %while3A_396 = scf.for %while3A_399 = %while3A_388 to %while3A_394 step %while3A_395 iter_args(%while3A_400 = %squeeze3A_383) -> (i32)  : i32 {
            %mul3A_401 = arith.constant 64 : i32
            %mul3A_402 = arith.muli %add3A_366, %mul3A_401 : i32
            %add3A_403 = arith.addi %mul3A_402, %while3A_399 : i32
            %add3A_404 = arith.constant 1 : i32
            %add3A_405 = arith.addi %add3A_403, %add3A_404 : i32
            %get3A_406 = arith.index_cast %add3A_405 : i32 to index
            %get3A_407 = tpu.vector_load %arg15[%get3A_406] {strides = array<i32>} : memref<4112xi32, #tpu.memory_space<vmem>>, vector<16xi32>,
            %slice3A_408 = vector.extract_strided_slice %get3A_407 {offsets = [0], sizes = [1], strides = [1]} : vector<16xi32> to vector<1xi32>
            %squeeze3A_409 = vector.extract %slice3A_408[0] : i32 from vector<1xi32>
            %get3A_410 = arith.index_cast %while3A_400 : i32 to index
            %get3A_411 = arith.constant 0 : index
            %get3A_412 = tpu.vector_load %arg9[%get3A_410, %get3A_411] {strides = array<i32>} : memref<625x128xbf16, #tpu.memory_space<vmem>>, vector<32xbf16>,
            %get3A_413 = arith.index_cast %while3A_400 : i32 to index
            %get3A_414 = arith.constant 32 : index
            %get3A_415 = tpu.vector_load %arg9[%get3A_413, %get3A_414] {strides = array<i32>} : memref<625x128xbf16, #tpu.memory_space<vmem>>, vector<32xbf16>,
            %get3A_416 = arith.index_cast %while3A_400 : i32 to index
            %get3A_417 = arith.constant 64 : index
            %get3A_418 = tpu.vector_load %arg9[%get3A_416, %get3A_417] {strides = array<i32>} : memref<625x128xbf16, #tpu.memory_space<vmem>>, vector<32xbf16>,
            %get3A_419 = arith.index_cast %while3A_400 : i32 to index
            %get3A_420 = arith.constant 96 : index
            %get3A_421 = tpu.vector_load %arg9[%get3A_419, %get3A_420] {strides = array<i32>} : memref<625x128xbf16, #tpu.memory_space<vmem>>, vector<32xbf16>,
            %get3A_422 = arith.index_cast %while3A_399 : i32 to index
            %get3A_423 = arith.constant 0 : index
            %get3A_424 = tpu.vector_load %arg17[%get3A_422, %get3A_423] {strides = array<i32>} : memref<64x128xbf16, #tpu.memory_space<vmem>>, vector<32xbf16>,
            %get3A_425 = arith.index_cast %while3A_399 : i32 to index
            %get3A_426 = arith.constant 32 : index
            %get3A_427 = tpu.vector_load %arg17[%get3A_425, %get3A_426] {strides = array<i32>} : memref<64x128xbf16, #tpu.memory_space<vmem>>, vector<32xbf16>,
            %get3A_428 = arith.index_cast %while3A_399 : i32 to index
            %get3A_429 = arith.constant 64 : index
            %get3A_430 = tpu.vector_load %arg17[%get3A_428, %get3A_429] {strides = array<i32>} : memref<64x128xbf16, #tpu.memory_space<vmem>>, vector<32xbf16>,
            %get3A_431 = arith.index_cast %while3A_399 : i32 to index
            %get3A_432 = arith.constant 96 : index
            %get3A_433 = tpu.vector_load %arg17[%get3A_431, %get3A_432] {strides = array<i32>} : memref<64x128xbf16, #tpu.memory_space<vmem>>, vector<32xbf16>,
            %max3A = arith.maximumf %get3A_412, %get3A_424 : vector<32xbf16>
            %swap3A_434 = arith.index_cast %while3A_400 : i32 to index
            %swap3A_435 = arith.constant 0 : index
            %swap3A_436 = tpu.vector_load %arg9[%swap3A_434, %swap3A_435] {strides = array<i32>} : memref<625x128xbf16, #tpu.memory_space<vmem>>, vector<32xbf16>,
            tpu.vector_store %arg9[%swap3A_434, %swap3A_435], %max3A {strides = array<i32>} : memref<625x128xbf16, #tpu.memory_space<vmem>>, vector<32xbf16>,
            %max3A_437 = arith.maximumf %get3A_415, %get3A_427 : vector<32xbf16>
            %swap3A_438 = arith.index_cast %while3A_400 : i32 to index
            %swap3A_439 = arith.constant 32 : index
            %swap3A_440 = tpu.vector_load %arg9[%swap3A_438, %swap3A_439] {strides = array<i32>} : memref<625x128xbf16, #tpu.memory_space<vmem>>, vector<32xbf16>,
            tpu.vector_store %arg9[%swap3A_438, %swap3A_439], %max3A_437 {strides = array<i32>} : memref<625x128xbf16, #tpu.memory_space<vmem>>, vector<32xbf16>,
            %max3A_441 = arith.maximumf %get3A_418, %get3A_430 : vector<32xbf16>
            %swap3A_442 = arith.index_cast %while3A_400 : i32 to index
            %swap3A_443 = arith.constant 64 : index
            %swap3A_444 = tpu.vector_load %arg9[%swap3A_442, %swap3A_443] {strides = array<i32>} : memref<625x128xbf16, #tpu.memory_space<vmem>>, vector<32xbf16>,
            tpu.vector_store %arg9[%swap3A_442, %swap3A_443], %max3A_441 {strides = array<i32>} : memref<625x128xbf16, #tpu.memory_space<vmem>>, vector<32xbf16>,
            %max3A_445 = arith.maximumf %get3A_421, %get3A_433 : vector<32xbf16>
            %swap3A_446 = arith.index_cast %while3A_400 : i32 to index
            %swap3A_447 = arith.constant 96 : index
            %swap3A_448 = tpu.vector_load %arg9[%swap3A_446, %swap3A_447] {strides = array<i32>} : memref<625x128xbf16, #tpu.memory_space<vmem>>, vector<32xbf16>,
            tpu.vector_store %arg9[%swap3A_446, %swap3A_447], %max3A_445 {strides = array<i32>} : memref<625x128xbf16, #tpu.memory_space<vmem>>, vector<32xbf16>,
            scf.yield %squeeze3A_409 : i32
          }
          %while3A_397 = arith.constant 1 : i32
          %while3A_398 = scf.for %while3A_399 = %while3A_394 to %while3A_390 step %while3A_397 iter_args(%while3A_400 = %while3A_396) -> (i32)  : i32 {
            %mul3A_401 = arith.constant 64 : i32
            %mul3A_402 = arith.muli %add3A_366, %mul3A_401 : i32
            %add3A_403 = arith.addi %mul3A_402, %while3A_399 : i32
            %add3A_404 = arith.constant 1 : i32
            %add3A_405 = arith.addi %add3A_403, %add3A_404 : i32
            %get3A_406 = arith.index_cast %add3A_405 : i32 to index
            %get3A_407 = tpu.vector_load %arg15[%get3A_406] {strides = array<i32>} : memref<4112xi32, #tpu.memory_space<vmem>>, vector<16xi32>,
            %slice3A_408 = vector.extract_strided_slice %get3A_407 {offsets = [0], sizes = [1], strides = [1]} : vector<16xi32> to vector<1xi32>
            %squeeze3A_409 = vector.extract %slice3A_408[0] : i32 from vector<1xi32>
            %get3A_410 = arith.index_cast %while3A_400 : i32 to index
            %get3A_411 = arith.constant 0 : index
            %get3A_412 = tpu.vector_load %arg9[%get3A_410, %get3A_411] {strides = array<i32>} : memref<625x128xbf16, #tpu.memory_space<vmem>>, vector<32xbf16>,
            %get3A_413 = arith.index_cast %while3A_400 : i32 to index
            %get3A_414 = arith.constant 32 : index
            %get3A_415 = tpu.vector_load %arg9[%get3A_413, %get3A_414] {strides = array<i32>} : memref<625x128xbf16, #tpu.memory_space<vmem>>, vector<32xbf16>,
            %get3A_416 = arith.index_cast %while3A_400 : i32 to index
            %get3A_417 = arith.constant 64 : index
            %get3A_418 = tpu.vector_load %arg9[%get3A_416, %get3A_417] {strides = array<i32>} : memref<625x128xbf16, #tpu.memory_space<vmem>>, vector<32xbf16>,
            %get3A_419 = arith.index_cast %while3A_400 : i32 to index
            %get3A_420 = arith.constant 96 : index
            %get3A_421 = tpu.vector_load %arg9[%get3A_419, %get3A_420] {strides = array<i32>} : memref<625x128xbf16, #tpu.memory_space<vmem>>, vector<32xbf16>,
            %get3A_422 = arith.index_cast %while3A_399 : i32 to index
            %get3A_423 = arith.constant 0 : index
            %get3A_424 = tpu.vector_load %arg17[%get3A_422, %get3A_423] {strides = array<i32>} : memref<64x128xbf16, #tpu.memory_space<vmem>>, vector<32xbf16>,
            %get3A_425 = arith.index_cast %while3A_399 : i32 to index
            %get3A_426 = arith.constant 32 : index
            %get3A_427 = tpu.vector_load %arg17[%get3A_425, %get3A_426] {strides = array<i32>} : memref<64x128xbf16, #tpu.memory_space<vmem>>, vector<32xbf16>,
            %get3A_428 = arith.index_cast %while3A_399 : i32 to index
            %get3A_429 = arith.constant 64 : index
            %get3A_430 = tpu.vector_load %arg17[%get3A_428, %get3A_429] {strides = array<i32>} : memref<64x128xbf16, #tpu.memory_space<vmem>>, vector<32xbf16>,
            %get3A_431 = arith.index_cast %while3A_399 : i32 to index
            %get3A_432 = arith.constant 96 : index
            %get3A_433 = tpu.vector_load %arg17[%get3A_431, %get3A_432] {strides = array<i32>} : memref<64x128xbf16, #tpu.memory_space<vmem>>, vector<32xbf16>,
            %max3A = arith.maximumf %get3A_412, %get3A_424 : vector<32xbf16>
            %swap3A_434 = arith.index_cast %while3A_400 : i32 to index
            %swap3A_435 = arith.constant 0 : index
            %swap3A_436 = tpu.vector_load %arg9[%swap3A_434, %swap3A_435] {strides = array<i32>} : memref<625x128xbf16, #tpu.memory_space<vmem>>, vector<32xbf16>,
            tpu.vector_store %arg9[%swap3A_434, %swap3A_435], %max3A {strides = array<i32>} : memref<625x128xbf16, #tpu.memory_space<vmem>>, vector<32xbf16>,
            %max3A_437 = arith.maximumf %get3A_415, %get3A_427 : vector<32xbf16>
            %swap3A_438 = arith.index_cast %while3A_400 : i32 to index
            %swap3A_439 = arith.constant 32 : index
            %swap3A_440 = tpu.vector_load %arg9[%swap3A_438, %swap3A_439] {strides = array<i32>} : memref<625x128xbf16, #tpu.memory_space<vmem>>, vector<32xbf16>,
            tpu.vector_store %arg9[%swap3A_438, %swap3A_439], %max3A_437 {strides = array<i32>} : memref<625x128xbf16, #tpu.memory_space<vmem>>, vector<32xbf16>,
            %max3A_441 = arith.maximumf %get3A_418, %get3A_430 : vector<32xbf16>
            %swap3A_442 = arith.index_cast %while3A_400 : i32 to index
            %swap3A_443 = arith.constant 64 : index
            %swap3A_444 = tpu.vector_load %arg9[%swap3A_442, %swap3A_443] {strides = array<i32>} : memref<625x128xbf16, #tpu.memory_space<vmem>>, vector<32xbf16>,
            tpu.vector_store %arg9[%swap3A_442, %swap3A_443], %max3A_441 {strides = array<i32>} : memref<625x128xbf16, #tpu.memory_space<vmem>>, vector<32xbf16>,
            %max3A_445 = arith.maximumf %get3A_421, %get3A_433 : vector<32xbf16>
            %swap3A_446 = arith.index_cast %while3A_400 : i32 to index
            %swap3A_447 = arith.constant 96 : index
            %swap3A_448 = tpu.vector_load %arg9[%swap3A_446, %swap3A_447] {strides = array<i32>} : memref<625x128xbf16, #tpu.memory_space<vmem>>, vector<32xbf16>,
            tpu.vector_store %arg9[%swap3A_446, %swap3A_447], %max3A_445 {strides = array<i32>} : memref<625x128xbf16, #tpu.memory_space<vmem>>, vector<32xbf16>,
            scf.yield %squeeze3A_409 : i32
          }
        } else {
        }
        %while3A_371 = arith.constant 0 : i32
        scf.yield %while3A_371 : i32
      }
      %while3A_336 = arith.constant 1 : i32
      %while3A_337 = scf.for %while3A_339 = %while3A_333 to %while3A_329 step %while3A_336 iter_args(%while3A_340 = %while3A_335) -> (i32)  : i32 {
        %mul3A_341 = arith.constant 2 : i32
        %mul3A_342 = arith.muli %mul3A_341, %while3A_339 : i32
        %add3A_343 = arith.constant 1 : i32
        %add3A_344 = arith.addi %mul3A_342, %add3A_343 : i32
        %lt3A_345 = arith.cmpi slt, %add3A_344, %select_n3A_294 : i32
        %convert_element_type3A_346 = arith.extui %lt3A_345 : i1 to i32
        %cond3A_347 = arith.constant 0 : i32
        %cond3A_348 = arith.cmpi ne, %convert_element_type3A_346, %cond3A_347 : i32
        scf.if %cond3A_348 {
          %mul3A_372 = arith.constant 64 : i32
          %mul3A_373 = arith.muli %add3A_344, %mul3A_372 : i32
          %dma_start3A_374 = tpu.memref_slice %arg14[%mul3A_373] : memref<4112xi32, #tpu.memory_space<vmem>> -> memref<64xi32, #tpu.memory_space<vmem>>
          %dma_start3A_375 = arith.constant 0 : i32
          %dma_start3A_376 = arith.constant 0 : i32
          %dma_start3A_377 = tpu.memref_slice %arg8[%dma_start3A_375, %dma_start3A_376] : memref<10000x128xbf16, #tpu.memory_space<vmem_shared>> -> memref<10000x128xbf16, #tpu.memory_space<vmem_shared>>
          tpu.enqueue_indirect_dma source(%dma_start3A_377 : memref<10000x128xbf16, #tpu.memory_space<vmem_shared>>) target(%arg17 : memref<64x128xbf16, #tpu.memory_space<vmem>>) offsets(%dma_start3A_374 : memref<64xi32, #tpu.memory_space<vmem>>) semaphore(%arg23 : memref<!tpu.dma_semaphore, #tpu.memory_space<semaphore_mem>>)
        } else {
        }
        %mul3A_349 = arith.constant 2 : i32
        %mul3A_350 = arith.muli %mul3A_349, %while3A_339 : i32
        %lt3A_351 = arith.cmpi slt, %mul3A_350, %select_n3A_294 : i32
        %convert_element_type3A_352 = arith.extui %lt3A_351 : i1 to i32
        %cond3A_353 = arith.constant 0 : i32
        %cond3A_354 = arith.cmpi ne, %convert_element_type3A_352, %cond3A_353 : i32
        scf.if %cond3A_354 {
          %dma_wait3A_372 = arith.constant 0 : i32
          %dma_wait3A_373 = arith.constant 0 : i32
          %dma_wait3A_374 = tpu.memref_slice %arg8[%dma_wait3A_372, %dma_wait3A_373] : memref<10000x128xbf16, #tpu.memory_space<vmem_shared>> -> memref<64x128xbf16, #tpu.memory_space<vmem_shared>>
          %dma_wait3A_375 = arith.constant 0 : i32
          %dma_wait3A_376 = arith.constant 0 : i32
          %dma_wait3A_377 = tpu.memref_slice %arg8[%dma_wait3A_375, %dma_wait3A_376] : memref<10000x128xbf16, #tpu.memory_space<vmem_shared>> -> memref<64x128xbf16, #tpu.memory_space<vmem_shared>>
          tpu.wait_dma2 semaphore(%arg22 : memref<!tpu.dma_semaphore, #tpu.memory_space<semaphore_mem>>) src(%dma_wait3A_377 : memref<64x128xbf16, #tpu.memory_space<vmem_shared>>) dst(%arg16 : memref<64x128xbf16, #tpu.memory_space<vmem>>)
          %mul3A_378 = arith.constant 64 : i32
          %mul3A_379 = arith.muli %mul3A_350, %mul3A_378 : i32
          %get3A_380 = arith.index_cast %mul3A_379 : i32 to index
          %get3A_381 = tpu.vector_load %arg15[%get3A_380] {strides = array<i32>} : memref<4112xi32, #tpu.memory_space<vmem>>, vector<16xi32>,
          %slice3A_382 = vector.extract_strided_slice %get3A_381 {offsets = [0], sizes = [1], strides = [1]} : vector<16xi32> to vector<1xi32>
          %squeeze3A_383 = vector.extract %slice3A_382[0] : i32 from vector<1xi32>
          %mul3A_384 = arith.constant 64 : i32
          %mul3A_385 = arith.muli %mul3A_350, %mul3A_384 : i32
          %sub3A_386 = arith.subi %add3A_265, %mul3A_385 : i32
          %min3A = arith.constant 64 : i32
          %min3A_387 = arith.minsi %sub3A_386, %min3A : i32
          %while3A_388 = arith.constant 0 : i32
          %while3A_389 = arith.subi %min3A_387, %while3A_388 : i32
          %while3A_390 = arith.addi %while3A_388, %while3A_389 : i32
          %while3A_391 = arith.constant 1 : i32
          %while3A_392 = arith.divsi %while3A_389, %while3A_391 : i32
          %while3A_393 = arith.muli %while3A_392, %while3A_391 : i32
          %while3A_394 = arith.addi %while3A_388, %while3A_393 : i32
          %while3A_395 = arith.constant 1 : i32
          %while3A_396 = scf.for %while3A_399 = %while3A_388 to %while3A_394 step %while3A_395 iter_args(%while3A_400 = %squeeze3A_383) -> (i32)  : i32 {
            %mul3A_401 = arith.constant 64 : i32
            %mul3A_402 = arith.muli %mul3A_350, %mul3A_401 : i32
            %add3A_403 = arith.addi %mul3A_402, %while3A_399 : i32
            %add3A_404 = arith.constant 1 : i32
            %add3A_405 = arith.addi %add3A_403, %add3A_404 : i32
            %get3A_406 = arith.index_cast %add3A_405 : i32 to index
            %get3A_407 = tpu.vector_load %arg15[%get3A_406] {strides = array<i32>} : memref<4112xi32, #tpu.memory_space<vmem>>, vector<16xi32>,
            %slice3A_408 = vector.extract_strided_slice %get3A_407 {offsets = [0], sizes = [1], strides = [1]} : vector<16xi32> to vector<1xi32>
            %squeeze3A_409 = vector.extract %slice3A_408[0] : i32 from vector<1xi32>
            %get3A_410 = arith.index_cast %while3A_400 : i32 to index
            %get3A_411 = arith.constant 0 : index
            %get3A_412 = tpu.vector_load %arg9[%get3A_410, %get3A_411] {strides = array<i32>} : memref<625x128xbf16, #tpu.memory_space<vmem>>, vector<32xbf16>,
            %get3A_413 = arith.index_cast %while3A_400 : i32 to index
            %get3A_414 = arith.constant 32 : index
            %get3A_415 = tpu.vector_load %arg9[%get3A_413, %get3A_414] {strides = array<i32>} : memref<625x128xbf16, #tpu.memory_space<vmem>>, vector<32xbf16>,
            %get3A_416 = arith.index_cast %while3A_400 : i32 to index
            %get3A_417 = arith.constant 64 : index
            %get3A_418 = tpu.vector_load %arg9[%get3A_416, %get3A_417] {strides = array<i32>} : memref<625x128xbf16, #tpu.memory_space<vmem>>, vector<32xbf16>,
            %get3A_419 = arith.index_cast %while3A_400 : i32 to index
            %get3A_420 = arith.constant 96 : index
            %get3A_421 = tpu.vector_load %arg9[%get3A_419, %get3A_420] {strides = array<i32>} : memref<625x128xbf16, #tpu.memory_space<vmem>>, vector<32xbf16>,
            %get3A_422 = arith.index_cast %while3A_399 : i32 to index
            %get3A_423 = arith.constant 0 : index
            %get3A_424 = tpu.vector_load %arg16[%get3A_422, %get3A_423] {strides = array<i32>} : memref<64x128xbf16, #tpu.memory_space<vmem>>, vector<32xbf16>,
            %get3A_425 = arith.index_cast %while3A_399 : i32 to index
            %get3A_426 = arith.constant 32 : index
            %get3A_427 = tpu.vector_load %arg16[%get3A_425, %get3A_426] {strides = array<i32>} : memref<64x128xbf16, #tpu.memory_space<vmem>>, vector<32xbf16>,
            %get3A_428 = arith.index_cast %while3A_399 : i32 to index
            %get3A_429 = arith.constant 64 : index
            %get3A_430 = tpu.vector_load %arg16[%get3A_428, %get3A_429] {strides = array<i32>} : memref<64x128xbf16, #tpu.memory_space<vmem>>, vector<32xbf16>,
            %get3A_431 = arith.index_cast %while3A_399 : i32 to index
            %get3A_432 = arith.constant 96 : index
            %get3A_433 = tpu.vector_load %arg16[%get3A_431, %get3A_432] {strides = array<i32>} : memref<64x128xbf16, #tpu.memory_space<vmem>>, vector<32xbf16>,
            %max3A = arith.maximumf %get3A_412, %get3A_424 : vector<32xbf16>
            %swap3A_434 = arith.index_cast %while3A_400 : i32 to index
            %swap3A_435 = arith.constant 0 : index
            %swap3A_436 = tpu.vector_load %arg9[%swap3A_434, %swap3A_435] {strides = array<i32>} : memref<625x128xbf16, #tpu.memory_space<vmem>>, vector<32xbf16>,
            tpu.vector_store %arg9[%swap3A_434, %swap3A_435], %max3A {strides = array<i32>} : memref<625x128xbf16, #tpu.memory_space<vmem>>, vector<32xbf16>,
            %max3A_437 = arith.maximumf %get3A_415, %get3A_427 : vector<32xbf16>
            %swap3A_438 = arith.index_cast %while3A_400 : i32 to index
            %swap3A_439 = arith.constant 32 : index
            %swap3A_440 = tpu.vector_load %arg9[%swap3A_438, %swap3A_439] {strides = array<i32>} : memref<625x128xbf16, #tpu.memory_space<vmem>>, vector<32xbf16>,
            tpu.vector_store %arg9[%swap3A_438, %swap3A_439], %max3A_437 {strides = array<i32>} : memref<625x128xbf16, #tpu.memory_space<vmem>>, vector<32xbf16>,
            %max3A_441 = arith.maximumf %get3A_418, %get3A_430 : vector<32xbf16>
            %swap3A_442 = arith.index_cast %while3A_400 : i32 to index
            %swap3A_443 = arith.constant 64 : index
            %swap3A_444 = tpu.vector_load %arg9[%swap3A_442, %swap3A_443] {strides = array<i32>} : memref<625x128xbf16, #tpu.memory_space<vmem>>, vector<32xbf16>,
            tpu.vector_store %arg9[%swap3A_442, %swap3A_443], %max3A_441 {strides = array<i32>} : memref<625x128xbf16, #tpu.memory_space<vmem>>, vector<32xbf16>,
            %max3A_445 = arith.maximumf %get3A_421, %get3A_433 : vector<32xbf16>
            %swap3A_446 = arith.index_cast %while3A_400 : i32 to index
            %swap3A_447 = arith.constant 96 : index
            %swap3A_448 = tpu.vector_load %arg9[%swap3A_446, %swap3A_447] {strides = array<i32>} : memref<625x128xbf16, #tpu.memory_space<vmem>>, vector<32xbf16>,
            tpu.vector_store %arg9[%swap3A_446, %swap3A_447], %max3A_445 {strides = array<i32>} : memref<625x128xbf16, #tpu.memory_space<vmem>>, vector<32xbf16>,
            scf.yield %squeeze3A_409 : i32
          }
          %while3A_397 = arith.constant 1 : i32
          %while3A_398 = scf.for %while3A_399 = %while3A_394 to %while3A_390 step %while3A_397 iter_args(%while3A_400 = %while3A_396) -> (i32)  : i32 {
            %mul3A_401 = arith.constant 64 : i32
            %mul3A_402 = arith.muli %mul3A_350, %mul3A_401 : i32
            %add3A_403 = arith.addi %mul3A_402, %while3A_399 : i32
            %add3A_404 = arith.constant 1 : i32
            %add3A_405 = arith.addi %add3A_403, %add3A_404 : i32
            %get3A_406 = arith.index_cast %add3A_405 : i32 to index
            %get3A_407 = tpu.vector_load %arg15[%get3A_406] {strides = array<i32>} : memref<4112xi32, #tpu.memory_space<vmem>>, vector<16xi32>,
            %slice3A_408 = vector.extract_strided_slice %get3A_407 {offsets = [0], sizes = [1], strides = [1]} : vector<16xi32> to vector<1xi32>
            %squeeze3A_409 = vector.extract %slice3A_408[0] : i32 from vector<1xi32>
            %get3A_410 = arith.index_cast %while3A_400 : i32 to index
            %get3A_411 = arith.constant 0 : index
            %get3A_412 = tpu.vector_load %arg9[%get3A_410, %get3A_411] {strides = array<i32>} : memref<625x128xbf16, #tpu.memory_space<vmem>>, vector<32xbf16>,
            %get3A_413 = arith.index_cast %while3A_400 : i32 to index
            %get3A_414 = arith.constant 32 : index
            %get3A_415 = tpu.vector_load %arg9[%get3A_413, %get3A_414] {strides = array<i32>} : memref<625x128xbf16, #tpu.memory_space<vmem>>, vector<32xbf16>,
            %get3A_416 = arith.index_cast %while3A_400 : i32 to index
            %get3A_417 = arith.constant 64 : index
            %get3A_418 = tpu.vector_load %arg9[%get3A_416, %get3A_417] {strides = array<i32>} : memref<625x128xbf16, #tpu.memory_space<vmem>>, vector<32xbf16>,
            %get3A_419 = arith.index_cast %while3A_400 : i32 to index
            %get3A_420 = arith.constant 96 : index
            %get3A_421 = tpu.vector_load %arg9[%get3A_419, %get3A_420] {strides = array<i32>} : memref<625x128xbf16, #tpu.memory_space<vmem>>, vector<32xbf16>,
            %get3A_422 = arith.index_cast %while3A_399 : i32 to index
            %get3A_423 = arith.constant 0 : index
            %get3A_424 = tpu.vector_load %arg16[%get3A_422, %get3A_423] {strides = array<i32>} : memref<64x128xbf16, #tpu.memory_space<vmem>>, vector<32xbf16>,
            %get3A_425 = arith.index_cast %while3A_399 : i32 to index
            %get3A_426 = arith.constant 32 : index
            %get3A_427 = tpu.vector_load %arg16[%get3A_425, %get3A_426] {strides = array<i32>} : memref<64x128xbf16, #tpu.memory_space<vmem>>, vector<32xbf16>,
            %get3A_428 = arith.index_cast %while3A_399 : i32 to index
            %get3A_429 = arith.constant 64 : index
            %get3A_430 = tpu.vector_load %arg16[%get3A_428, %get3A_429] {strides = array<i32>} : memref<64x128xbf16, #tpu.memory_space<vmem>>, vector<32xbf16>,
            %get3A_431 = arith.index_cast %while3A_399 : i32 to index
            %get3A_432 = arith.constant 96 : index
            %get3A_433 = tpu.vector_load %arg16[%get3A_431, %get3A_432] {strides = array<i32>} : memref<64x128xbf16, #tpu.memory_space<vmem>>, vector<32xbf16>,
            %max3A = arith.maximumf %get3A_412, %get3A_424 : vector<32xbf16>
            %swap3A_434 = arith.index_cast %while3A_400 : i32 to index
            %swap3A_435 = arith.constant 0 : index
            %swap3A_436 = tpu.vector_load %arg9[%swap3A_434, %swap3A_435] {strides = array<i32>} : memref<625x128xbf16, #tpu.memory_space<vmem>>, vector<32xbf16>,
            tpu.vector_store %arg9[%swap3A_434, %swap3A_435], %max3A {strides = array<i32>} : memref<625x128xbf16, #tpu.memory_space<vmem>>, vector<32xbf16>,
            %max3A_437 = arith.maximumf %get3A_415, %get3A_427 : vector<32xbf16>
            %swap3A_438 = arith.index_cast %while3A_400 : i32 to index
            %swap3A_439 = arith.constant 32 : index
            %swap3A_440 = tpu.vector_load %arg9[%swap3A_438, %swap3A_439] {strides = array<i32>} : memref<625x128xbf16, #tpu.memory_space<vmem>>, vector<32xbf16>,
            tpu.vector_store %arg9[%swap3A_438, %swap3A_439], %max3A_437 {strides = array<i32>} : memref<625x128xbf16, #tpu.memory_space<vmem>>, vector<32xbf16>,
            %max3A_441 = arith.maximumf %get3A_418, %get3A_430 : vector<32xbf16>
            %swap3A_442 = arith.index_cast %while3A_400 : i32 to index
            %swap3A_443 = arith.constant 64 : index
            %swap3A_444 = tpu.vector_load %arg9[%swap3A_442, %swap3A_443] {strides = array<i32>} : memref<625x128xbf16, #tpu.memory_space<vmem>>, vector<32xbf16>,
            tpu.vector_store %arg9[%swap3A_442, %swap3A_443], %max3A_441 {strides = array<i32>} : memref<625x128xbf16, #tpu.memory_space<vmem>>, vector<32xbf16>,
            %max3A_445 = arith.maximumf %get3A_421, %get3A_433 : vector<32xbf16>
            %swap3A_446 = arith.index_cast %while3A_400 : i32 to index
            %swap3A_447 = arith.constant 96 : index
            %swap3A_448 = tpu.vector_load %arg9[%swap3A_446, %swap3A_447] {strides = array<i32>} : memref<625x128xbf16, #tpu.memory_space<vmem>>, vector<32xbf16>,
            tpu.vector_store %arg9[%swap3A_446, %swap3A_447], %max3A_445 {strides = array<i32>} : memref<625x128xbf16, #tpu.memory_space<vmem>>, vector<32xbf16>,
            scf.yield %squeeze3A_409 : i32
          }
        } else {
        }
        %mul3A_355 = arith.constant 2 : i32
        %mul3A_356 = arith.muli %mul3A_355, %while3A_339 : i32
        %add3A_357 = arith.constant 2 : i32
        %add3A_358 = arith.addi %mul3A_356, %add3A_357 : i32
        %lt3A_359 = arith.cmpi slt, %add3A_358, %select_n3A_294 : i32
        %convert_element_type3A_360 = arith.extui %lt3A_359 : i1 to i32
        %cond3A_361 = arith.constant 0 : i32
        %cond3A_362 = arith.cmpi ne, %convert_element_type3A_360, %cond3A_361 : i32
        scf.if %cond3A_362 {
          %mul3A_372 = arith.constant 64 : i32
          %mul3A_373 = arith.muli %add3A_358, %mul3A_372 : i32
          %dma_start3A_374 = tpu.memref_slice %arg14[%mul3A_373] : memref<4112xi32, #tpu.memory_space<vmem>> -> memref<64xi32, #tpu.memory_space<vmem>>
          %dma_start3A_375 = arith.constant 0 : i32
          %dma_start3A_376 = arith.constant 0 : i32
          %dma_start3A_377 = tpu.memref_slice %arg8[%dma_start3A_375, %dma_start3A_376] : memref<10000x128xbf16, #tpu.memory_space<vmem_shared>> -> memref<10000x128xbf16, #tpu.memory_space<vmem_shared>>
          tpu.enqueue_indirect_dma source(%dma_start3A_377 : memref<10000x128xbf16, #tpu.memory_space<vmem_shared>>) target(%arg16 : memref<64x128xbf16, #tpu.memory_space<vmem>>) offsets(%dma_start3A_374 : memref<64xi32, #tpu.memory_space<vmem>>) semaphore(%arg22 : memref<!tpu.dma_semaphore, #tpu.memory_space<semaphore_mem>>)
        } else {
        }
        %mul3A_363 = arith.constant 2 : i32
        %mul3A_364 = arith.muli %mul3A_363, %while3A_339 : i32
        %add3A_365 = arith.constant 1 : i32
        %add3A_366 = arith.addi %mul3A_364, %add3A_365 : i32
        %lt3A_367 = arith.cmpi slt, %add3A_366, %select_n3A_294 : i32
        %convert_element_type3A_368 = arith.extui %lt3A_367 : i1 to i32
        %cond3A_369 = arith.constant 0 : i32
        %cond3A_370 = arith.cmpi ne, %convert_element_type3A_368, %cond3A_369 : i32
        scf.if %cond3A_370 {
          %dma_wait3A_372 = arith.constant 0 : i32
          %dma_wait3A_373 = arith.constant 0 : i32
          %dma_wait3A_374 = tpu.memref_slice %arg8[%dma_wait3A_372, %dma_wait3A_373] : memref<10000x128xbf16, #tpu.memory_space<vmem_shared>> -> memref<64x128xbf16, #tpu.memory_space<vmem_shared>>
          %dma_wait3A_375 = arith.constant 0 : i32
          %dma_wait3A_376 = arith.constant 0 : i32
          %dma_wait3A_377 = tpu.memref_slice %arg8[%dma_wait3A_375, %dma_wait3A_376] : memref<10000x128xbf16, #tpu.memory_space<vmem_shared>> -> memref<64x128xbf16, #tpu.memory_space<vmem_shared>>
          tpu.wait_dma2 semaphore(%arg23 : memref<!tpu.dma_semaphore, #tpu.memory_space<semaphore_mem>>) src(%dma_wait3A_377 : memref<64x128xbf16, #tpu.memory_space<vmem_shared>>) dst(%arg17 : memref<64x128xbf16, #tpu.memory_space<vmem>>)
          %mul3A_378 = arith.constant 64 : i32
          %mul3A_379 = arith.muli %add3A_366, %mul3A_378 : i32
          %get3A_380 = arith.index_cast %mul3A_379 : i32 to index
          %get3A_381 = tpu.vector_load %arg15[%get3A_380] {strides = array<i32>} : memref<4112xi32, #tpu.memory_space<vmem>>, vector<16xi32>,
          %slice3A_382 = vector.extract_strided_slice %get3A_381 {offsets = [0], sizes = [1], strides = [1]} : vector<16xi32> to vector<1xi32>
          %squeeze3A_383 = vector.extract %slice3A_382[0] : i32 from vector<1xi32>
          %mul3A_384 = arith.constant 64 : i32
          %mul3A_385 = arith.muli %add3A_366, %mul3A_384 : i32
          %sub3A_386 = arith.subi %add3A_265, %mul3A_385 : i32
          %min3A = arith.constant 64 : i32
          %min3A_387 = arith.minsi %sub3A_386, %min3A : i32
          %while3A_388 = arith.constant 0 : i32
          %while3A_389 = arith.subi %min3A_387, %while3A_388 : i32
          %while3A_390 = arith.addi %while3A_388, %while3A_389 : i32
          %while3A_391 = arith.constant 1 : i32
          %while3A_392 = arith.divsi %while3A_389, %while3A_391 : i32
          %while3A_393 = arith.muli %while3A_392, %while3A_391 : i32
          %while3A_394 = arith.addi %while3A_388, %while3A_393 : i32
          %while3A_395 = arith.constant 1 : i32
          %while3A_396 = scf.for %while3A_399 = %while3A_388 to %while3A_394 step %while3A_395 iter_args(%while3A_400 = %squeeze3A_383) -> (i32)  : i32 {
            %mul3A_401 = arith.constant 64 : i32
            %mul3A_402 = arith.muli %add3A_366, %mul3A_401 : i32
            %add3A_403 = arith.addi %mul3A_402, %while3A_399 : i32
            %add3A_404 = arith.constant 1 : i32
            %add3A_405 = arith.addi %add3A_403, %add3A_404 : i32
            %get3A_406 = arith.index_cast %add3A_405 : i32 to index
            %get3A_407 = tpu.vector_load %arg15[%get3A_406] {strides = array<i32>} : memref<4112xi32, #tpu.memory_space<vmem>>, vector<16xi32>,
            %slice3A_408 = vector.extract_strided_slice %get3A_407 {offsets = [0], sizes = [1], strides = [1]} : vector<16xi32> to vector<1xi32>
            %squeeze3A_409 = vector.extract %slice3A_408[0] : i32 from vector<1xi32>
            %get3A_410 = arith.index_cast %while3A_400 : i32 to index
            %get3A_411 = arith.constant 0 : index
            %get3A_412 = tpu.vector_load %arg9[%get3A_410, %get3A_411] {strides = array<i32>} : memref<625x128xbf16, #tpu.memory_space<vmem>>, vector<32xbf16>,
            %get3A_413 = arith.index_cast %while3A_400 : i32 to index
            %get3A_414 = arith.constant 32 : index
            %get3A_415 = tpu.vector_load %arg9[%get3A_413, %get3A_414] {strides = array<i32>} : memref<625x128xbf16, #tpu.memory_space<vmem>>, vector<32xbf16>,
            %get3A_416 = arith.index_cast %while3A_400 : i32 to index
            %get3A_417 = arith.constant 64 : index
            %get3A_418 = tpu.vector_load %arg9[%get3A_416, %get3A_417] {strides = array<i32>} : memref<625x128xbf16, #tpu.memory_space<vmem>>, vector<32xbf16>,
            %get3A_419 = arith.index_cast %while3A_400 : i32 to index
            %get3A_420 = arith.constant 96 : index
            %get3A_421 = tpu.vector_load %arg9[%get3A_419, %get3A_420] {strides = array<i32>} : memref<625x128xbf16, #tpu.memory_space<vmem>>, vector<32xbf16>,
            %get3A_422 = arith.index_cast %while3A_399 : i32 to index
            %get3A_423 = arith.constant 0 : index
            %get3A_424 = tpu.vector_load %arg17[%get3A_422, %get3A_423] {strides = array<i32>} : memref<64x128xbf16, #tpu.memory_space<vmem>>, vector<32xbf16>,
            %get3A_425 = arith.index_cast %while3A_399 : i32 to index
            %get3A_426 = arith.constant 32 : index
            %get3A_427 = tpu.vector_load %arg17[%get3A_425, %get3A_426] {strides = array<i32>} : memref<64x128xbf16, #tpu.memory_space<vmem>>, vector<32xbf16>,
            %get3A_428 = arith.index_cast %while3A_399 : i32 to index
            %get3A_429 = arith.constant 64 : index
            %get3A_430 = tpu.vector_load %arg17[%get3A_428, %get3A_429] {strides = array<i32>} : memref<64x128xbf16, #tpu.memory_space<vmem>>, vector<32xbf16>,
            %get3A_431 = arith.index_cast %while3A_399 : i32 to index
            %get3A_432 = arith.constant 96 : index
            %get3A_433 = tpu.vector_load %arg17[%get3A_431, %get3A_432] {strides = array<i32>} : memref<64x128xbf16, #tpu.memory_space<vmem>>, vector<32xbf16>,
            %max3A = arith.maximumf %get3A_412, %get3A_424 : vector<32xbf16>
            %swap3A_434 = arith.index_cast %while3A_400 : i32 to index
            %swap3A_435 = arith.constant 0 : index
            %swap3A_436 = tpu.vector_load %arg9[%swap3A_434, %swap3A_435] {strides = array<i32>} : memref<625x128xbf16, #tpu.memory_space<vmem>>, vector<32xbf16>,
            tpu.vector_store %arg9[%swap3A_434, %swap3A_435], %max3A {strides = array<i32>} : memref<625x128xbf16, #tpu.memory_space<vmem>>, vector<32xbf16>,
            %max3A_437 = arith.maximumf %get3A_415, %get3A_427 : vector<32xbf16>
            %swap3A_438 = arith.index_cast %while3A_400 : i32 to index
            %swap3A_439 = arith.constant 32 : index
            %swap3A_440 = tpu.vector_load %arg9[%swap3A_438, %swap3A_439] {strides = array<i32>} : memref<625x128xbf16, #tpu.memory_space<vmem>>, vector<32xbf16>,
            tpu.vector_store %arg9[%swap3A_438, %swap3A_439], %max3A_437 {strides = array<i32>} : memref<625x128xbf16, #tpu.memory_space<vmem>>, vector<32xbf16>,
            %max3A_441 = arith.maximumf %get3A_418, %get3A_430 : vector<32xbf16>
            %swap3A_442 = arith.index_cast %while3A_400 : i32 to index
            %swap3A_443 = arith.constant 64 : index
            %swap3A_444 = tpu.vector_load %arg9[%swap3A_442, %swap3A_443] {strides = array<i32>} : memref<625x128xbf16, #tpu.memory_space<vmem>>, vector<32xbf16>,
            tpu.vector_store %arg9[%swap3A_442, %swap3A_443], %max3A_441 {strides = array<i32>} : memref<625x128xbf16, #tpu.memory_space<vmem>>, vector<32xbf16>,
            %max3A_445 = arith.maximumf %get3A_421, %get3A_433 : vector<32xbf16>
            %swap3A_446 = arith.index_cast %while3A_400 : i32 to index
            %swap3A_447 = arith.constant 96 : index
            %swap3A_448 = tpu.vector_load %arg9[%swap3A_446, %swap3A_447] {strides = array<i32>} : memref<625x128xbf16, #tpu.memory_space<vmem>>, vector<32xbf16>,
            tpu.vector_store %arg9[%swap3A_446, %swap3A_447], %max3A_445 {strides = array<i32>} : memref<625x128xbf16, #tpu.memory_space<vmem>>, vector<32xbf16>,
            scf.yield %squeeze3A_409 : i32
          }
          %while3A_397 = arith.constant 1 : i32
          %while3A_398 = scf.for %while3A_399 = %while3A_394 to %while3A_390 step %while3A_397 iter_args(%while3A_400 = %while3A_396) -> (i32)  : i32 {
            %mul3A_401 = arith.constant 64 : i32
            %mul3A_402 = arith.muli %add3A_366, %mul3A_401 : i32
            %add3A_403 = arith.addi %mul3A_402, %while3A_399 : i32
            %add3A_404 = arith.constant 1 : i32
            %add3A_405 = arith.addi %add3A_403, %add3A_404 : i32
            %get3A_406 = arith.index_cast %add3A_405 : i32 to index
            %get3A_407 = tpu.vector_load %arg15[%get3A_406] {strides = array<i32>} : memref<4112xi32, #tpu.memory_space<vmem>>, vector<16xi32>,
            %slice3A_408 = vector.extract_strided_slice %get3A_407 {offsets = [0], sizes = [1], strides = [1]} : vector<16xi32> to vector<1xi32>
            %squeeze3A_409 = vector.extract %slice3A_408[0] : i32 from vector<1xi32>
            %get3A_410 = arith.index_cast %while3A_400 : i32 to index
            %get3A_411 = arith.constant 0 : index
            %get3A_412 = tpu.vector_load %arg9[%get3A_410, %get3A_411] {strides = array<i32>} : memref<625x128xbf16, #tpu.memory_space<vmem>>, vector<32xbf16>,
            %get3A_413 = arith.index_cast %while3A_400 : i32 to index
            %get3A_414 = arith.constant 32 : index
            %get3A_415 = tpu.vector_load %arg9[%get3A_413, %get3A_414] {strides = array<i32>} : memref<625x128xbf16, #tpu.memory_space<vmem>>, vector<32xbf16>,
            %get3A_416 = arith.index_cast %while3A_400 : i32 to index
            %get3A_417 = arith.constant 64 : index
            %get3A_418 = tpu.vector_load %arg9[%get3A_416, %get3A_417] {strides = array<i32>} : memref<625x128xbf16, #tpu.memory_space<vmem>>, vector<32xbf16>,
            %get3A_419 = arith.index_cast %while3A_400 : i32 to index
            %get3A_420 = arith.constant 96 : index
            %get3A_421 = tpu.vector_load %arg9[%get3A_419, %get3A_420] {strides = array<i32>} : memref<625x128xbf16, #tpu.memory_space<vmem>>, vector<32xbf16>,
            %get3A_422 = arith.index_cast %while3A_399 : i32 to index
            %get3A_423 = arith.constant 0 : index
            %get3A_424 = tpu.vector_load %arg17[%get3A_422, %get3A_423] {strides = array<i32>} : memref<64x128xbf16, #tpu.memory_space<vmem>>, vector<32xbf16>,
            %get3A_425 = arith.index_cast %while3A_399 : i32 to index
            %get3A_426 = arith.constant 32 : index
            %get3A_427 = tpu.vector_load %arg17[%get3A_425, %get3A_426] {strides = array<i32>} : memref<64x128xbf16, #tpu.memory_space<vmem>>, vector<32xbf16>,
            %get3A_428 = arith.index_cast %while3A_399 : i32 to index
            %get3A_429 = arith.constant 64 : index
            %get3A_430 = tpu.vector_load %arg17[%get3A_428, %get3A_429] {strides = array<i32>} : memref<64x128xbf16, #tpu.memory_space<vmem>>, vector<32xbf16>,
            %get3A_431 = arith.index_cast %while3A_399 : i32 to index
            %get3A_432 = arith.constant 96 : index
            %get3A_433 = tpu.vector_load %arg17[%get3A_431, %get3A_432] {strides = array<i32>} : memref<64x128xbf16, #tpu.memory_space<vmem>>, vector<32xbf16>,
            %max3A = arith.maximumf %get3A_412, %get3A_424 : vector<32xbf16>
            %swap3A_434 = arith.index_cast %while3A_400 : i32 to index
            %swap3A_435 = arith.constant 0 : index
            %swap3A_436 = tpu.vector_load %arg9[%swap3A_434, %swap3A_435] {strides = array<i32>} : memref<625x128xbf16, #tpu.memory_space<vmem>>, vector<32xbf16>,
            tpu.vector_store %arg9[%swap3A_434, %swap3A_435], %max3A {strides = array<i32>} : memref<625x128xbf16, #tpu.memory_space<vmem>>, vector<32xbf16>,
            %max3A_437 = arith.maximumf %get3A_415, %get3A_427 : vector<32xbf16>
            %swap3A_438 = arith.index_cast %while3A_400 : i32 to index
            %swap3A_439 = arith.constant 32 : index
            %swap3A_440 = tpu.vector_load %arg9[%swap3A_438, %swap3A_439] {strides = array<i32>} : memref<625x128xbf16, #tpu.memory_space<vmem>>, vector<32xbf16>,
            tpu.vector_store %arg9[%swap3A_438, %swap3A_439], %max3A_437 {strides = array<i32>} : memref<625x128xbf16, #tpu.memory_space<vmem>>, vector<32xbf16>,
            %max3A_441 = arith.maximumf %get3A_418, %get3A_430 : vector<32xbf16>
            %swap3A_442 = arith.index_cast %while3A_400 : i32 to index
            %swap3A_443 = arith.constant 64 : index
            %swap3A_444 = tpu.vector_load %arg9[%swap3A_442, %swap3A_443] {strides = array<i32>} : memref<625x128xbf16, #tpu.memory_space<vmem>>, vector<32xbf16>,
            tpu.vector_store %arg9[%swap3A_442, %swap3A_443], %max3A_441 {strides = array<i32>} : memref<625x128xbf16, #tpu.memory_space<vmem>>, vector<32xbf16>,
            %max3A_445 = arith.maximumf %get3A_421, %get3A_433 : vector<32xbf16>
            %swap3A_446 = arith.index_cast %while3A_400 : i32 to index
            %swap3A_447 = arith.constant 96 : index
            %swap3A_448 = tpu.vector_load %arg9[%swap3A_446, %swap3A_447] {strides = array<i32>} : memref<625x128xbf16, #tpu.memory_space<vmem>>, vector<32xbf16>,
            tpu.vector_store %arg9[%swap3A_446, %swap3A_447], %max3A_445 {strides = array<i32>} : memref<625x128xbf16, #tpu.memory_space<vmem>>, vector<32xbf16>,
            scf.yield %squeeze3A_409 : i32
          }
        } else {
        }
        %while3A_371 = arith.constant 0 : i32
        scf.yield %while3A_371 : i32
      }
      %scan3A_338 = arith.constant 0 : i32
      scf.yield %scan3A_338 : i32
    }
    %scan3A_40 = arith.constant 20 : i32
    %eq3A_41 = arith.constant 0 : i32
    %eq3A_42 = arith.cmpi eq, %arg0, %eq3A_41 : i32
    %convert_element_type3A_43 = arith.extui %eq3A_42 : i1 to i32
    %cond3A_44 = arith.constant 0 : i32
    %cond3A_45 = arith.cmpi ne, %convert_element_type3A_43, %cond3A_44 : i32
    scf.if %cond3A_45 {
      "tpu.region"() ({
        %run_scoped3A = tpu.sem_alloc : memref<!tpu.dma_semaphore, #tpu.memory_space<semaphore_mem>>
        %dma_start3A_51 = arith.constant 0 : i32
        %dma_start3A_52 = tpu.memref_slice %arg6[%mul3A_0, %dma_start3A_51] : memref<10000x128xbf16, #tpu.memory_space<hbm>> -> memref<625x128xbf16, #tpu.memory_space<hbm>>
        %dma_start3A_53 = arith.constant 0 : i32
        %dma_start3A_54 = tpu.memref_slice %arg6[%mul3A_0, %dma_start3A_53] : memref<10000x128xbf16, #tpu.memory_space<hbm>> -> memref<625x128xbf16, #tpu.memory_space<hbm>>
        tpu.enqueue_dma source(%arg9 : memref<625x128xbf16, #tpu.memory_space<vmem>>) target(%dma_start3A_54 : memref<625x128xbf16, #tpu.memory_space<hbm>>) target_semaphore(%run_scoped3A : memref<!tpu.dma_semaphore, #tpu.memory_space<semaphore_mem>>)
        %dma_wait3A_55 = arith.constant 0 : i32
        %dma_wait3A_56 = tpu.memref_slice %arg6[%mul3A_0, %dma_wait3A_55] : memref<10000x128xbf16, #tpu.memory_space<hbm>> -> memref<625x128xbf16, #tpu.memory_space<hbm>>
        %dma_wait3A_57 = arith.constant 0 : i32
        %dma_wait3A_58 = tpu.memref_slice %arg6[%mul3A_0, %dma_wait3A_57] : memref<10000x128xbf16, #tpu.memory_space<hbm>> -> memref<625x128xbf16, #tpu.memory_space<hbm>>
        tpu.wait_dma2 semaphore(%run_scoped3A : memref<!tpu.dma_semaphore, #tpu.memory_space<semaphore_mem>>) src(%arg9 : memref<625x128xbf16, #tpu.memory_space<vmem>>) dst(%dma_wait3A_58 : memref<625x128xbf16, #tpu.memory_space<hbm>>)
        tpu.yield
      }) : () -> ()
    } else {
    }
    %eq3A_46 = arith.constant 1 : i32
    %eq3A_47 = arith.cmpi eq, %arg0, %eq3A_46 : i32
    %convert_element_type3A_48 = arith.extui %eq3A_47 : i1 to i32
    %cond3A_49 = arith.constant 0 : i32
    %cond3A_50 = arith.cmpi ne, %convert_element_type3A_48, %cond3A_49 : i32
    scf.if %cond3A_50 {
      "tpu.region"() ({
        %run_scoped3A = tpu.sem_alloc : memref<!tpu.dma_semaphore, #tpu.memory_space<semaphore_mem>>
        %dma_start3A_51 = arith.constant 0 : i32
        %dma_start3A_52 = tpu.memref_slice %arg7[%mul3A_0, %dma_start3A_51] : memref<10000x128xbf16, #tpu.memory_space<hbm>> -> memref<625x128xbf16, #tpu.memory_space<hbm>>
        %dma_start3A_53 = arith.constant 0 : i32
        %dma_start3A_54 = tpu.memref_slice %arg7[%mul3A_0, %dma_start3A_53] : memref<10000x128xbf16, #tpu.memory_space<hbm>> -> memref<625x128xbf16, #tpu.memory_space<hbm>>
        tpu.enqueue_dma source(%arg9 : memref<625x128xbf16, #tpu.memory_space<vmem>>) target(%dma_start3A_54 : memref<625x128xbf16, #tpu.memory_space<hbm>>) target_semaphore(%run_scoped3A : memref<!tpu.dma_semaphore, #tpu.memory_space<semaphore_mem>>)
        %dma_wait3A_55 = arith.constant 0 : i32
        %dma_wait3A_56 = tpu.memref_slice %arg7[%mul3A_0, %dma_wait3A_55] : memref<10000x128xbf16, #tpu.memory_space<hbm>> -> memref<625x128xbf16, #tpu.memory_space<hbm>>
        %dma_wait3A_57 = arith.constant 0 : i32
        %dma_wait3A_58 = tpu.memref_slice %arg7[%mul3A_0, %dma_wait3A_57] : memref<10000x128xbf16, #tpu.memory_space<hbm>> -> memref<625x128xbf16, #tpu.memory_space<hbm>>
        tpu.wait_dma2 semaphore(%run_scoped3A : memref<!tpu.dma_semaphore, #tpu.memory_space<semaphore_mem>>) src(%arg9 : memref<625x128xbf16, #tpu.memory_space<vmem>>) dst(%dma_wait3A_58 : memref<625x128xbf16, #tpu.memory_space<hbm>>)
        tpu.yield
      }) : () -> ()
    } else {
    }
    return
  }
}

module attributes {stable_mosaic.version = 14 : i64} {
  func.func @_mm1_body(%arg0: i32, %arg1: memref<1000x256xf32, #tpu.memory_space<vmem>>, %arg2: memref<256x256xf32, #tpu.memory_space<vmem>>, %arg3: memref<1x256xf32, #tpu.memory_space<vmem>>, %arg4: memref<1000x128xbf16, #tpu.memory_space<vmem>>, %arg5: memref<1000x128xbf16, #tpu.memory_space<vmem>>) attributes {dimension_semantics = [#tpu.dimension_semantics<arbitrary>], iteration_bounds = array<i64: 10>, scalar_prefetch = 0 : i64, scratch_operands = 0 : i64, tpu.core_type = #tpu.core_type<tc>, window_params = [{transform_indices = @transform_0, window_bounds = array<i64: 1000, 256>}, {pipeline_mode = #tpu.pipeline_mode<synchronous>, transform_indices = @transform_1, window_bounds = array<i64: 256, 256>}, {pipeline_mode = #tpu.pipeline_mode<synchronous>, transform_indices = @transform_2, window_bounds = array<i64: 1, 256>}, {transform_indices = @transform_3, window_bounds = array<i64: 1000, 128>}, {transform_indices = @transform_4, window_bounds = array<i64: 1000, 128>}]} {
    %get3A = arith.constant 0 : index
    %get3A_0 = arith.constant 0 : index
    %get3A_1 = vector.load %arg1[%get3A, %get3A_0] : memref<1000x256xf32, #tpu.memory_space<vmem>>, vector<1000x256xf32>
    %get3A_2 = arith.constant 0 : index
    %get3A_3 = arith.constant 0 : index
    %get3A_4 = vector.load %arg2[%get3A_2, %get3A_3] : memref<256x256xf32, #tpu.memory_space<vmem>>, vector<256x256xf32>
    %dot_general3A = arith.constant dense<0.000000e+00> : vector<1000x256xf32>
    %dot_general3A_5 = tpu.matmul %get3A_1, %get3A_4, %dot_general3A {dimension_numbers = #tpu.dot_dimension_numbers<[1], [1], [0], [0], [0, 0, 1, 0], [], []>, transpose_lhs_hint = false} : vector<1000x256xf32>, vector<256x256xf32>, vector<1000x256xf32> -> vector<1000x256xf32>
    %get3A_6 = arith.constant 0 : index
    %get3A_7 = arith.constant 0 : index
    %get3A_8 = vector.load %arg3[%get3A_6, %get3A_7] : memref<1x256xf32, #tpu.memory_space<vmem>>, vector<1x256xf32>
    %add3A = vector.broadcast %get3A_8 : vector<1x256xf32> to vector<1000x256xf32>
    %add3A_9 = arith.addf %dot_general3A_5, %add3A : vector<1000x256xf32>
    %max3A = arith.constant 0.000000e+00 : f32
    %max3A_10 = vector.broadcast %max3A : f32 to vector<1000x256xf32>
    %max3A_11 = arith.maximumf %add3A_9, %max3A_10 : vector<1000x256xf32>
    %convert_element_type3A = arith.truncf %max3A_11 : vector<1000x256xf32> to vector<1000x256xbf16>
    %slice3A = vector.extract_strided_slice %convert_element_type3A {offsets = [0, 0], sizes = [1000, 128], strides = [1, 1]} : vector<1000x256xbf16> to vector<1000x128xbf16>
    %swap3A = arith.constant 0 : index
    %swap3A_12 = arith.constant 0 : index
    %swap3A_13 = vector.load %arg4[%swap3A, %swap3A_12] : memref<1000x128xbf16, #tpu.memory_space<vmem>>, vector<1000x128xbf16>
    tpu.vector_store %arg4[%swap3A, %swap3A_12], %slice3A {strides = array<i32>} : memref<1000x128xbf16, #tpu.memory_space<vmem>>, vector<1000x128xbf16>,
    %slice3A_14 = vector.extract_strided_slice %convert_element_type3A {offsets = [0, 128], sizes = [1000, 128], strides = [1, 1]} : vector<1000x256xbf16> to vector<1000x128xbf16>
    %swap3A_15 = arith.constant 0 : index
    %swap3A_16 = arith.constant 0 : index
    %swap3A_17 = vector.load %arg5[%swap3A_15, %swap3A_16] : memref<1000x128xbf16, #tpu.memory_space<vmem>>, vector<1000x128xbf16>
    tpu.vector_store %arg5[%swap3A_15, %swap3A_16], %slice3A_14 {strides = array<i32>} : memref<1000x128xbf16, #tpu.memory_space<vmem>>, vector<1000x128xbf16>,
    return
  }
  func.func @transform_0(%arg0: i32) -> (i32, i32) {
    %c0_i32 = arith.constant 0 : i32
    %c0_i32_0 = arith.constant 0 : i32
    return %arg0, %c0_i32 : i32, i32
  }
  func.func @transform_1(%arg0: i32) -> (i32, i32) {
    %c0_i32 = arith.constant 0 : i32
    %c0_i32_0 = arith.constant 0 : i32
    %c0_i32_1 = arith.constant 0 : i32
    return %c0_i32, %c0_i32_0 : i32, i32
  }
  func.func @transform_2(%arg0: i32) -> (i32, i32) {
    %c0_i32 = arith.constant 0 : i32
    %c0_i32_0 = arith.constant 0 : i32
    %c0_i32_1 = arith.constant 0 : i32
    return %c0_i32, %c0_i32_0 : i32, i32
  }
  func.func @transform_3(%arg0: i32) -> (i32, i32) {
    %c0_i32 = arith.constant 0 : i32
    %c0_i32_0 = arith.constant 0 : i32
    return %arg0, %c0_i32 : i32, i32
  }
  func.func @transform_4(%arg0: i32) -> (i32, i32) {
    %c0_i32 = arith.constant 0 : i32
    %c0_i32_0 = arith.constant 0 : i32
    return %arg0, %c0_i32 : i32, i32
  }
}

module attributes {stable_mosaic.version = 14 : i64} {
  func.func @_mm2_body(%arg0: i32, %arg1: memref<1000x128xbf16, #tpu.memory_space<vmem>>, %arg2: memref<1000x128xbf16, #tpu.memory_space<vmem>>, %arg3: memref<256x256xf32, #tpu.memory_space<vmem>>, %arg4: memref<1x256xf32, #tpu.memory_space<vmem>>, %arg5: memref<1000x256xf32, #tpu.memory_space<vmem>>) attributes {dimension_semantics = [#tpu.dimension_semantics<arbitrary>], iteration_bounds = array<i64: 10>, scalar_prefetch = 0 : i64, scratch_operands = 0 : i64, tpu.core_type = #tpu.core_type<tc>, window_params = [{transform_indices = @transform_0, window_bounds = array<i64: 1000, 128>}, {transform_indices = @transform_1, window_bounds = array<i64: 1000, 128>}, {pipeline_mode = #tpu.pipeline_mode<synchronous>, transform_indices = @transform_2, window_bounds = array<i64: 256, 256>}, {pipeline_mode = #tpu.pipeline_mode<synchronous>, transform_indices = @transform_3, window_bounds = array<i64: 1, 256>}, {transform_indices = @transform_4, window_bounds = array<i64: 1000, 256>}]} {
    %get3A = arith.constant 0 : index
    %get3A_0 = arith.constant 0 : index
    %get3A_1 = vector.load %arg3[%get3A, %get3A_0] : memref<256x256xf32, #tpu.memory_space<vmem>>, vector<256x256xf32>
    %get3A_2 = arith.constant 0 : index
    %get3A_3 = arith.constant 0 : index
    %get3A_4 = vector.load %arg1[%get3A_2, %get3A_3] : memref<1000x128xbf16, #tpu.memory_space<vmem>>, vector<1000x128xbf16>
    %slice3A = vector.extract_strided_slice %get3A_1 {offsets = [0, 0], sizes = [256, 128], strides = [1, 1]} : vector<256x256xf32> to vector<256x128xf32>
    %dot_general3A = arith.constant dense<0.000000e+00> : vector<1000x256xf32>
    %dot_general3A_5 = tpu.matmul %get3A_4, %slice3A, %dot_general3A {dimension_numbers = #tpu.dot_dimension_numbers<[1], [1], [0], [0], [0, 0, 1, 0], [], []>, transpose_lhs_hint = false} : vector<1000x128xbf16>, vector<256x128xf32>, vector<1000x256xf32> -> vector<1000x256xf32>
    %get3A_6 = arith.constant 0 : index
    %get3A_7 = arith.constant 0 : index
    %get3A_8 = vector.load %arg2[%get3A_6, %get3A_7] : memref<1000x128xbf16, #tpu.memory_space<vmem>>, vector<1000x128xbf16>
    %slice3A_9 = vector.extract_strided_slice %get3A_1 {offsets = [0, 128], sizes = [256, 128], strides = [1, 1]} : vector<256x256xf32> to vector<256x128xf32>
    %dot_general3A_10 = arith.constant dense<0.000000e+00> : vector<1000x256xf32>
    %dot_general3A_11 = tpu.matmul %get3A_8, %slice3A_9, %dot_general3A_10 {dimension_numbers = #tpu.dot_dimension_numbers<[1], [1], [0], [0], [0, 0, 1, 0], [], []>, transpose_lhs_hint = false} : vector<1000x128xbf16>, vector<256x128xf32>, vector<1000x256xf32> -> vector<1000x256xf32>
    %add3A = arith.addf %dot_general3A_5, %dot_general3A_11 : vector<1000x256xf32>
    %get3A_12 = arith.constant 0 : index
    %get3A_13 = arith.constant 0 : index
    %get3A_14 = vector.load %arg4[%get3A_12, %get3A_13] : memref<1x256xf32, #tpu.memory_space<vmem>>, vector<1x256xf32>
    %add3A_15 = vector.broadcast %get3A_14 : vector<1x256xf32> to vector<1000x256xf32>
    %add3A_16 = arith.addf %add3A, %add3A_15 : vector<1000x256xf32>
    %swap3A = arith.constant 0 : index
    %swap3A_17 = arith.constant 0 : index
    %swap3A_18 = vector.load %arg5[%swap3A, %swap3A_17] : memref<1000x256xf32, #tpu.memory_space<vmem>>, vector<1000x256xf32>
    tpu.vector_store %arg5[%swap3A, %swap3A_17], %add3A_16 {strides = array<i32>} : memref<1000x256xf32, #tpu.memory_space<vmem>>, vector<1000x256xf32>,
    return
  }
  func.func @transform_0(%arg0: i32) -> (i32, i32) {
    %c0_i32 = arith.constant 0 : i32
    %c0_i32_0 = arith.constant 0 : i32
    return %arg0, %c0_i32 : i32, i32
  }
  func.func @transform_1(%arg0: i32) -> (i32, i32) {
    %c0_i32 = arith.constant 0 : i32
    %c0_i32_0 = arith.constant 0 : i32
    return %arg0, %c0_i32 : i32, i32
  }
  func.func @transform_2(%arg0: i32) -> (i32, i32) {
    %c0_i32 = arith.constant 0 : i32
    %c0_i32_0 = arith.constant 0 : i32
    %c0_i32_1 = arith.constant 0 : i32
    return %c0_i32, %c0_i32_0 : i32, i32
  }
  func.func @transform_3(%arg0: i32) -> (i32, i32) {
    %c0_i32 = arith.constant 0 : i32
    %c0_i32_0 = arith.constant 0 : i32
    %c0_i32_1 = arith.constant 0 : i32
    return %c0_i32, %c0_i32_0 : i32, i32
  }
  func.func @transform_4(%arg0: i32) -> (i32, i32) {
    %c0_i32 = arith.constant 0 : i32
    %c0_i32_0 = arith.constant 0 : i32
    return %arg0, %c0_i32 : i32, i32
  }
}

</mosaic_0001>

<sc_bundles>
// kernel: kernel.5.cloned.1.call-start
scs
__scs_entry_jumppad:
0x0: {  	(pc) =	sbr.rel $0x88, $3  }
0x1: {  	(tag) =	ssettag $0x0;
	lr =	simm.s32 $0x1  }
0x2: {  	[smem:$0x3F9A] =	sst lr;
	_ =	strace $0xD0000000  }
0x3: {  	_ = 	snop  }
0x4: {  	_ = 	snop  }
0x5: {  	_ = 	snop  }
0x6: {  	_ = 	snop  }
0x7: {  	_ = 	snop  }
__scs_overlays_trampoline_lowered:
0x8: {  	[smem:$0x3FA9] =	sst s0  }
0x9: {  	[smem:$0x3FAA] =	sst s1  }
0xa: {  	[smem:$0x3FAB] =	sst s2  }
0xb: {  	[smem:$0x3FAC] =	sst s3  }
0xc: {  	[smem:$0x3FAD] =	sst s4  }
0xd: {  	[smem:$0x3FAE] =	sst s5  }
0xe: {  	[smem:$0x3FAF] =	sst s6  }
0xf: {  	[smem:$0x3FB0] =	sst s7  }
0x10: {  	[smem:$0x3FB1] =	sst s8  }
0x11: {  	[smem:$0x3FB2] =	sst s9;
	s0 =	simm.s32 @!p0 $0x0  }
0x12: {  	s1 =	sld [smem:$0x3F98];
	s0 =	simm.s32 @p0 $0x1  }
0x13: {  	[smem:$0x3FB3] =	sst s0;
	s0 =	simm.s32 @!p1 $0x0  }
0x14: {  	s2 =	sld [smem:$0x3F97];
	s0 =	simm.s32 @p1 $0x1  }
0x15: {  	[smem:$0x3FB4] =	sst s0;
	s0 =	simm.s32 @!p2 $0x0  }
0x16: {  	s3 =	sld [smem:$0x3FDB];
	s0 =	simm.s32 @p2 $0x1  }
0x17: {  	s4 =	simm.s32 $0x1BF5;
	[smem:$0x3FB6] =	sst s0  }
0x18: {  	s0 =	sld [smem:$0x3F99];
	_ =	swait.ge [sflag:s4], $0x0  }
0x19: {  	s7 =	sld [smem:$0x3F9A]  }
0x1a: {  	s8 =	sadd.s32 $0xFFFFE003, lr  }
0x1b: {  	s9 =	sadd.s32 $0xFFFFFEF7, lr;
	s5 =	simm.s32 $0xFFFFFFFF;
	p2 =	slt.u32 s8, $0xFFFFF086  }
0x1c: {  	p1 =	slt.u32 s9, $0xF7A;
	s5 =	simm.s32 @!p2 $0x0  }
0x1d: {  	s5 =	simm.s32 @p1 $0x1;
	p0 =	seq.s32 s7, s2  }
0x1e: {  	s7 =	smul.u32 @!p0 $0xF7A, s2;
	p2 =	seq.s32 @!p0 s5, $0x0  }
0x1f: {  	s9 =	smul.u32 $0xF7A, s1;
	s8 =	simm.s32 @!p0 $0x1BF5;
	p2 =	por !p2, p0  }
0x20: {  	[sflag:s8] =	ssyncset.s32 @!p0 $0xFFFFF086;
	s6 =	sadd.s32 @!p0 s3, s7;
	s7 =	simm.s32 @!p0 $0x108  }
0x21: {  	s3 =	sadd.s32 s3, s9;
	s6 =	sadd.s32 @!p0 $0x88, s6;
	s7 =	simm.s32 @p2 $0x1082  }
0x22: {  	[simem:s7], [sflag:s8] =	dma.local @!p0 [hbm:s6], $0xF7A  }
0x23: {  	s9 =	sor.u32 $0xD0000000, s2;
	s6 =	simm.s32 $0x108;
	_ =	swait.ge @!p0 [sflag:s8], $0x0  }
0x24: {  	s3 =	sadd.s32 $0x88, s3;
	s6 =	simm.s32 @!p1 $0x1082;
	[sflag:s4] =	ssyncset.s32 $0xFFFFF086  }
0x25: {  	[simem:s6], [sflag:s4] =	dma.local [hbm:s3], $0xF7A  }
0x26: {  	[smem:$0x3F9A] =	sst s1;
	(tag) =	ssettag s2;
	_ =	strace s9  }
0x27: {  	s1 =	sld [smem:$0x3FAA]  }
0x28: {  	s2 =	sld [smem:$0x3FAB]  }
0x29: {  	s4 =	sld [smem:$0x3FAD]  }
0x2a: {  	p0 =	seq.s32 s5, $0x0;
	s5 =	sld [smem:$0x3FAE]  }
0x2b: {  	s6 =	sld [smem:$0x3FAF]  }
0x2c: {  	s7 =	sld [smem:$0x3FB0]  }
0x2d: {  	s3 =	simm.s32 $0x108;
	s8 =	sld [smem:$0x3FB1]  }
0x2e: {  	s3 =	simm.s32 @!p0 $0x1082;
	s9 =	sld [smem:$0x3FB2]  }
0x2f: {  	lr =	sadd.s32 s0, s3;
	s0 =	sld [smem:$0x3FA9]  }
0x30: {  	s3 =	sld [smem:$0x3FAC]  }
0x31: {  	[smem:$0x3FB5] =	sst s10  }
0x32: {  	s10 =	sld [smem:$0x3FB3];
	_ =	sdelay $0x3  }
0x33: {  	p0 =	seq.s32 s10, $0x1;
	s10 =	sld [smem:$0x3FB5];
	_ =	sdelay $0x3  }
0x34: {  	[smem:$0x3FB5] =	sst s10  }
0x35: {  	s10 =	sld [smem:$0x3FB4];
	_ =	sdelay $0x3  }
0x36: {  	p1 =	seq.s32 s10, $0x1;
	s10 =	sld [smem:$0x3FB5];
	_ =	sdelay $0x3  }
0x37: {  	[smem:$0x3FB5] =	sst s10  }
0x38: {  	s10 =	sld [smem:$0x3FB6]  }
0x39: {  	_ = 	snop;
	(pc) =	sbr.ind lr, $3  }
0x3a: {  	_ = 	snop  }
0x3b: {  	_ = 	snop  }
0x3c: {  	p2 =	seq.s32 s10, $0x1;
	s10 =	sld [smem:$0x3FB5]  }
0x3d: {  	_ =	shalt  }
0x3e: {  	_ =	shalt  }
0x3f: {  	_ =	shalt  }
0x40: {  	_ =	shalt  }
0x41: {  	_ =	shalt  }
0x42: {  	_ =	shalt  }
0x43: {  	_ =	shalt  }
0x44: {  	_ =	shalt  }
0x45: {  	_ =	shalt  }
0x46: {  	_ =	shalt  }
0x47: {  	_ =	shalt  }
0x48: {  	_ =	shalt  }
0x49: {  	_ =	shalt  }
0x4a: {  	_ =	shalt  }
0x4b: {  	_ =	shalt  }
0x4c: {  	_ =	shalt  }
0x4d: {  	_ =	shalt  }
0x4e: {  	_ =	shalt  }
0x4f: {  	_ =	shalt  }
0x50: {  	_ =	shalt  }
0x51: {  	_ =	shalt  }
0x52: {  	_ =	shalt  }
0x53: {  	_ =	shalt  }
0x54: {  	_ =	shalt  }
0x55: {  	_ =	shalt  }
0x56: {  	_ =	shalt  }
0x57: {  	_ =	shalt  }
0x58: {  	_ =	shalt  }
0x59: {  	_ =	shalt  }
0x5a: {  	_ =	shalt  }
0x5b: {  	_ =	shalt  }
0x5c: {  	_ =	shalt  }
0x5d: {  	_ =	shalt  }
0x5e: {  	_ =	shalt  }
0x5f: {  	_ =	shalt  }
0x60: {  	_ =	shalt  }
0x61: {  	_ =	shalt  }
0x62: {  	_ =	shalt  }
0x63: {  	_ =	shalt  }
0x64: {  	_ =	shalt  }
0x65: {  	_ =	shalt  }
0x66: {  	_ =	shalt  }
0x67: {  	_ =	shalt  }
0x68: {  	_ =	shalt  }
0x69: {  	_ =	shalt  }
0x6a: {  	_ =	shalt  }
0x6b: {  	_ =	shalt  }
0x6c: {  	_ =	shalt  }
0x6d: {  	_ =	shalt  }
0x6e: {  	_ =	shalt  }
0x6f: {  	_ =	shalt  }
0x70: {  	_ =	shalt  }
0x71: {  	_ =	shalt  }
0x72: {  	_ =	shalt  }
0x73: {  	_ =	shalt  }
0x74: {  	_ =	shalt  }
0x75: {  	_ =	shalt  }
0x76: {  	_ =	shalt  }
0x77: {  	_ =	shalt  }
0x78: {  	_ =	shalt  }
0x79: {  	_ =	shalt  }
0x7a: {  	_ =	shalt  }
0x7b: {  	_ =	shalt  }
0x7c: {  	_ =	shalt  }
0x7d: {  	_ =	shalt  }
0x7e: {  	_ =	shalt  }
0x7f: {  	_ =	shalt  }
0x80: {  	_ =	shalt  }
0x81: {  	_ =	shalt  }
0x82: {  	_ =	shalt  }
0x83: {  	_ =	shalt  }
0x84: {  	_ =	shalt  }
0x85: {  	_ =	shalt  }
0x86: {  	_ =	shalt  }
0x87: {  	_ =	shalt  }
.Lfunc_end0:
.L_simem_size_0:
called_computation_lowered:
.L_overlay_start_0:
0x88: {  	s2 =	sld [smem:$0x3FD9]  }
0x89: {  	s3 =	sld [smem:$0x3FFE];
	_ =	sdelay $0x1  }
0x8a: {  	s1 =	srdreg.scid  }
0x8b: {  	s0 =	sand.u32 $0x1, s1  }
0x8c: {  	s17 =	sshll.u32 s0, $0xA;
	s2 =	sadd.s32 s3, s2  }
0x8d: {  	s2 =	sadd.s32 s2, s17  }
0x8e: {  	[smem:$0x3FC1] =	sst s2  }
0x8f: {  	_ = 	snop  }
0x90: {  	s2 =	sld [smem:$0x3FD0];
	(tm) =	ssettm $0x1  }
0x91: {  	s18 =	sld [smem:$0x3FFB];
	_ =	sdelay $0x3  }
0x92: {  	_ =	strace s18  }
0x93: {  	s3 =	sld [smem:$0x3FFC];
	_ =	sdelay $0x3  }
0x94: {  	_ =	strace s3  }
0x95: {  	s3 =	sld [smem:$0x3FFD];
	_ =	sdelay $0x3  }
0x96: {  	_ =	strace s3  }
0x97: {  	_ =	strace $0x8FFFFFFF  }
0x98: {  	s19 =	sld [smem:$0x3FDB];
	_ =	sdelay $0x1  }
0x99: {  	s4 =	simm.s32 $_scs_section_size  }
0x9a: {  	s5 =	simm.s32 $_size__tile_overlayer_lowered;
	s6 =	simm.s32 $_tile_overlayer_lowered  }
0x9b: {  	s22 =	simm.s32 $0x1BFF;
	s21 =	sshll.u32 s6, $0x1;
	s3 =	sadd.s32 s4, s19  }
0x9c: {  	s7 =	simm.s32 $0x0;
	s20 =	sshll.u32 s5, $0x1;
	s5 =	sadd.s32 s21, s3  }
0x9d: {  	[timem:s7], [sflag:s22] =	dma.local [hbm:s5], s20  }
0x9e: {  	_ =	swait.ge [sflag:s22], s20  }
0x9f: {  	s4 =	ssub.s32 $0x0, s20;
	[sflag:s22] =	ssyncset.done $0x0  }
0xa0: {  	[sflag:s22] =	ssyncadd.s32 s4;
	_ =	sdelay $0x1  }
0xa1: {  	s23 =	simm.s32 $0x1B8B  }
0xa2: {  	_ =	swait.ge [sflag:s23], $0x1  }
0xa3: {  	[sflag:s23] =	ssyncset.done $0x0  }
0xa4: {  	s25 =	simm.s32 $0x1B8E;
	s24 =	sld [smem:$0x3FFE];
	[sflag:s23] =	ssyncadd.s32 $0xFFFFFFFF  }
0xa5: {  	s26 =	simm.s32 $execute0_lowered;
	[smem:$0x3FD2] =	sst s25  }
0xa6: {  	s5 =	sshll.u32 s26, $0x1;
	_ =	strace $0x80000046;
	[dreg:$0x1] =	wrdreg $0xFFFFFFFF  }
0xa7: {  	s28 =	simm.s32 $_size_execute0_lowered;
	s3 =	sadd.s32 s3, s5;
	[dreg:$0x0] =	wrdreg $0x0  }
0xa8: {  	s5 =	sshll.u32 s28, $0x1;
	[dreg:$0x2] =	wrdreg s3  }
0xa9: {  	[dreg:$0x3] =	wrdreg s5  }
0xaa: {  	[dreg:$0x4] =	wrdreg $0xC0  }
0xab: {  	_ =	task [dreg:s7], $0x5FFFF  }
0xac: {  	[dreg:$0x1] =	wrdreg $0xFFFFFFFF  }
0xad: {  	[dreg:$0x0] =	wrdreg $0x60  }
0xae: {  	[dreg:$0x2] =	wrdreg s2  }
0xaf: {  	[dreg:$0x3] =	wrdreg s24  }
0xb0: {  	[dreg:$0x4] =	wrdreg $0x0  }
0xb1: {  	[dreg:$0x5] =	wrdreg $0x9  }
0xb2: {  	_ =	task.clear_ibuf [dreg:s7], $0x6FFFF;
	_ =	strace $0x90000046  }
0xb3: {  	s29 =	simm.s32 $0x9;
	_ =	strace $0x80000048  }
0xb4: {  	_ =	swait.ge [sflag:s29], $0x1  }
0xb5: {  	[sflag:s29] =	ssyncadd.s32 $0xFFFFFFFF  }
0xb6: {  	_ =	strace $0x90000048  }
0xb7: {  	_ =	sfence  }
0xb8: {  	s30 =	sld [smem:$0x0];
	_ =	sdelay $0x2  }
0xb9: {  	s31 =	sshll.u32 s1, $0xD;
	s1 =	sshrl.u32 s1, $0x2  }
0xba: {  	s3 =	sand.u32 $0x4000, s31;
	s1 =	sadd.s32 s1, s30  }
0xbb: {  	s0 =	sor.u32 s3, s0;
	s1 =	sshll.u32 s1, $0x11  }
0xbc: {  	s0 =	sor.u32 s1, s0  }
0xbd: {  	s0 =	sadd.s32 $0x8F2B, s0  }
0xbe: {  	[sflag:s0] =	ssyncadd.remote.s32 $0x1  }
0xbf: {  	_ =	sfence.sel $0xFFFF  }
0xc0: {  	[dreg:$0x0] =	wrdreg $0xFFFFFFFF;
	(pc) =	sbr.abs _section_cstart, $3  }
0xc1: {  	[dreg:$0x1] =	wrdreg $0xFFFFFFFF  }
0xc2: {  	_ =	task.clear_ibuf [dreg:s7], $0x2FFFF;
	_ =	strace $0x9FFFFFFF  }
0xc3: {  	(tm) =	ssettm $0x7FFFFFFF  }
tec
execute0_lowered:
.L_overlay_start_1:
0x0: {  	(tag) =	ssettag $0x1  }
0x1: {  	s0 =	rddreg [dreg:$0x0]  }
0x2: {  	s2 =	rddreg [dreg:$0x1]  }
0x3: {  	s1 =	rddreg [dreg:$0x2];
	s3 =	simm.s32 $0x0;
	s6 =	srdreg.scid  }
0x4: {  	s11 =	stileid.u32;
	s14 =	simm.s32 $0x157C0;
	s15 =	simm.s32 $0x16760  }
0x5: {  	s16 =	simm.s32 $0x1;
	s17 =	simm.s32 $0x2;
	s18 =	simm.s32 $0x3  }
0x6: {  	s19 =	simm.s32 $0x4;
	s21 =	simm.s32 $0x7;
	s22 =	simm.s32 $0x0  }
0x7: {  	s23 =	simm.s32 $0x0;
	[smem:$0x7FF] =	sst s3;
	s3 =	sadd.s32 $0xB000, s2  }
0x8: {  	s4 =	sadd.s32 $0x6000, s2;
	s5 =	sadd.s32 $0x1000, s2;
	s9 =	smul.u32 $0x13880, s11  }
0x9: {  	s6 =	sand.u32 $0x1, s6;
	s7 =	sadd.s32 $0x1EA00, s2;
	s12 =	smul.u32 $0x271, s11  }
0xa: {  	s2 =	sadd.s32 $0x32400, s2;
	s30 =	smul.u32 $0x1388, s11;
	s31 =	sshll.u32 s11, $0x6  }
0xb: {  	s11 =	simm.s32 $0x5;
	_ =	strace $0x80000047;
	s8 =	ssub.s32 $0x2, s6  }
0xc: {  	p0 =	seq.s32 s6, $0x0;
	s10 =	sshrl.u32 s8, $0x1;
	s29 =	sshrl.u32 s9, $0x1  }
.Ltmp0:
0xd: {  	s9 =	sshrl.u32 s9, $0x4;
	s3 =	smov.u32 @p0 s0;
	(pc) =	sbr.rel .LBB2_1-.Ltmp0, $4  }
0xe: {  	s13 =	sadd.s32 $0x271, s12;
	s8 =	ssub.s32 s8, s10;
	s0 =	sadd.s32 s3, s9  }
0xf: {  	s2 =	smov.u32 @p0 s7;
	s8 =	smax.u32 s8, $0x1;
	[dreg:$0x5] =	wrdreg s0  }
0x10: {  	v2 =	vimm.bf16 $0.0e+00;
	s6 =	sadd.s32 s29, s1;
	s0 =	sor.u32 $0x1C05, s31;
	[dreg:$0x4] =	wrdreg s8  }
0x11: {  	v3 =	vimm.s32 $0x0;
	v0 =	vmov s12;
	s9 =	sadd.s32 s2, s30;
	v1 =	vmov s13;
	s10 =	sshrl.u32 s6, $0x3;
	[dreg:$0x6] =	wrdreg s0  }
.LBB2_33:
0x12: {  	s0 =	simm.s32 $0x0;
	s2 =	simm.s32 $0x9C40  }
0x13: {  	[hbm4b:s9+s0] =	stream.linear.scatter [tilespmem:s2], [sflag:$0x7], $0x9C40, $0x38;
	[tilespmem:$0x1B720] =	vst v63  }
0x14: {  	_ =	swait.ge [sflag:s21], $0x9C40  }
0x15: {  	s22 =	sadd.s32 $0x1, s22;
	s31 =	rddreg [dreg:$0x4]  }
0x16: {  	p0 =	sne.s32 s22, s31  }
.Ltmp1:
0x17: {  	_ = 	snop;
	(pc) =	sbr.rel @!p0 .LBB2_34-.Ltmp1, $3  }
0x18: {  	_ =	sdelay $0x1  }
0x19: {  	[sflag:s21] =	ssyncset.done $0x0  }
0x1a: {  	[sflag:s21] =	ssyncadd.s32 $0xFFFF63C0  }
.LBB2_1:
0x1b: {  	s0 =	rddreg [dreg:$0x5]  }
0x1c: {  	s2 =	rddreg [dreg:$0x6]  }
0x1d: {  	[spmem:s10], [sflag:s2] =	dma.local [hbm:s0], $0x1388  }
0x1e: {  	s0 =	simm.s32 $0x0  }
.LBB2_2:
0x1f: {  	p0 =	sne.s32 s0, $0x27000  }
.Ltmp2:
0x20: {  	s2 =	sshra.s32 s0, $0x2;
	(pc) =	sbr.rel @p0 .LBB2_2-.Ltmp2, $4  }
0x21: {  	[tilespmem:s2+$0x9C40] =	vst v2  }
0x22: {  	[tilespmem:s2+$0x9C50] =	vst v2  }
0x23: {  	[tilespmem:s2+$0x9C60] =	vst v2  }
0x24: {  	s0 =	sadd.s32 $0x100, s0;
	[tilespmem:s2+$0x9C70] =	vst v2  }
0x25: {  	s0 =	simm.s32 $0x40;
	s2 =	simm.s32 $0x0  }
.LBB2_4:
0x26: {  	p0 =	sne.s32 s0, $0x4000;
	[tilespmem:s2+$0x17700] =	vst v3;
	s2 =	smov.u32 s0;
	s0 =	sadd.s32 $0x40, s0  }
.Ltmp3:
0x27: {  	(pc) =	sbr.rel @p0 .LBB2_4-.Ltmp3, $2  }
0x28: {  	_ =	sdelay $0x2  }
0x29: {  	s2 =	sshra.s32 s2, $0x2  }
0x2a: {  	[tilespmem:s2+$0x17700] =	vst v3  }
0x2b: {  	_ =	swait.ge [sflag:s11], $0x1388  }
0x2c: {  	[sflag:s11] =	ssyncset.done $0x0  }
.Ltmp4:
0x2d: {  	[sflag:s11] =	ssyncadd.s32 $0xFFFFEC78;
	(pc) =	sbr.rel .LBB2_6-.Ltmp4, $4  }
0x2e: {  	s0 =	simm.s32 $0x13880;
	[bflag:$0x0] =	sbarrier.arrive $0xFFFF  }
0x2f: {  	[tilespmem:s0], [sflag:$0x1] =	stream.linear.gather [hbm4b:s5+s23], $0xFA0, $0x38;
	[tilespmem:$0x1B720] =	vst v63  }
0x30: {  	s31 =	simm.s32 $0x14820;
	s24 =	simm.s32 $0x0  }
0x31: {  	[tilespmem:s31], [sflag:$0x2] =	stream.linear.gather [hbm4b:s4+s23], $0xFA0, $0x38;
	[tilespmem:$0x1B720] =	vst v63  }
.LBB2_32:
0x32: {  	s24 =	sadd.s32 $0x1, s24  }
0x33: {  	p0 =	sne.s32 s24, $0x14  }
.Ltmp5:
0x34: {  	_ = 	snop;
	(pc) =	sbr.rel @!p0 .LBB2_33-.Ltmp5, $1  }
0x35: {  	_ =	sdelay $0x3  }
.LBB2_6:
0x36: {  	s25 =	smul.u32 $0x1F40, s24;
	_ =	sdelay $0x1  }
0x37: {  	s0 =	sshrl.u32 s25, $0x3  }
0x38: {  	s0 =	sadd.s32 $0x1F4, s0  }
0x39: {  	s2 =	sadd.s32 s5, s0  }
0x3a: {  	[tilespmem:s14], [sflag:$0x3] =	stream.linear.gather [hbm4b:s2+s23], $0xFA0, $0x38;
	[tilespmem:$0x1B720] =	vst v63  }
0x3b: {  	s0 =	sadd.s32 s4, s0  }
0x3c: {  	[tilespmem:s15], [sflag:$0x4] =	stream.linear.gather [hbm4b:s0+s23], $0xFA0, $0x38;
	[tilespmem:$0x1B720] =	vst v63  }
0x3d: {  	_ =	swait.ge [sflag:s16], $0xFA0  }
0x3e: {  	[sflag:s16] =	ssyncset.done $0x0  }
0x3f: {  	[sflag:s16] =	ssyncadd.s32 $0xFFFFF060  }
0x40: {  	_ =	swait.ge [sflag:s17], $0xFA0  }
0x41: {  	[sflag:s17] =	ssyncset.done $0x0  }
0x42: {  	s29 =	simm.s32 $0x138A0;
	[sflag:s17] =	ssyncadd.s32 $0xFFFFF060  }
0x43: {  	v4 =	vld [tilespmem:s29+$0xFFFFFFE0]  }
0x44: {  	s30 =	simm.s32 $0x14840  }
0x45: {  	v5 =	vld [tilespmem:s30+$0xFFFFFFE0];
	_ =	sdelay $0x2  }
0x46: {  	vm0 =	vge.s32 v4, v0;
	vm1 =	vlt.s32 v4, v1  }
0x47: {  	vm0 =	vmand vm0, vm1  }
0x48: {  	v4 =	vsub.s32 v4, v0;
	v6 =	vmpcnt.ones.xlane vm0;
	[tilespmem:s23+$0x17700] =	vst.msk vm0, v5  }
0x49: {  	[tilespmem:s23+$0x18710] =	vst.msk vm0, v4  }
0x4a: {  	v4 =	vld [tilespmem:s29+$0xFFFFFFF0];
	(v2sf) =	vpush v6, $0x0;
	_ =	sdelay $0x4  }
0x4b: {  	vm0 =	vge.s32 v4, v0;
	vm1 =	vlt.s32 v4, v1  }
0x4c: {  	vm0 =	vmand vm0, vm1  }
0x4d: {  	v5 =	vmpcnt.ones.xlane vm0;
	_ =	sdelay $0x1  }
0x4e: {  	(v2sf) =	vpush v5, $0x0;
	_ =	sdelay $0x2  }
0x4f: {  	v5 =	vld [tilespmem:s30+$0xFFFFFFF0];
	_ =	sdelay $0x2  }
0x50: {  	s3 =	spop (v2sf)  }
0x51: {  	s3 =	sadd.s32 $0x0, s3  }
0x52: {  	v4 =	vsub.s32 v4, v0;
	[tilespmem:s3+$0x17700] =	vst.msk vm0, v5  }
0x53: {  	[tilespmem:s3+$0x18710] =	vst.msk vm0, v4  }
0x54: {  	v4 =	vld [tilespmem:s29+$0x0];
	_ =	sdelay $0x1  }
0x55: {  	v5 =	vld [tilespmem:s30+$0x0];
	_ =	sdelay $0x2  }
0x56: {  	vm0 =	vge.s32 v4, v0;
	vm1 =	vlt.s32 v4, v1;
	s6 =	spop (v2sf)  }
0x57: {  	s3 =	sadd.s32 s3, s6;
	vm0 =	vmand vm0, vm1  }
0x58: {  	v4 =	vsub.s32 v4, v0;
	v6 =	vmpcnt.ones.xlane vm0;
	[tilespmem:s3+$0x17700] =	vst.msk vm0, v5  }
0x59: {  	[tilespmem:s3+$0x18710] =	vst.msk vm0, v4  }
0x5a: {  	v4 =	vld [tilespmem:s29+$0x10];
	(v2sf) =	vpush v6, $0x0;
	_ =	sdelay $0x4  }
0x5b: {  	vm0 =	vge.s32 v4, v0;
	vm1 =	vlt.s32 v4, v1  }
0x5c: {  	vm0 =	vmand vm0, vm1  }
0x5d: {  	v5 =	vmpcnt.ones.xlane vm0;
	_ =	sdelay $0x1  }
0x5e: {  	(v2sf) =	vpush v5, $0x0;
	_ =	sdelay $0x2  }
0x5f: {  	v5 =	vld [tilespmem:s30+$0x10];
	_ =	sdelay $0x2  }
0x60: {  	s31 =	spop (v2sf)  }
0x61: {  	s2 =	sadd.s32 s3, s31  }
0x62: {  	v4 =	vsub.s32 v4, v0;
	[tilespmem:s2+$0x17700] =	vst.msk vm0, v5  }
0x63: {  	s3 =	simm.s32 $0x138E0;
	[tilespmem:s2+$0x18710] =	vst.msk vm0, v4  }
0x64: {  	v4 =	vld [tilespmem:s3+$0xFFFFFFE0]  }
0x65: {  	s0 =	simm.s32 $0x14880  }
0x66: {  	v5 =	vld [tilespmem:s0+$0xFFFFFFE0];
	_ =	sdelay $0x2  }
0x67: {  	s12 =	simm.s32 $0x4;
	vm0 =	vge.s32 v4, v0;
	vm1 =	vlt.s32 v4, v1;
	s6 =	spop (v2sf)  }
.LBB2_7:
0x68: {  	s12 =	sadd.s32 $0x4, s12;
	vm0 =	vmand vm0, vm1;
	s2 =	sadd.s32 s2, s6  }
0x69: {  	v4 =	vsub.s32 v4, v0;
	p0 =	slt.u32 s12, $0xF4;
	v6 =	vmpcnt.ones.xlane vm0;
	[tilespmem:s2+$0x17700] =	vst.msk vm0, v5  }
0x6a: {  	[tilespmem:s2+$0x18710] =	vst.msk vm0, v4  }
0x6b: {  	v4 =	vld [tilespmem:s3+$0xFFFFFFF0];
	(v2sf) =	vpush v6, $0x0;
	_ =	sdelay $0x4  }
0x6c: {  	vm0 =	vge.s32 v4, v0;
	vm1 =	vlt.s32 v4, v1  }
0x6d: {  	vm0 =	vmand vm0, vm1  }
0x6e: {  	v5 =	vmpcnt.ones.xlane vm0;
	_ =	sdelay $0x1  }
0x6f: {  	(v2sf) =	vpush v5, $0x0;
	_ =	sdelay $0x2  }
0x70: {  	v5 =	vld [tilespmem:s0+$0xFFFFFFF0];
	_ =	sdelay $0x2  }
0x71: {  	s6 =	spop (v2sf)  }
0x72: {  	s2 =	sadd.s32 s2, s6  }
0x73: {  	v4 =	vsub.s32 v4, v0;
	[tilespmem:s2+$0x17700] =	vst.msk vm0, v5  }
0x74: {  	[tilespmem:s2+$0x18710] =	vst.msk vm0, v4  }
0x75: {  	v4 =	vld [tilespmem:s3+$0x0];
	_ =	sdelay $0x1  }
0x76: {  	v5 =	vld [tilespmem:s0+$0x0];
	_ =	sdelay $0x2  }
0x77: {  	vm0 =	vge.s32 v4, v0;
	vm1 =	vlt.s32 v4, v1;
	s6 =	spop (v2sf)  }
0x78: {  	s2 =	sadd.s32 s2, s6;
	vm0 =	vmand vm0, vm1  }
0x79: {  	v4 =	vsub.s32 v4, v0;
	v6 =	vmpcnt.ones.xlane vm0;
	[tilespmem:s2+$0x17700] =	vst.msk vm0, v5  }
0x7a: {  	[tilespmem:s2+$0x18710] =	vst.msk vm0, v4  }
0x7b: {  	v4 =	vld [tilespmem:s3+$0x10];
	(v2sf) =	vpush v6, $0x0  }
0x7c: {  	v5 =	vld [tilespmem:s0+$0x10];
	_ =	sdelay $0x3  }
0x7d: {  	vm0 =	vge.s32 v4, v0;
	vm1 =	vlt.s32 v4, v1  }
0x7e: {  	vm0 =	vmand vm0, vm1  }
0x7f: {  	v6 =	vmpcnt.ones.xlane vm0;
	_ =	sdelay $0x1  }
0x80: {  	(v2sf) =	vpush v6, $0x0;
	_ =	sdelay $0x5  }
0x81: {  	s6 =	spop (v2sf)  }
0x82: {  	s2 =	sadd.s32 s2, s6  }
0x83: {  	v4 =	vsub.s32 v4, v0;
	[tilespmem:s2+$0x17700] =	vst.msk vm0, v5  }
0x84: {  	s3 =	sadd.s32 $0x40, s3;
	[tilespmem:s2+$0x18710] =	vst.msk vm0, v4  }
0x85: {  	v4 =	vld [tilespmem:s3+$0xFFFFFFE0]  }
.Ltmp6:
0x86: {  	s0 =	sadd.s32 $0x40, s0;
	(pc) =	sbr.rel @p0 .LBB2_7-.Ltmp6, $2  }
0x87: {  	v5 =	vld [tilespmem:s0+$0xFFFFFFE0];
	_ =	sdelay $0x2  }
0x88: {  	vm0 =	vge.s32 v4, v0;
	vm1 =	vlt.s32 v4, v1;
	s6 =	spop (v2sf)  }
0x89: {  	vm0 =	vmand vm0, vm1;
	s13 =	sadd.s32 s2, s6  }
0x8a: {  	v4 =	vsub.s32 v4, v0;
	v6 =	vmpcnt.ones.xlane vm0;
	[tilespmem:s13+$0x17700] =	vst.msk vm0, v5  }
0x8b: {  	[tilespmem:s13+$0x18710] =	vst.msk vm0, v4  }
0x8c: {  	v4 =	vld [tilespmem:s3+$0xFFFFFFF0];
	(v2sf) =	vpush v6, $0x0;
	_ =	sdelay $0x4  }
0x8d: {  	vm6 =	vge.s32 v4, v0;
	vm7 =	vlt.s32 v4, v1  }
0x8e: {  	vm0 =	vmand vm6, vm7  }
0x8f: {  	v5 =	vmpcnt.ones.xlane vm0;
	_ =	sdelay $0x1  }
0x90: {  	(v2sf) =	vpush v5, $0x0;
	_ =	sdelay $0x2  }
0x91: {  	v5 =	vld [tilespmem:s0+$0xFFFFFFF0];
	_ =	sdelay $0x2  }
0x92: {  	s2 =	spop (v2sf)  }
0x93: {  	s6 =	sadd.s32 s13, s2  }
0x94: {  	v4 =	vsub.s32 v4, v0;
	[tilespmem:s6+$0x17700] =	vst.msk vm0, v5  }
0x95: {  	[tilespmem:s6+$0x18710] =	vst.msk vm0, v4  }
0x96: {  	v4 =	vld [tilespmem:s3+$0x0];
	_ =	sdelay $0x1  }
0x97: {  	v5 =	vld [tilespmem:s0+$0x0];
	_ =	sdelay $0x2  }
0x98: {  	vm8 =	vge.s32 v4, v0;
	vm9 =	vlt.s32 v4, v1;
	s26 =	spop (v2sf)  }
0x99: {  	s6 =	sadd.s32 s6, s26;
	vm0 =	vmand vm8, vm9  }
0x9a: {  	v4 =	vsub.s32 v4, v0;
	v62 =	vmpcnt.ones.xlane vm0;
	[tilespmem:s6+$0x17700] =	vst.msk vm0, v5  }
0x9b: {  	[tilespmem:s6+$0x18710] =	vst.msk vm0, v4  }
0x9c: {  	v4 =	vld [tilespmem:s3+$0x10];
	(v2sf) =	vpush v62, $0x0;
	_ =	sdelay $0x4  }
0x9d: {  	vm10 =	vge.s32 v4, v0;
	vm11 =	vlt.s32 v4, v1  }
0x9e: {  	vm0 =	vmand vm10, vm11  }
0x9f: {  	v5 =	vmpcnt.ones.xlane vm0;
	_ =	sdelay $0x1  }
0xa0: {  	(v2sf) =	vpush v5, $0x0;
	_ =	sdelay $0x2  }
0xa1: {  	v5 =	vld [tilespmem:s0+$0x10];
	_ =	sdelay $0x2  }
0xa2: {  	s0 =	spop (v2sf)  }
0xa3: {  	s6 =	sadd.s32 s6, s0  }
0xa4: {  	v4 =	vsub.s32 v4, v0;
	[tilespmem:s6+$0x17700] =	vst.msk vm0, v5  }
0xa5: {  	[tilespmem:s6+$0x18710] =	vst.msk vm0, v4  }
0xa6: {  	v4 =	vld [tilespmem:$0x14800];
	_ =	sdelay $0x1  }
0xa7: {  	v5 =	vld [tilespmem:$0x157A0];
	_ =	sdelay $0x2  }
0xa8: {  	s3 =	spop (v2sf);
	vm12 =	vge.s32 v4, v0;
	vm13 =	vlt.s32 v4, v1  }
0xa9: {  	s7 =	sadd.s32 s6, s3;
	vm0 =	vmand vm12, vm13  }
0xaa: {  	v4 =	vsub.s32 v4, v0;
	[tilespmem:s7+$0x17700] =	vst.msk vm0, v5  }
0xab: {  	[tilespmem:s7+$0x18710] =	vst.msk vm0, v4  }
0xac: {  	v4 =	vld [tilespmem:$0x14810];
	_ =	sdelay $0x4  }
0xad: {  	vm14 =	vge.s32 v4, v0;
	vm2 =	vlt.s32 v4, v1  }
0xae: {  	v5 =	vmpcnt.ones.xlane vm0;
	vm15 =	vmand vm14, vm2  }
0xaf: {  	v63 =	vmpcnt.ones.xlane vm15  }
0xb0: {  	(v2sf) =	vpush v5, $0x0  }
0xb1: {  	(v2sf) =	vpush v63, $0x0;
	_ =	sdelay $0xd  }
0xb2: {  	s6 =	spop (v2sf)  }
0xb3: {  	s8 =	sadd.s32 s7, s6;
	s7 =	spop (v2sf)  }
0xb4: {  	s12 =	sadd.s32 s8, s7  }
0xb5: {  	s20 =	sadd.s32 $0x3F, s12  }
0xb6: {  	s28 =	sand.u32 $0x3F, s20  }
0xb7: {  	v5 =	vld [tilespmem:$0x157B0];
	s29 =	sshra.s32 s20, $0x1F;
	p0 =	slt.s32 s20, $0x1;
	p1 =	sne.s32 s28, $0x0  }
0xb8: {  	s28 =	sshrl.u32 s29, $0x1A;
	p0 =	por !p0, !p1  }
0xb9: {  	s20 =	sadd.s32 s28, s20;
	s28 =	simm.s32 $0x1;
	p0 =	por !p0, !p0  }
0xba: {  	s20 =	sshra.s32 s20, $0x6;
	s28 =	simm.s32 @!p0 $0x0  }
0xbb: {  	s28 =	ssub.s32 s20, s28  }
0xbc: {  	v4 =	vsub.s32 v4, v0;
	[tilespmem:s8+$0x17700] =	vst.msk vm15, v5;
	p0 =	slt.s32 s28, $0x1  }
0xbd: {  	[tilespmem:s8+$0x18710] =	vst.msk vm15, v4;
	s8 =	simm.s32 @!p0 $0x40;
	s20 =	simm.s32 @!p0 $0x17700;
	s29 =	simm.s32 @!p0 $0x19720  }
0xbe: {  	[tilespmem:s29], [sflag:$0x5] =	stream.indirect.gather @!p0 [spmem:s1], $0x40, s20, s8, $0xb8;
	[tilespmem:$0x1B720] =	vst v63  }
0xbf: {  	s8 =	sadd.s32 $0x1, s28  }
0xc0: {  	s30 =	sand.u32 $0x1, s8  }
0xc1: {  	p5 =	slt.s32 s28, $0x0;
	p6 =	seq.s32 s30, $0x1  }
0xc2: {  	s31 =	sshrl.u32 s8, $0x1F;
	p0 =	por !p5, !p6  }
0xc3: {  	s20 =	simm.s32 $0x1;
	s8 =	sadd.s32 s31, s8;
	p0 =	por !p0, !p0  }
0xc4: {  	s8 =	sshra.s32 s8, $0x1;
	s20 =	simm.s32 @!p0 $0x0  }
0xc5: {  	s29 =	ssub.s32 s8, s20  }
0xc6: {  	p0 =	slt.s32 s29, $0x1  }
.Ltmp7:
0xc7: {  	_ = 	snop;
	(pc) =	sbr.rel @p0 .LBB2_19-.Ltmp7, $1  }
0xc8: {  	_ =	sdelay $0x3  }
0xc9: {  	s6 =	sadd.s32 s7, s6  }
0xca: {  	s2 =	sadd.s32 s2, s6  }
.Ltmp8:
0xcb: {  	s2 =	sadd.s32 s26, s2;
	(pc) =	sbr.rel .LBB2_10-.Ltmp8, $4  }
0xcc: {  	s0 =	sadd.s32 s0, s2  }
0xcd: {  	s0 =	sadd.s32 s3, s0  }
0xce: {  	s31 =	simm.s32 $0x0;
	s8 =	simm.s32 $0x18711;
	s0 =	sadd.s32 s13, s0  }
0xcf: {  	s26 =	smov.u32 s12;
	s3 =	simm.s32 $0x18751;
	s30 =	sadd.s32 $0xFFFFFFC0, s0  }
.LBB2_17:
0xd0: {  	_ = 	snop  }
0xd1: {  	v6 =	vmax.bf16 v8, v6  }
0xd2: {  	v5 =	vmax.bf16 v11, v5;
	[tilespmem:s6+$0x9C70] =	vst v6  }
0xd3: {  	v63 =	vmax.bf16 v9, v7;
	[tilespmem:s6+$0x9C50] =	vst v5  }
0xd4: {  	v4 =	vmax.bf16 v10, v4;
	[tilespmem:s6+$0x9C60] =	vst v63  }
0xd5: {  	[tilespmem:s6+$0x9C40] =	vst v4;
	s0 =	spop (v2sf)  }
.LBB2_18:
0xd6: {  	s31 =	sadd.s32 $0x1, s31  }
0xd7: {  	p0 =	sne.s32 s31, s29  }
.Ltmp9:
0xd8: {  	_ = 	snop;
	(pc) =	sbr.rel @!p0 .LBB2_19-.Ltmp9, $3  }
0xd9: {  	_ =	sdelay $0x1  }
0xda: {  	s26 =	sadd.s32 $0xFFFFFF80, s26  }
0xdb: {  	s30 =	sadd.s32 $0xFFFFFF80, s30;
	s8 =	sadd.s32 $0x80, s8;
	s3 =	sadd.s32 $0x80, s3  }
.LBB2_10:
0xdc: {  	s13 =	sshllo.u32 s31, $0x1  }
0xdd: {  	p0 =	sge.s32 s13, s28  }
0xde: {  	s2 =	sshll.u32 s31, $0x1;
	s0 =	sshll.u32 @!p0 s13, $0x8  }
0xdf: {  	p1 =	sge.s32 s2, s28;
	s0 =	sshra.s32 @!p0 s0, $0x2  }
0xe0: {  	s6 =	simm.s32 @!p0 $0x40;
	s7 =	simm.s32 @!p0 $0x1A720;
	s0 =	sadd.s32 @!p0 $0x17700, s0  }
0xe1: {  	[tilespmem:s7], [sflag:$0x6] =	stream.indirect.gather @!p0 [spmem:s1], $0x40, s0, s6, $0xb8;
	[tilespmem:$0x1B720] =	vst v63  }
0xe2: {  	s0 =	sshll.u32 @!p1 s31, $0x7  }
0xe3: {  	s7 =	ssub.s32 @!p1 s12, s0  }
0xe4: {  	p2 =	slt.s32 @!p1 s7, $0x1  }
0xe5: {  	p2 =	por p1, p2  }
.Ltmp10:
0xe6: {  	_ = 	snop;
	(pc) =	sbr.rel @p2 .LBB2_14-.Ltmp10, $4  }
0xe7: {  	s6 =	simm.s32 @!p1 $0x5  }
0xe8: {  	_ =	swait.ge @!p1 [sflag:s6], $0x1000  }
0xe9: {  	[sflag:s6] =	ssyncset.done @!p1 $0x0  }
0xea: {  	[sflag:s6] =	ssyncadd.s32 @!p1 $0xFFFFF000  }
0xeb: {  	v4 =	vld [tilespmem:s0+$0x18710];
	_ =	sdelay $0x4  }
0xec: {  	(v2sf) =	vpush v4, $0x0;
	_ =	sdelay $0xb  }
0xed: {  	v10 =	vld [tilespmem:s8+$0x0]  }
0xee: {  	s20 =	simm.s32 $0x19740;
	p1 =	sgt.s32 s26, $0x1;
	s7 =	smov.u32 s26  }
0xef: {  	v5 =	vld [tilespmem:s20+$0xFFFFFFF0];
	s7 =	simm.s32 @!p1 $0x1  }
0xf0: {  	v6 =	vld [tilespmem:s20+$0x10];
	s7 =	smin.u32 s7, $0x40;
	s6 =	spop (v2sf)  }
0xf1: {  	v7 =	vld [tilespmem:s20+$0x0];
	p1 =	sne.s32 s7, $0x1;
	s0 =	sshll.u32 s6, $0x8  }
.Ltmp11:
0xf2: {  	v4 =	vld [tilespmem:s20+$0xFFFFFFE0];
	(v2sf) =	vpush v10, $0x0;
	s6 =	sshra.s32 s0, $0x2;
	(pc) =	sbr.rel @!p1 .LBB2_13-.Ltmp11, $4  }
0xf3: {  	v8 =	vld [tilespmem:s6+$0x9C70]  }
0xf4: {  	v9 =	vld [tilespmem:s6+$0x9C60]  }
0xf5: {  	v11 =	vld [tilespmem:s6+$0x9C50]  }
0xf6: {  	s7 =	sadd.s32 $0xFFFFFFFF, s7;
	s0 =	smov.u32 s8;
	v10 =	vld [tilespmem:s6+$0x9C40]  }
.LBB2_12:
0xf7: {  	_ = 	snop  }
0xf8: {  	p1 =	sne.s32 s7, $0x1;
	s0 =	sadd.s32 $0x1, s0;
	s20 =	sadd.s32 $0x40, s20  }
0xf9: {  	s7 =	sadd.s32 $0xFFFFFFFF, s7;
	v6 =	vmax.bf16 v8, v6;
	v7 =	vmax.bf16 v9, v7  }
0xfa: {  	v5 =	vmax.bf16 v11, v5;
	[tilespmem:s6+$0x9C70] =	vst v6  }
0xfb: {  	v4 =	vmax.bf16 v10, v4;
	[tilespmem:s6+$0x9C50] =	vst v5  }
0xfc: {  	[tilespmem:s6+$0x9C60] =	vst v7  }
0xfd: {  	[tilespmem:s6+$0x9C40] =	vst v4  }
0xfe: {  	v8 =	vld [tilespmem:s0+$0x0];
	_ =	sdelay $0x1  }
0xff: {  	v4 =	vld [tilespmem:s20+$0xFFFFFFE0]  }
0x100: {  	v5 =	vld [tilespmem:s20+$0xFFFFFFF0];
	s6 =	spop (v2sf)  }
0x101: {  	s6 =	sshll.u32 s6, $0x8;
	v6 =	vld [tilespmem:s20+$0x10]  }
.Ltmp12:
0x102: {  	s6 =	sshra.s32 s6, $0x2;
	v7 =	vld [tilespmem:s20+$0x0];
	(v2sf) =	vpush v8, $0x0;
	(pc) =	sbr.rel @p1 .LBB2_12-.Ltmp12, $4  }
0x103: {  	v8 =	vld [tilespmem:s6+$0x9C70]  }
0x104: {  	v9 =	vld [tilespmem:s6+$0x9C60]  }
0x105: {  	v11 =	vld [tilespmem:s6+$0x9C50]  }
0x106: {  	v10 =	vld [tilespmem:s6+$0x9C40]  }
.LBB2_13:
0x107: {  	_ =	sdelay $0x5  }
0x108: {  	v6 =	vmax.bf16 v8, v6  }
0x109: {  	[tilespmem:s6+$0x9C70] =	vst v6;
	v63 =	vmax.bf16 v9, v7  }
0x10a: {  	v5 =	vmax.bf16 v11, v5;
	[tilespmem:s6+$0x9C60] =	vst v63  }
0x10b: {  	[tilespmem:s6+$0x9C50] =	vst v5;
	v4 =	vmax.bf16 v10, v4  }
0x10c: {  	[tilespmem:s6+$0x9C40] =	vst v4;
	s0 =	spop (v2sf)  }
.LBB2_14:
0x10d: {  	s0 =	sadd.s32 $0x2, s2  }
0x10e: {  	p1 =	sge.s32 s0, s28  }
0x10f: {  	s0 =	sshll.u32 @!p1 s0, $0x8  }
0x110: {  	s0 =	sshra.s32 @!p1 s0, $0x2  }
0x111: {  	s2 =	simm.s32 @!p1 $0x40;
	s6 =	simm.s32 @!p1 $0x19720;
	s0 =	sadd.s32 @!p1 $0x17700, s0  }
0x112: {  	[tilespmem:s6], [sflag:$0x5] =	stream.indirect.gather @!p1 [spmem:s1], $0x40, s0, s2, $0xb8;
	[tilespmem:$0x1B720] =	vst v63  }
0x113: {  	s0 =	sshll.u32 @!p0 s13, $0x6  }
0x114: {  	s6 =	ssub.s32 @!p0 s12, s0  }
0x115: {  	p1 =	slt.s32 @!p0 s6, $0x1  }
0x116: {  	p1 =	por p0, p1  }
.Ltmp13:
0x117: {  	_ = 	snop;
	(pc) =	sbr.rel @p1 .LBB2_18-.Ltmp13, $4  }
0x118: {  	s2 =	simm.s32 @!p0 $0x6  }
0x119: {  	_ =	swait.ge @!p0 [sflag:s2], $0x1000  }
0x11a: {  	[sflag:s2] =	ssyncset.done @!p0 $0x0  }
0x11b: {  	[sflag:s2] =	ssyncadd.s32 @!p0 $0xFFFFF000  }
0x11c: {  	v4 =	vld [tilespmem:s0+$0x18710];
	_ =	sdelay $0x4  }
0x11d: {  	(v2sf) =	vpush v4, $0x0;
	_ =	sdelay $0x9  }
0x11e: {  	v10 =	vld [tilespmem:s3+$0x0];
	_ =	sdelay $0x4  }
0x11f: {  	s2 =	simm.s32 $0x1A740;
	s13 =	spop (v2sf);
	(v2sf) =	vpush v10, $0x0  }
0x120: {  	p0 =	sgt.s32 s30, $0x1;
	s7 =	smov.u32 s30;
	v5 =	vld [tilespmem:s2+$0xFFFFFFF0]  }
0x121: {  	v6 =	vld [tilespmem:s2+$0x10];
	s7 =	simm.s32 @!p0 $0x1  }
0x122: {  	v7 =	vld [tilespmem:s2+$0x0];
	s20 =	smin.u32 s7, $0x40;
	s0 =	sshll.u32 s13, $0x8  }
0x123: {  	p0 =	sne.s32 s20, $0x1;
	v4 =	vld [tilespmem:s2+$0xFFFFFFE0];
	s6 =	sshra.s32 s0, $0x2  }
.Ltmp14:
0x124: {  	v8 =	vld [tilespmem:s6+$0x9C70];
	(pc) =	sbr.rel @!p0 .LBB2_17-.Ltmp14, $4  }
0x125: {  	v9 =	vld [tilespmem:s6+$0x9C60]  }
0x126: {  	v11 =	vld [tilespmem:s6+$0x9C50]  }
0x127: {  	v10 =	vld [tilespmem:s6+$0x9C40]  }
0x128: {  	s7 =	sadd.s32 $0xFFFFFFFF, s20;
	s0 =	smov.u32 s3  }
.LBB2_16:
0x129: {  	p0 =	sne.s32 s7, $0x1;
	s0 =	sadd.s32 $0x1, s0;
	s2 =	sadd.s32 $0x40, s2  }
0x12a: {  	s7 =	sadd.s32 $0xFFFFFFFF, s7;
	v7 =	vmax.bf16 v9, v7;
	v6 =	vmax.bf16 v8, v6  }
0x12b: {  	v5 =	vmax.bf16 v11, v5;
	[tilespmem:s6+$0x9C70] =	vst v6  }
0x12c: {  	v4 =	vmax.bf16 v10, v4;
	[tilespmem:s6+$0x9C50] =	vst v5  }
0x12d: {  	[tilespmem:s6+$0x9C60] =	vst v7  }
0x12e: {  	[tilespmem:s6+$0x9C40] =	vst v4  }
0x12f: {  	v8 =	vld [tilespmem:s0+$0x0];
	_ =	sdelay $0x1  }
0x130: {  	v4 =	vld [tilespmem:s2+$0xFFFFFFE0]  }
0x131: {  	v5 =	vld [tilespmem:s2+$0xFFFFFFF0];
	s6 =	spop (v2sf)  }
0x132: {  	s6 =	sshll.u32 s6, $0x8;
	v6 =	vld [tilespmem:s2+$0x10]  }
.Ltmp15:
0x133: {  	s6 =	sshra.s32 s6, $0x2;
	v7 =	vld [tilespmem:s2+$0x0];
	(v2sf) =	vpush v8, $0x0;
	(pc) =	sbr.rel @p0 .LBB2_16-.Ltmp15, $4  }
0x134: {  	v8 =	vld [tilespmem:s6+$0x9C70]  }
0x135: {  	v9 =	vld [tilespmem:s6+$0x9C60]  }
0x136: {  	v11 =	vld [tilespmem:s6+$0x9C50]  }
0x137: {  	v10 =	vld [tilespmem:s6+$0x9C40]  }
.Ltmp16:
0x138: {  	_ = 	snop;
	(pc) =	sbr.rel .LBB2_17-.Ltmp16, $1  }
0x139: {  	_ =	sdelay $0x3  }
.LBB2_19:
0x13a: {  	p0 =	seq.s32 s24, $0x13  }
0x13b: {  	s0 =	sshrl.u32 @!p0 s25, $0x3  }
0x13c: {  	s0 =	sadd.s32 @!p0 $0x3E8, s0  }
0x13d: {  	s3 =	simm.s32 @!p0 $0x0;
	s6 =	simm.s32 @!p0 $0x13880;
	s2 =	sadd.s32 @!p0 s5, s0  }
0x13e: {  	[tilespmem:s6], [sflag:$0x1] =	stream.linear.gather @!p0 [hbm4b:s2+s3], $0xFA0, $0x38;
	[tilespmem:$0x1B720] =	vst v63  }
0x13f: {  	s0 =	sadd.s32 @!p0 s4, s0;
	s2 =	simm.s32 @!p0 $0x14820  }
0x140: {  	[tilespmem:s2], [sflag:$0x2] =	stream.linear.gather @!p0 [hbm4b:s0+s3], $0xFA0, $0x38;
	[tilespmem:$0x1B720] =	vst v63  }
0x141: {  	_ =	swait.ge [sflag:s18], $0xFA0  }
0x142: {  	[sflag:s18] =	ssyncset.done $0x0  }
0x143: {  	[sflag:s18] =	ssyncadd.s32 $0xFFFFF060  }
0x144: {  	_ =	swait.ge [sflag:s19], $0xFA0  }
0x145: {  	[sflag:s19] =	ssyncset.done $0x0  }
0x146: {  	s25 =	simm.s32 $0x157E0;
	[sflag:s19] =	ssyncadd.s32 $0xFFFFF060  }
0x147: {  	v4 =	vld [tilespmem:s25+$0xFFFFFFE0]  }
0x148: {  	s26 =	simm.s32 $0x16780  }
0x149: {  	v5 =	vld [tilespmem:s26+$0xFFFFFFE0];
	_ =	sdelay $0x2  }
0x14a: {  	vm0 =	vge.s32 v4, v0;
	vm1 =	vlt.s32 v4, v1  }
0x14b: {  	s28 =	simm.s32 $0x0;
	vm0 =	vmand vm0, vm1  }
0x14c: {  	v4 =	vsub.s32 v4, v0;
	v6 =	vmpcnt.ones.xlane vm0;
	[tilespmem:s28+$0x17700] =	vst.msk vm0, v5  }
0x14d: {  	[tilespmem:s28+$0x18710] =	vst.msk vm0, v4  }
0x14e: {  	v4 =	vld [tilespmem:s25+$0xFFFFFFF0];
	(v2sf) =	vpush v6, $0x0;
	_ =	sdelay $0x4  }
0x14f: {  	vm0 =	vge.s32 v4, v0;
	vm1 =	vlt.s32 v4, v1  }
0x150: {  	vm0 =	vmand vm0, vm1  }
0x151: {  	v5 =	vmpcnt.ones.xlane vm0;
	_ =	sdelay $0x1  }
0x152: {  	(v2sf) =	vpush v5, $0x0;
	_ =	sdelay $0x2  }
0x153: {  	v5 =	vld [tilespmem:s26+$0xFFFFFFF0];
	_ =	sdelay $0x2  }
0x154: {  	s29 =	spop (v2sf)  }
0x155: {  	s3 =	sadd.s32 $0x0, s29  }
0x156: {  	v4 =	vsub.s32 v4, v0;
	[tilespmem:s3+$0x17700] =	vst.msk vm0, v5  }
0x157: {  	[tilespmem:s3+$0x18710] =	vst.msk vm0, v4  }
0x158: {  	v4 =	vld [tilespmem:s25+$0x0];
	_ =	sdelay $0x1  }
0x159: {  	v5 =	vld [tilespmem:s26+$0x0];
	_ =	sdelay $0x2  }
0x15a: {  	vm0 =	vge.s32 v4, v0;
	vm1 =	vlt.s32 v4, v1;
	s30 =	spop (v2sf)  }
0x15b: {  	s3 =	sadd.s32 s3, s30;
	vm0 =	vmand vm0, vm1  }
0x15c: {  	v4 =	vsub.s32 v4, v0;
	v6 =	vmpcnt.ones.xlane vm0;
	[tilespmem:s3+$0x17700] =	vst.msk vm0, v5  }
0x15d: {  	[tilespmem:s3+$0x18710] =	vst.msk vm0, v4  }
0x15e: {  	v4 =	vld [tilespmem:s25+$0x10];
	(v2sf) =	vpush v6, $0x0;
	_ =	sdelay $0x4  }
0x15f: {  	vm0 =	vge.s32 v4, v0;
	vm1 =	vlt.s32 v4, v1  }
0x160: {  	vm0 =	vmand vm0, vm1  }
0x161: {  	v5 =	vmpcnt.ones.xlane vm0;
	_ =	sdelay $0x1  }
0x162: {  	(v2sf) =	vpush v5, $0x0;
	_ =	sdelay $0x2  }
0x163: {  	v5 =	vld [tilespmem:s26+$0x10];
	_ =	sdelay $0x2  }
0x164: {  	s31 =	spop (v2sf)  }
0x165: {  	s2 =	sadd.s32 s3, s31  }
0x166: {  	v4 =	vsub.s32 v4, v0;
	[tilespmem:s2+$0x17700] =	vst.msk vm0, v5  }
0x167: {  	s3 =	simm.s32 $0x15820;
	[tilespmem:s2+$0x18710] =	vst.msk vm0, v4  }
0x168: {  	v4 =	vld [tilespmem:s3+$0xFFFFFFE0]  }
0x169: {  	s0 =	simm.s32 $0x167C0  }
0x16a: {  	v5 =	vld [tilespmem:s0+$0xFFFFFFE0];
	_ =	sdelay $0x2  }
0x16b: {  	s12 =	simm.s32 $0x4;
	vm0 =	vge.s32 v4, v0;
	vm1 =	vlt.s32 v4, v1;
	s6 =	spop (v2sf)  }
.LBB2_20:
0x16c: {  	s12 =	sadd.s32 $0x4, s12;
	vm0 =	vmand vm0, vm1;
	s2 =	sadd.s32 s2, s6  }
0x16d: {  	v4 =	vsub.s32 v4, v0;
	p0 =	slt.u32 s12, $0xF4;
	v6 =	vmpcnt.ones.xlane vm0;
	[tilespmem:s2+$0x17700] =	vst.msk vm0, v5  }
0x16e: {  	[tilespmem:s2+$0x18710] =	vst.msk vm0, v4  }
0x16f: {  	v4 =	vld [tilespmem:s3+$0xFFFFFFF0];
	(v2sf) =	vpush v6, $0x0;
	_ =	sdelay $0x4  }
0x170: {  	vm0 =	vge.s32 v4, v0;
	vm1 =	vlt.s32 v4, v1  }
0x171: {  	vm0 =	vmand vm0, vm1  }
0x172: {  	v5 =	vmpcnt.ones.xlane vm0;
	_ =	sdelay $0x1  }
0x173: {  	(v2sf) =	vpush v5, $0x0;
	_ =	sdelay $0x2  }
0x174: {  	v5 =	vld [tilespmem:s0+$0xFFFFFFF0];
	_ =	sdelay $0x2  }
0x175: {  	s6 =	spop (v2sf)  }
0x176: {  	s2 =	sadd.s32 s2, s6  }
0x177: {  	v4 =	vsub.s32 v4, v0;
	[tilespmem:s2+$0x17700] =	vst.msk vm0, v5  }
0x178: {  	[tilespmem:s2+$0x18710] =	vst.msk vm0, v4  }
0x179: {  	v4 =	vld [tilespmem:s3+$0x0];
	_ =	sdelay $0x1  }
0x17a: {  	v5 =	vld [tilespmem:s0+$0x0];
	_ =	sdelay $0x2  }
0x17b: {  	vm0 =	vge.s32 v4, v0;
	vm1 =	vlt.s32 v4, v1;
	s6 =	spop (v2sf)  }
0x17c: {  	s2 =	sadd.s32 s2, s6;
	vm0 =	vmand vm0, vm1  }
0x17d: {  	v4 =	vsub.s32 v4, v0;
	v6 =	vmpcnt.ones.xlane vm0;
	[tilespmem:s2+$0x17700] =	vst.msk vm0, v5  }
0x17e: {  	[tilespmem:s2+$0x18710] =	vst.msk vm0, v4  }
0x17f: {  	v4 =	vld [tilespmem:s3+$0x10];
	(v2sf) =	vpush v6, $0x0  }
0x180: {  	v5 =	vld [tilespmem:s0+$0x10];
	_ =	sdelay $0x3  }
0x181: {  	vm0 =	vge.s32 v4, v0;
	vm1 =	vlt.s32 v4, v1  }
0x182: {  	vm0 =	vmand vm0, vm1  }
0x183: {  	v6 =	vmpcnt.ones.xlane vm0;
	_ =	sdelay $0x1  }
0x184: {  	(v2sf) =	vpush v6, $0x0;
	_ =	sdelay $0x5  }
0x185: {  	s6 =	spop (v2sf)  }
0x186: {  	s2 =	sadd.s32 s2, s6  }
0x187: {  	v4 =	vsub.s32 v4, v0;
	[tilespmem:s2+$0x17700] =	vst.msk vm0, v5  }
0x188: {  	s3 =	sadd.s32 $0x40, s3;
	[tilespmem:s2+$0x18710] =	vst.msk vm0, v4  }
0x189: {  	v4 =	vld [tilespmem:s3+$0xFFFFFFE0]  }
.Ltmp17:
0x18a: {  	s0 =	sadd.s32 $0x40, s0;
	(pc) =	sbr.rel @p0 .LBB2_20-.Ltmp17, $2  }
0x18b: {  	v5 =	vld [tilespmem:s0+$0xFFFFFFE0];
	_ =	sdelay $0x2  }
0x18c: {  	vm0 =	vge.s32 v4, v0;
	vm1 =	vlt.s32 v4, v1;
	s6 =	spop (v2sf)  }
0x18d: {  	vm0 =	vmand vm0, vm1;
	s12 =	sadd.s32 s2, s6  }
0x18e: {  	v4 =	vsub.s32 v4, v0;
	v6 =	vmpcnt.ones.xlane vm0;
	[tilespmem:s12+$0x17700] =	vst.msk vm0, v5  }
0x18f: {  	[tilespmem:s12+$0x18710] =	vst.msk vm0, v4  }
0x190: {  	v4 =	vld [tilespmem:s3+$0xFFFFFFF0];
	(v2sf) =	vpush v6, $0x0;
	_ =	sdelay $0x4  }
0x191: {  	vm6 =	vge.s32 v4, v0;
	vm7 =	vlt.s32 v4, v1  }
0x192: {  	vm0 =	vmand vm6, vm7  }
0x193: {  	v5 =	vmpcnt.ones.xlane vm0;
	_ =	sdelay $0x1  }
0x194: {  	(v2sf) =	vpush v5, $0x0;
	_ =	sdelay $0x2  }
0x195: {  	v5 =	vld [tilespmem:s0+$0xFFFFFFF0];
	_ =	sdelay $0x2  }
0x196: {  	s2 =	spop (v2sf)  }
0x197: {  	s6 =	sadd.s32 s12, s2  }
0x198: {  	v4 =	vsub.s32 v4, v0;
	[tilespmem:s6+$0x17700] =	vst.msk vm0, v5  }
0x199: {  	[tilespmem:s6+$0x18710] =	vst.msk vm0, v4  }
0x19a: {  	v4 =	vld [tilespmem:s3+$0x0];
	_ =	sdelay $0x1  }
0x19b: {  	v5 =	vld [tilespmem:s0+$0x0];
	_ =	sdelay $0x2  }
0x19c: {  	vm8 =	vge.s32 v4, v0;
	vm9 =	vlt.s32 v4, v1;
	s13 =	spop (v2sf)  }
0x19d: {  	s6 =	sadd.s32 s6, s13;
	vm0 =	vmand vm8, vm9  }
0x19e: {  	v4 =	vsub.s32 v4, v0;
	v62 =	vmpcnt.ones.xlane vm0;
	[tilespmem:s6+$0x17700] =	vst.msk vm0, v5  }
0x19f: {  	[tilespmem:s6+$0x18710] =	vst.msk vm0, v4  }
0x1a0: {  	v4 =	vld [tilespmem:s3+$0x10];
	(v2sf) =	vpush v62, $0x0;
	_ =	sdelay $0x4  }
0x1a1: {  	vm10 =	vge.s32 v4, v0;
	vm11 =	vlt.s32 v4, v1  }
0x1a2: {  	vm0 =	vmand vm10, vm11  }
0x1a3: {  	v5 =	vmpcnt.ones.xlane vm0;
	_ =	sdelay $0x1  }
0x1a4: {  	(v2sf) =	vpush v5, $0x0;
	_ =	sdelay $0x2  }
0x1a5: {  	v5 =	vld [tilespmem:s0+$0x10];
	_ =	sdelay $0x2  }
0x1a6: {  	s0 =	spop (v2sf)  }
0x1a7: {  	s6 =	sadd.s32 s6, s0  }
0x1a8: {  	v4 =	vsub.s32 v4, v0;
	[tilespmem:s6+$0x17700] =	vst.msk vm0, v5  }
0x1a9: {  	[tilespmem:s6+$0x18710] =	vst.msk vm0, v4  }
0x1aa: {  	v4 =	vld [tilespmem:$0x16740];
	_ =	sdelay $0x1  }
0x1ab: {  	v5 =	vld [tilespmem:$0x176E0];
	_ =	sdelay $0x2  }
0x1ac: {  	s3 =	spop (v2sf);
	vm12 =	vge.s32 v4, v0;
	vm13 =	vlt.s32 v4, v1  }
0x1ad: {  	s7 =	sadd.s32 s6, s3;
	vm0 =	vmand vm12, vm13  }
0x1ae: {  	v4 =	vsub.s32 v4, v0;
	[tilespmem:s7+$0x17700] =	vst.msk vm0, v5  }
0x1af: {  	[tilespmem:s7+$0x18710] =	vst.msk vm0, v4  }
0x1b0: {  	v4 =	vld [tilespmem:$0x16750];
	_ =	sdelay $0x4  }
0x1b1: {  	vm14 =	vge.s32 v4, v0;
	vm2 =	vlt.s32 v4, v1  }
0x1b2: {  	v5 =	vmpcnt.ones.xlane vm0;
	vm15 =	vmand vm14, vm2  }
0x1b3: {  	v63 =	vmpcnt.ones.xlane vm15  }
0x1b4: {  	(v2sf) =	vpush v5, $0x0  }
0x1b5: {  	(v2sf) =	vpush v63, $0x0;
	_ =	sdelay $0xd  }
0x1b6: {  	s6 =	spop (v2sf)  }
0x1b7: {  	s8 =	sadd.s32 s7, s6;
	s7 =	spop (v2sf)  }
0x1b8: {  	s25 =	sadd.s32 s8, s7  }
0x1b9: {  	s20 =	sadd.s32 $0x3F, s25  }
0x1ba: {  	s26 =	sand.u32 $0x3F, s20  }
0x1bb: {  	v5 =	vld [tilespmem:$0x176F0];
	s28 =	sshra.s32 s20, $0x1F;
	p0 =	slt.s32 s20, $0x1;
	p1 =	sne.s32 s26, $0x0  }
0x1bc: {  	s31 =	sshrl.u32 s28, $0x1A;
	p0 =	por !p0, !p1  }
0x1bd: {  	s26 =	simm.s32 $0x1;
	s20 =	sadd.s32 s31, s20;
	p0 =	por !p0, !p0  }
0x1be: {  	s20 =	sshra.s32 s20, $0x6;
	s26 =	simm.s32 @!p0 $0x0  }
0x1bf: {  	s26 =	ssub.s32 s20, s26  }
0x1c0: {  	v4 =	vsub.s32 v4, v0;
	[tilespmem:s8+$0x17700] =	vst.msk vm15, v5;
	p0 =	slt.s32 s26, $0x1  }
0x1c1: {  	[tilespmem:s8+$0x18710] =	vst.msk vm15, v4;
	s29 =	sadd.s32 $0x1, s26;
	s8 =	simm.s32 @!p0 $0x40  }
0x1c2: {  	s20 =	simm.s32 @!p0 $0x17700;
	s28 =	simm.s32 @!p0 $0x19720;
	s30 =	sand.u32 $0x1, s29  }
0x1c3: {  	[tilespmem:s28], [sflag:$0x5] =	stream.indirect.gather @!p0 [spmem:s1], $0x40, s20, s8, $0xb8;
	[tilespmem:$0x1B720] =	vst v63  }
0x1c4: {  	p5 =	slt.s32 s26, $0x0;
	p6 =	seq.s32 s30, $0x1  }
0x1c5: {  	s31 =	sshrl.u32 s29, $0x1F;
	p0 =	por !p5, !p6  }
0x1c6: {  	s8 =	sadd.s32 s31, s29;
	s20 =	simm.s32 $0x1;
	p0 =	por !p0, !p0  }
0x1c7: {  	s8 =	sshra.s32 s8, $0x1;
	s20 =	simm.s32 @!p0 $0x0  }
0x1c8: {  	s28 =	ssub.s32 s8, s20  }
0x1c9: {  	p0 =	slt.s32 s28, $0x1  }
.Ltmp18:
0x1ca: {  	_ = 	snop;
	(pc) =	sbr.rel @p0 .LBB2_32-.Ltmp18, $1  }
0x1cb: {  	_ =	sdelay $0x3  }
0x1cc: {  	s6 =	sadd.s32 s7, s6  }
0x1cd: {  	s2 =	sadd.s32 s2, s6  }
.Ltmp19:
0x1ce: {  	s2 =	sadd.s32 s13, s2;
	(pc) =	sbr.rel .LBB2_23-.Ltmp19, $4  }
0x1cf: {  	s0 =	sadd.s32 s0, s2  }
0x1d0: {  	s0 =	sadd.s32 s3, s0  }
0x1d1: {  	s30 =	simm.s32 $0x0;
	s3 =	simm.s32 $0x18751;
	s0 =	sadd.s32 s12, s0  }
0x1d2: {  	s12 =	smov.u32 s25;
	s29 =	sadd.s32 $0xFFFFFFC0, s0;
	s0 =	simm.s32 $0x18711  }
.LBB2_30:
0x1d3: {  	_ = 	snop  }
0x1d4: {  	v6 =	vmax.bf16 v8, v6  }
0x1d5: {  	v5 =	vmax.bf16 v11, v5;
	[tilespmem:s6+$0x9C70] =	vst v6  }
0x1d6: {  	v63 =	vmax.bf16 v9, v7;
	[tilespmem:s6+$0x9C50] =	vst v5  }
0x1d7: {  	v4 =	vmax.bf16 v10, v4;
	[tilespmem:s6+$0x9C60] =	vst v63  }
0x1d8: {  	[tilespmem:s6+$0x9C40] =	vst v4;
	s2 =	spop (v2sf)  }
.LBB2_31:
0x1d9: {  	s30 =	sadd.s32 $0x1, s30  }
0x1da: {  	p0 =	sne.s32 s30, s28  }
.Ltmp20:
0x1db: {  	_ = 	snop;
	(pc) =	sbr.rel @!p0 .LBB2_32-.Ltmp20, $3  }
0x1dc: {  	_ =	sdelay $0x1  }
0x1dd: {  	s12 =	sadd.s32 $0xFFFFFF80, s12  }
0x1de: {  	s29 =	sadd.s32 $0xFFFFFF80, s29;
	s0 =	sadd.s32 $0x80, s0;
	s3 =	sadd.s32 $0x80, s3  }
.LBB2_23:
0x1df: {  	s13 =	sshllo.u32 s30, $0x1  }
0x1e0: {  	p0 =	sge.s32 s13, s26  }
0x1e1: {  	s2 =	sshll.u32 s30, $0x1;
	s6 =	sshll.u32 @!p0 s13, $0x8  }
0x1e2: {  	p1 =	sge.s32 s2, s26;
	s6 =	sshra.s32 @!p0 s6, $0x2  }
0x1e3: {  	s7 =	simm.s32 @!p0 $0x40;
	s8 =	simm.s32 @!p0 $0x1A720;
	s6 =	sadd.s32 @!p0 $0x17700, s6  }
0x1e4: {  	[tilespmem:s8], [sflag:$0x6] =	stream.indirect.gather @!p0 [spmem:s1], $0x40, s6, s7, $0xb8;
	[tilespmem:$0x1B720] =	vst v63  }
0x1e5: {  	s6 =	sshll.u32 @!p1 s30, $0x7  }
0x1e6: {  	s8 =	ssub.s32 @!p1 s25, s6  }
0x1e7: {  	p2 =	slt.s32 @!p1 s8, $0x1  }
0x1e8: {  	p2 =	por p1, p2  }
.Ltmp21:
0x1e9: {  	_ = 	snop;
	(pc) =	sbr.rel @p2 .LBB2_27-.Ltmp21, $4  }
0x1ea: {  	s7 =	simm.s32 @!p1 $0x5  }
0x1eb: {  	_ =	swait.ge @!p1 [sflag:s7], $0x1000  }
0x1ec: {  	[sflag:s7] =	ssyncset.done @!p1 $0x0  }
0x1ed: {  	[sflag:s7] =	ssyncadd.s32 @!p1 $0xFFFFF000  }
0x1ee: {  	v4 =	vld [tilespmem:s6+$0x18710];
	_ =	sdelay $0x4  }
0x1ef: {  	(v2sf) =	vpush v4, $0x0;
	_ =	sdelay $0xb  }
0x1f0: {  	v10 =	vld [tilespmem:s0+$0x0]  }
0x1f1: {  	s20 =	simm.s32 $0x19740;
	p1 =	sgt.s32 s12, $0x1;
	s7 =	smov.u32 s12  }
0x1f2: {  	v5 =	vld [tilespmem:s20+$0xFFFFFFF0];
	s7 =	simm.s32 @!p1 $0x1  }
0x1f3: {  	v6 =	vld [tilespmem:s20+$0x10];
	s7 =	smin.u32 s7, $0x40;
	s31 =	spop (v2sf)  }
0x1f4: {  	v7 =	vld [tilespmem:s20+$0x0];
	p1 =	sne.s32 s7, $0x1;
	s6 =	sshll.u32 s31, $0x8  }
.Ltmp22:
0x1f5: {  	v4 =	vld [tilespmem:s20+$0xFFFFFFE0];
	(v2sf) =	vpush v10, $0x0;
	s6 =	sshra.s32 s6, $0x2;
	(pc) =	sbr.rel @!p1 .LBB2_26-.Ltmp22, $4  }
0x1f6: {  	v8 =	vld [tilespmem:s6+$0x9C70]  }
0x1f7: {  	v9 =	vld [tilespmem:s6+$0x9C60]  }
0x1f8: {  	v11 =	vld [tilespmem:s6+$0x9C50]  }
0x1f9: {  	s8 =	smov.u32 s0;
	s7 =	sadd.s32 $0xFFFFFFFF, s7;
	v10 =	vld [tilespmem:s6+$0x9C40]  }
.LBB2_25:
0x1fa: {  	_ = 	snop  }
0x1fb: {  	p1 =	sne.s32 s7, $0x1;
	s8 =	sadd.s32 $0x1, s8;
	s20 =	sadd.s32 $0x40, s20  }
0x1fc: {  	s7 =	sadd.s32 $0xFFFFFFFF, s7;
	v6 =	vmax.bf16 v8, v6;
	v7 =	vmax.bf16 v9, v7  }
0x1fd: {  	v5 =	vmax.bf16 v11, v5;
	[tilespmem:s6+$0x9C70] =	vst v6  }
0x1fe: {  	v4 =	vmax.bf16 v10, v4;
	[tilespmem:s6+$0x9C50] =	vst v5  }
0x1ff: {  	[tilespmem:s6+$0x9C60] =	vst v7  }
0x200: {  	[tilespmem:s6+$0x9C40] =	vst v4  }
0x201: {  	v8 =	vld [tilespmem:s8+$0x0];
	_ =	sdelay $0x1  }
0x202: {  	v4 =	vld [tilespmem:s20+$0xFFFFFFE0]  }
0x203: {  	v5 =	vld [tilespmem:s20+$0xFFFFFFF0];
	s6 =	spop (v2sf)  }
0x204: {  	s6 =	sshll.u32 s6, $0x8;
	v6 =	vld [tilespmem:s20+$0x10]  }
.Ltmp23:
0x205: {  	s6 =	sshra.s32 s6, $0x2;
	v7 =	vld [tilespmem:s20+$0x0];
	(v2sf) =	vpush v8, $0x0;
	(pc) =	sbr.rel @p1 .LBB2_25-.Ltmp23, $4  }
0x206: {  	v8 =	vld [tilespmem:s6+$0x9C70]  }
0x207: {  	v9 =	vld [tilespmem:s6+$0x9C60]  }
0x208: {  	v11 =	vld [tilespmem:s6+$0x9C50]  }
0x209: {  	v10 =	vld [tilespmem:s6+$0x9C40]  }
.LBB2_26:
0x20a: {  	_ =	sdelay $0x5  }
0x20b: {  	v6 =	vmax.bf16 v8, v6  }
0x20c: {  	[tilespmem:s6+$0x9C70] =	vst v6;
	v63 =	vmax.bf16 v9, v7  }
0x20d: {  	v5 =	vmax.bf16 v11, v5;
	[tilespmem:s6+$0x9C60] =	vst v63  }
0x20e: {  	[tilespmem:s6+$0x9C50] =	vst v5;
	v4 =	vmax.bf16 v10, v4  }
0x20f: {  	[tilespmem:s6+$0x9C40] =	vst v4;
	s31 =	spop (v2sf)  }
.LBB2_27:
0x210: {  	s2 =	sadd.s32 $0x2, s2  }
0x211: {  	p1 =	sge.s32 s2, s26  }
0x212: {  	s2 =	sshll.u32 @!p1 s2, $0x8  }
0x213: {  	s2 =	sshra.s32 @!p1 s2, $0x2  }
0x214: {  	s6 =	simm.s32 @!p1 $0x40;
	s7 =	simm.s32 @!p1 $0x19720;
	s2 =	sadd.s32 @!p1 $0x17700, s2  }
0x215: {  	[tilespmem:s7], [sflag:$0x5] =	stream.indirect.gather @!p1 [spmem:s1], $0x40, s2, s6, $0xb8;
	[tilespmem:$0x1B720] =	vst v63  }
0x216: {  	s2 =	sshll.u32 @!p0 s13, $0x6  }
0x217: {  	s7 =	ssub.s32 @!p0 s25, s2  }
0x218: {  	p1 =	slt.s32 @!p0 s7, $0x1  }
0x219: {  	p1 =	por p0, p1  }
.Ltmp24:
0x21a: {  	_ = 	snop;
	(pc) =	sbr.rel @p1 .LBB2_31-.Ltmp24, $4  }
0x21b: {  	s6 =	simm.s32 @!p0 $0x6  }
0x21c: {  	_ =	swait.ge @!p0 [sflag:s6], $0x1000  }
0x21d: {  	[sflag:s6] =	ssyncset.done @!p0 $0x0  }
0x21e: {  	[sflag:s6] =	ssyncadd.s32 @!p0 $0xFFFFF000  }
0x21f: {  	v4 =	vld [tilespmem:s2+$0x18710];
	_ =	sdelay $0x4  }
0x220: {  	(v2sf) =	vpush v4, $0x0;
	_ =	sdelay $0x9  }
0x221: {  	v10 =	vld [tilespmem:s3+$0x0];
	_ =	sdelay $0x4  }
0x222: {  	s2 =	simm.s32 $0x1A740;
	s6 =	spop (v2sf);
	(v2sf) =	vpush v10, $0x0  }
0x223: {  	p0 =	sgt.s32 s29, $0x1;
	s7 =	smov.u32 s29;
	v5 =	vld [tilespmem:s2+$0xFFFFFFF0]  }
0x224: {  	v6 =	vld [tilespmem:s2+$0x10];
	s7 =	simm.s32 @!p0 $0x1  }
0x225: {  	v7 =	vld [tilespmem:s2+$0x0];
	s7 =	smin.u32 s7, $0x40;
	s6 =	sshll.u32 s6, $0x8  }
0x226: {  	p0 =	sne.s32 s7, $0x1;
	v4 =	vld [tilespmem:s2+$0xFFFFFFE0];
	s6 =	sshra.s32 s6, $0x2  }
.Ltmp25:
0x227: {  	v8 =	vld [tilespmem:s6+$0x9C70];
	(pc) =	sbr.rel @!p0 .LBB2_30-.Ltmp25, $4  }
0x228: {  	v9 =	vld [tilespmem:s6+$0x9C60]  }
0x229: {  	v11 =	vld [tilespmem:s6+$0x9C50]  }
0x22a: {  	v10 =	vld [tilespmem:s6+$0x9C40]  }
0x22b: {  	s8 =	smov.u32 s3;
	s7 =	sadd.s32 $0xFFFFFFFF, s7  }
.LBB2_29:
0x22c: {  	p0 =	sne.s32 s7, $0x1;
	s8 =	sadd.s32 $0x1, s8;
	s2 =	sadd.s32 $0x40, s2  }
0x22d: {  	s7 =	sadd.s32 $0xFFFFFFFF, s7;
	v7 =	vmax.bf16 v9, v7;
	v6 =	vmax.bf16 v8, v6  }
0x22e: {  	v5 =	vmax.bf16 v11, v5;
	[tilespmem:s6+$0x9C70] =	vst v6  }
0x22f: {  	v4 =	vmax.bf16 v10, v4;
	[tilespmem:s6+$0x9C50] =	vst v5  }
0x230: {  	[tilespmem:s6+$0x9C60] =	vst v7  }
0x231: {  	[tilespmem:s6+$0x9C40] =	vst v4  }
0x232: {  	v8 =	vld [tilespmem:s8+$0x0];
	_ =	sdelay $0x1  }
0x233: {  	v4 =	vld [tilespmem:s2+$0xFFFFFFE0]  }
0x234: {  	v5 =	vld [tilespmem:s2+$0xFFFFFFF0];
	s6 =	spop (v2sf)  }
0x235: {  	s6 =	sshll.u32 s6, $0x8;
	v6 =	vld [tilespmem:s2+$0x10]  }
.Ltmp26:
0x236: {  	s6 =	sshra.s32 s6, $0x2;
	v7 =	vld [tilespmem:s2+$0x0];
	(v2sf) =	vpush v8, $0x0;
	(pc) =	sbr.rel @p0 .LBB2_29-.Ltmp26, $4  }
0x237: {  	v8 =	vld [tilespmem:s6+$0x9C70]  }
0x238: {  	v9 =	vld [tilespmem:s6+$0x9C60]  }
0x239: {  	v11 =	vld [tilespmem:s6+$0x9C50]  }
0x23a: {  	v10 =	vld [tilespmem:s6+$0x9C40]  }
.Ltmp27:
0x23b: {  	_ = 	snop;
	(pc) =	sbr.rel .LBB2_30-.Ltmp27, $1  }
0x23c: {  	_ =	sdelay $0x3  }
.LBB2_34:
0x23d: {  	_ =	sfence.sel $0x180000  }
0x23e: {  	[bflag:$0x0] =	sbarrier.arrive $0xFFFF  }
0x23f: {  	_ =	strace $0x90000047  }
0x240: {  	s0 =	stileid.u32;
	[bflag:$0x2] =	sbarrier.arrive $0xFFFF  }
0x241: {  	p0 =	sne.s32 s0, $0x0;
	s0 =	rddreg [dreg:$0x3]  }
0x242: {  	s0 =	sadd.s32 @!p0 $0x100000, s0  }
0x243: {  	[sflag:s0] =	ssyncadd.tile.s32 @!p0 $0x1;
	_ =	shalt  }
.Lfunc_end2:
_tile_overlayer_lowered:
.L_overlay_start_2:
0x244: {  	(tag) =	ssettag $0x2  }
0x245: {  	s0 =	rddreg [dreg:$0x0];
	s2 =	stileid.u32  }
0x246: {  	s1 =	rddreg [dreg:$0x1];
	p0 =	sne.s32 s2, $0x0  }
0x247: {  	s3 =	rddreg [dreg:$0x2];
	[bflag:$0x3] =	sbarrier.arrive $0xFFFF;
	s2 =	simm.s32 @!p0 $0x1C07  }
0x248: {  	[timem:s3], [sflag:s2] =	dma.local @!p0 [hbm:s0], s1  }
0x249: {  	s0 =	simm.s32 @!p0 $0x7  }
0x24a: {  	_ =	swait.ge @!p0 [sflag:s0], s1  }
0x24b: {  	s1 =	ssub.s32 @!p0 $0x0, s1;
	[sflag:s0] =	ssyncset.done @!p0 $0x0  }
0x24c: {  	[sflag:s0] =	ssyncadd.s32 @!p0 s1  }
0x24d: {  	[bflag:$0x3] =	sbarrier.arrive $0xFFFF  }
0x24e: {  	_ =	shalt  }

</sc_bundles>
